<compile_context>
chip_gen: v7x
topology: tpu7x:2x2x1
jax: 0.10.2.dev20260603
libtpu: 0.0.44.dev20260713+nightly
codegen_flags: <defaults>
</compile_context>

<pallas_src>
import functools

import jax
import jax.numpy as jnp
from jax import lax
from jax.experimental import pallas as pl
from jax.experimental.pallas import tpu as pltpu
from jax.experimental.pallas import tpu_sc as plsc

N = 10000
E = 320000
D = 128
H = 128
CP = 16

NC = 2
NS = 16
NW = NC * NS
CHUNK = 128
CPW = 2 * -(-E // (NW * CHUNK * 2))
E_PAD = NW * CPW * CHUNK
PAD_ROWS = 240
NP = N + PAD_ROWS
RPT = NP // NS

_MESH = plsc.VectorSubcoreMesh(core_axis_name="c", subcore_axis_name="s")


def _sc_deg(dst_p, zeros1):

    @functools.partial(
        pl.kernel,
        mesh=_MESH,
        out_type=jax.ShapeDtypeStruct((NC, NP), jnp.float32),
        scratch_types=[
            pltpu.VMEM((CPW, CHUNK), jnp.int32),
            pltpu.VMEM((CHUNK,), jnp.float32),
            pltpu.VMEM((RPT,), jnp.float32),
            pltpu.VMEM((CHUNK,), jnp.int32),
            pltpu.VMEM_SHARED((NP,), jnp.float32),
            pltpu.SemaphoreType.DMA,
            pltpu.SemaphoreType.DMA,
        ],
    )
    def deg_kernel(dst_hbm, zeros_hbm, out_hbm, didx_all, ones_v, row_v, idx_w,
                   acc, sem0, sem1):
        cid = lax.axis_index("c")
        sid = lax.axis_index("s")
        wid = cid * NS + sid
        pltpu.sync_copy(dst_hbm.at[pl.ds(wid * CPW, CPW)], didx_all)
        for i in range(CHUNK // 16):
            ones_v[pl.ds(i * 16, 16)] = jnp.ones((16,), jnp.float32)
        pltpu.sync_copy(zeros_hbm.at[pl.ds(sid * RPT, RPT)], row_v)
        pltpu.sync_copy(row_v, acc.at[pl.ds(sid * RPT, RPT)])
        plsc.subcore_barrier()

        def body(jj, carry):
            h0 = pltpu.async_copy(ones_v, acc.at[didx_all.at[2 * jj]],
                                  sem0, add=True)
            h1 = pltpu.async_copy(ones_v, acc.at[didx_all.at[2 * jj + 1]],
                                  sem1, add=True)
            h0.wait()
            h1.wait()
            return carry

        lax.fori_loop(0, CPW // 2, body, 0)
        plsc.subcore_barrier()
        pltpu.sync_copy(acc.at[pl.ds(sid * RPT, RPT)], row_v)
        pltpu.sync_copy(row_v, out_hbm.at[cid, pl.ds(sid * RPT, RPT)])

    return deg_kernel(dst_p, zeros1)


def _make_sc_agg(F, table_in_spmem=False, tc_tiling=None):

    scratch = [
        pltpu.VMEM((CPW * CHUNK,), jnp.int32),
        pltpu.VMEM((CPW // 2, CHUNK), jnp.int32),
        pltpu.VMEM((CHUNK, F), jnp.float32),
        pltpu.VMEM((CHUNK, F), jnp.float32),
        pltpu.VMEM_SHARED((NP, F), jnp.float32),
        pltpu.SemaphoreType.DMA,
        pltpu.SemaphoreType.DMA,
        pltpu.SemaphoreType.DMA,
        pltpu.SemaphoreType.DMA,
    ]
    if table_in_spmem:
        scratch.append(pltpu.VMEM_SHARED((NP, F), jnp.float32))

    cparams = (None if tc_tiling is None
               else pltpu.CompilerParams(use_tc_tiling_on_sc=tc_tiling))

    @functools.partial(
        pl.kernel,
        mesh=_MESH,
        out_type=jax.ShapeDtypeStruct((NC, NP, F), jnp.float32),
        scratch_types=scratch,
        compiler_params=cparams,
    )
    def agg_kernel(table_hbm, src_hbm, dst_hbm, zeros_hbm, out_hbm,
                   sidx_all, didx_all, rows0, rows1, acc,
                   sem0, sem1, sem2, sem3, *rest):
        cid = lax.axis_index("c")
        sid = lax.axis_index("s")
        wid = cid * NS + sid
        pltpu.sync_copy(src_hbm.at[pl.ds(wid * CPW * CHUNK, CPW * CHUNK)],
                        sidx_all)
        for i in range(RPT // CHUNK):
            r0 = sid * RPT + i * CHUNK
            pltpu.sync_copy(zeros_hbm.at[pl.ds(r0, CHUNK)], rows0)
            pltpu.sync_copy(rows0, acc.at[pl.ds(r0, CHUNK)])
            if table_in_spmem:
                pltpu.sync_copy(table_hbm.at[pl.ds(r0, CHUNK)], rows1)
                pltpu.sync_copy(rows1, rest[0].at[pl.ds(r0, CHUNK)])
        table_hbm = rest[0] if table_in_spmem else table_hbm
        plsc.subcore_barrier()

        cpp = CPW // 2
        for phase in range(2):
            pltpu.sync_copy(
                dst_hbm.at[pl.ds(wid * CPW + phase * cpp, cpp)], didx_all)

            def body(jj, carry):
                off0 = (phase * cpp + 2 * jj) * CHUNK
                h0 = pltpu.async_copy(
                    table_hbm.at[sidx_all.at[pl.ds(off0, CHUNK)]], rows0, sem0)
                h1 = pltpu.async_copy(
                    table_hbm.at[sidx_all.at[pl.ds(off0 + CHUNK, CHUNK)]],
                    rows1, sem1)
                h0.wait()
                s0 = pltpu.async_copy(rows0, acc.at[didx_all.at[2 * jj]],
                                      sem2, add=True)
                h1.wait()
                s1 = pltpu.async_copy(rows1, acc.at[didx_all.at[2 * jj + 1]],
                                      sem3, add=True)
                s0.wait()
                s1.wait()
                return carry

            lax.fori_loop(0, cpp // 2, body, 0)
        plsc.subcore_barrier()
        for i in range(RPT // CHUNK):
            r0 = sid * RPT + i * CHUNK
            pltpu.sync_copy(acc.at[pl.ds(r0, CHUNK)], rows0)
            pltpu.sync_copy(rows0, out_hbm.at[cid, pl.ds(r0, CHUNK)])

    return agg_kernel


def _tc_mm(x, W1):

    def body(x_ref, w_ref, h_ref):
        h_ref[...] = jnp.dot(x_ref[...], w_ref[...],
                             preferred_element_type=jnp.float32)

    return pl.pallas_call(
        body,
        out_shape=jax.ShapeDtypeStruct((N, D), jnp.float32),
    )(x, W1)


def _tc_scale(h, deg_t):

    def body(h_ref, d_ref, g_ref, dis_ref):
        d = d_ref[...]
        dis = lax.rsqrt(d[:, 0:1] + d[:, 1:2] + 1.0)
        dis_ref[...] = dis
        g_ref[pl.ds(0, N), :] = h_ref[...] * dis[:N]
        g_ref[pl.ds(N, PAD_ROWS), :] = jnp.zeros((PAD_ROWS, D), jnp.float32)

    return pl.pallas_call(
        body,
        out_shape=(
            jax.ShapeDtypeStruct((NP, D), jnp.float32),
            jax.ShapeDtypeStruct((NP, 1), jnp.float32),
        ),
    )(h, deg_t)


def _tc_mid(acc1, g, dis, b1r, W2p):
    def body(a_ref, g_ref, dis_ref, b_ref, w_ref, z_ref):
        s = a_ref[0] + a_ref[1] + g_ref[...]
        y = s * dis_ref[...] + b_ref[...]
        h1 = jnp.maximum(y, 0.0)
        z_ref[...] = jnp.dot(h1, w_ref[...],
                             preferred_element_type=jnp.float32) * dis_ref[...]

    return pl.pallas_call(
        body,
        out_shape=jax.ShapeDtypeStruct((NP, CP), jnp.float32),
    )(acc1, g, dis, b1r, W2p)


def _tc_out(acc2, z2, dis, b2r):
    def body(a_ref, z_ref, dis_ref, b_ref, o_ref):
        s = (a_ref[0] + a_ref[1] + z_ref[...]) * dis_ref[...]
        y = s[:N, 0:2] + b_ref[...]
        m = jnp.max(y, axis=1, keepdims=True)
        e = jnp.exp(y - m)
        lse = m + jnp.log(e[:, 0:1] + e[:, 1:2])
        o_ref[...] = y - lse

    return pl.pallas_call(
        body,
        out_shape=jax.ShapeDtypeStruct((N, 2), jnp.float32),
    )(acc2, z2, dis, b2r)


_agg_wide = _make_sc_agg(D)
_agg_narrow = _make_sc_agg(CP, tc_tiling=False)


def kernel(x, edge_index, W1, b1, W2, b2):
    pad = N + (jnp.arange(E_PAD - E, dtype=jnp.int32) % PAD_ROWS)
    src_p = jnp.concatenate([edge_index[0], pad])
    dst_p = jnp.concatenate([edge_index[1], pad]).reshape(NW * CPW, CHUNK)
    zeros1 = jnp.zeros((NP,), jnp.float32)
    zerosD = jnp.zeros((NP, D), jnp.float32)
    zerosC = jnp.zeros((NP, CP), jnp.float32)
    W2p = jnp.pad(W2, ((0, 0), (0, CP - W2.shape[1])))
    b1r = b1.reshape(1, H)
    b2r = b2.reshape(1, 2)

    deg2 = _sc_deg(dst_p, zeros1)
    h = _tc_mm(x, W1)
    g, dis = _tc_scale(h, deg2.T)
    acc1 = _agg_wide(g, src_p, dst_p, zerosD)
    z2 = _tc_mid(acc1, g, dis, b1r, W2p)
    acc2 = _agg_narrow(z2, src_p, dst_p, zerosC)
    return _tc_out(acc2, z2, dis, b2r)

# --- scband reference (transcript-rebuilt; emitter-appended) ---
"""Pipeline reference for scband-gcn-48223892799501 (READ-ONLY COPY).

The authoritative reference and input builder live on the scoring server;
editing this copy changes nothing except your own understanding.
"""

import jax, jax.numpy as jnp
import numpy as np

N = 10000
E = 320000
D = 128
H = 128
C = 2


def setup_inputs(seed: int = 0) -> dict:
    key = jax.random.key(seed)
    k1, k2, k3, k4, k5, k6 = jax.random.split(key, 6)
    x = jax.random.normal(k1, (N, D), dtype=jnp.float32)
    edge_index = jax.random.randint(k2, (2, E), 0, N, dtype=jnp.int32)
    W1 = jax.random.normal(k3, (D, H), dtype=jnp.float32) * (1.0 / np.sqrt(D))
    b1 = jnp.zeros((H,), dtype=jnp.float32)
    W2 = jax.random.normal(k4, (H, C), dtype=jnp.float32) * (1.0 / np.sqrt(H))
    b2 = jnp.zeros((C,), dtype=jnp.float32)
    return {"x": x, "edge_index": edge_index, "W1": W1, "b1": b1, "W2": W2, "b2": b2}


def _gcn_conv(x, edge_index, W, b):
    # Faithful PyG GCNConv: linear transform, add self-loops, symmetric norm, scatter-add, bias.
    n = x.shape[0]
    h = x @ W
    loop = jnp.arange(n, dtype=edge_index.dtype)
    src = jnp.concatenate([edge_index[0], loop])
    dst = jnp.concatenate([edge_index[1], loop])
    ones = jnp.ones(src.shape[0], dtype=h.dtype)
    deg = jnp.zeros((n,), dtype=h.dtype).at[dst].add(ones)
    deg_inv_sqrt = jnp.where(deg > 0, deg ** -0.5, 0.0)
    norm = deg_inv_sqrt[src] * deg_inv_sqrt[dst]
    msg = h[src] * norm[:, None]
    out = jnp.zeros((n, h.shape[1]), dtype=h.dtype).at[dst].add(msg)
    return out + b


def reference(x, edge_index, W1, b1, W2, b2):
    # GCN forward (eval mode: dropout=0.0, batch_norm=False, num_layers=2)
    h = _gcn_conv(x, edge_index, W1, b1)
    h = jax.nn.relu(h)
    out = _gcn_conv(h, edge_index, W2, b2)
    return jax.nn.log_softmax(out, axis=-1)

if __name__ == "__main__":
    import jax
    _d = setup_inputs()
    print(jax.jit(kernel)(*tuple(_d.values())))

</pallas_src>

<mosaic_0001>
#map = affine_map<(d0, d1) -> (0, 0)>
#map1 = affine_map<(d0, d1) -> (0)>
#map2 = affine_map<(d0, d1) -> (0, 0, 0)>
module attributes {stable_mosaic.version = 14 : i64} {
  func.func @agg_kernel(%arg0: i32, %arg1: i32, %arg2: memref<10240x16xf32, #tpu.memory_space<hbm>>, %arg3: memref<327680xi32, #tpu.memory_space<hbm>>, %arg4: memref<2560x128xi32, #tpu.memory_space<hbm>>, %arg5: memref<10240x16xf32, #tpu.memory_space<hbm>>, %arg6: memref<2x10240x16xf32, #tpu.memory_space<hbm>>, %arg7: memref<10240xi32, #tpu.memory_space<vmem>>, %arg8: memref<40x128xi32, #tpu.memory_space<vmem>>, %arg9: memref<128x16xf32, #tpu.memory_space<vmem>>, %arg10: memref<128x16xf32, #tpu.memory_space<vmem>>, %arg11: memref<10240x16xf32, #tpu.memory_space<vmem_shared>>, %arg12: memref<!tpu.dma_semaphore, #tpu.memory_space<semaphore_mem>>, %arg13: memref<!tpu.dma_semaphore, #tpu.memory_space<semaphore_mem>>, %arg14: memref<!tpu.dma_semaphore, #tpu.memory_space<semaphore_mem>>, %arg15: memref<!tpu.dma_semaphore, #tpu.memory_space<semaphore_mem>>) attributes {dimension_semantics = [#tpu.dimension_semantics<core_parallel>, #tpu.dimension_semantics<subcore_parallel>], iteration_bounds = array<i64: 2, 16>, scalar_prefetch = 0 : i64, scratch_operands = 9 : i64, tpu.core_type = #tpu.core_type<sc_vector_subcore>, window_params = [{transform_indices = #map}, {transform_indices = #map1}, {transform_indices = #map}, {transform_indices = #map}, {transform_indices = #map2}]} {
    %mul3A = arith.constant 16 : i32
    %mul3A_0 = arith.muli %arg0, %mul3A : i32
    %add3A = arith.addi %mul3A_0, %arg1 : i32
    %mul3A_1 = arith.constant 80 : i32
    %mul3A_2 = arith.muli %add3A, %mul3A_1 : i32
    %mul3A_3 = arith.constant 128 : i32
    %mul3A_4 = arith.muli %mul3A_2, %mul3A_3 : i32
    "tpu.region"() ({
      %run_scoped3A = tpu.sem_alloc : memref<!tpu.dma_semaphore, #tpu.memory_space<semaphore_mem>>
      %dma_start3A = tpu.memref_slice %arg3[%mul3A_4] : memref<327680xi32, #tpu.memory_space<hbm>> -> memref<10240xi32, #tpu.memory_space<hbm>>
      %dma_start3A_65 = tpu.memref_slice %arg3[%mul3A_4] : memref<327680xi32, #tpu.memory_space<hbm>> -> memref<10240xi32, #tpu.memory_space<hbm>>
      tpu.enqueue_dma source(%dma_start3A_65 : memref<10240xi32, #tpu.memory_space<hbm>>) target(%arg7 : memref<10240xi32, #tpu.memory_space<vmem>>) target_semaphore(%run_scoped3A : memref<!tpu.dma_semaphore, #tpu.memory_space<semaphore_mem>>)
      %dma_wait3A = tpu.memref_slice %arg3[%mul3A_4] : memref<327680xi32, #tpu.memory_space<hbm>> -> memref<10240xi32, #tpu.memory_space<hbm>>
      %dma_wait3A_66 = tpu.memref_slice %arg3[%mul3A_4] : memref<327680xi32, #tpu.memory_space<hbm>> -> memref<10240xi32, #tpu.memory_space<hbm>>
      tpu.wait_dma2 semaphore(%run_scoped3A : memref<!tpu.dma_semaphore, #tpu.memory_space<semaphore_mem>>) src(%dma_wait3A_66 : memref<10240xi32, #tpu.memory_space<hbm>>) dst(%arg7 : memref<10240xi32, #tpu.memory_space<vmem>>)
      tpu.yield
    }) : () -> ()
    %mul3A_5 = arith.constant 640 : i32
    %mul3A_6 = arith.muli %arg1, %mul3A_5 : i32
    %add3A_7 = arith.constant 0 : i32
    %add3A_8 = arith.addi %mul3A_6, %add3A_7 : i32
    "tpu.region"() ({
      %run_scoped3A = tpu.sem_alloc : memref<!tpu.dma_semaphore, #tpu.memory_space<semaphore_mem>>
      %dma_start3A = arith.constant 0 : i32
      %dma_start3A_65 = tpu.memref_slice %arg5[%add3A_8, %dma_start3A] : memref<10240x16xf32, #tpu.memory_space<hbm>> -> memref<128x16xf32, #tpu.memory_space<hbm>>
      %dma_start3A_66 = arith.constant 0 : i32
      %dma_start3A_67 = tpu.memref_slice %arg5[%add3A_8, %dma_start3A_66] : memref<10240x16xf32, #tpu.memory_space<hbm>> -> memref<128x16xf32, #tpu.memory_space<hbm>>
      tpu.enqueue_dma source(%dma_start3A_67 : memref<128x16xf32, #tpu.memory_space<hbm>>) target(%arg9 : memref<128x16xf32, #tpu.memory_space<vmem>>) target_semaphore(%run_scoped3A : memref<!tpu.dma_semaphore, #tpu.memory_space<semaphore_mem>>)
      %dma_wait3A = arith.constant 0 : i32
      %dma_wait3A_68 = tpu.memref_slice %arg5[%add3A_8, %dma_wait3A] : memref<10240x16xf32, #tpu.memory_space<hbm>> -> memref<128x16xf32, #tpu.memory_space<hbm>>
      %dma_wait3A_69 = arith.constant 0 : i32
      %dma_wait3A_70 = tpu.memref_slice %arg5[%add3A_8, %dma_wait3A_69] : memref<10240x16xf32, #tpu.memory_space<hbm>> -> memref<128x16xf32, #tpu.memory_space<hbm>>
      tpu.wait_dma2 semaphore(%run_scoped3A : memref<!tpu.dma_semaphore, #tpu.memory_space<semaphore_mem>>) src(%dma_wait3A_70 : memref<128x16xf32, #tpu.memory_space<hbm>>) dst(%arg9 : memref<128x16xf32, #tpu.memory_space<vmem>>)
      tpu.yield
    }) : () -> ()
    "tpu.region"() ({
      %run_scoped3A = tpu.sem_alloc : memref<!tpu.dma_semaphore, #tpu.memory_space<semaphore_mem>>
      %dma_start3A = arith.constant 0 : i32
      %dma_start3A_65 = tpu.memref_slice %arg11[%add3A_8, %dma_start3A] : memref<10240x16xf32, #tpu.memory_space<vmem_shared>> -> memref<128x16xf32, #tpu.memory_space<vmem_shared>>
      %dma_start3A_66 = arith.constant 0 : i32
      %dma_start3A_67 = tpu.memref_slice %arg11[%add3A_8, %dma_start3A_66] : memref<10240x16xf32, #tpu.memory_space<vmem_shared>> -> memref<128x16xf32, #tpu.memory_space<vmem_shared>>
      tpu.enqueue_dma source(%arg9 : memref<128x16xf32, #tpu.memory_space<vmem>>) target(%dma_start3A_67 : memref<128x16xf32, #tpu.memory_space<vmem_shared>>) target_semaphore(%run_scoped3A : memref<!tpu.dma_semaphore, #tpu.memory_space<semaphore_mem>>)
      %dma_wait3A = arith.constant 0 : i32
      %dma_wait3A_68 = tpu.memref_slice %arg11[%add3A_8, %dma_wait3A] : memref<10240x16xf32, #tpu.memory_space<vmem_shared>> -> memref<128x16xf32, #tpu.memory_space<vmem_shared>>
      %dma_wait3A_69 = arith.constant 0 : i32
      %dma_wait3A_70 = tpu.memref_slice %arg11[%add3A_8, %dma_wait3A_69] : memref<10240x16xf32, #tpu.memory_space<vmem_shared>> -> memref<128x16xf32, #tpu.memory_space<vmem_shared>>
      tpu.wait_dma2 semaphore(%run_scoped3A : memref<!tpu.dma_semaphore, #tpu.memory_space<semaphore_mem>>) src(%arg9 : memref<128x16xf32, #tpu.memory_space<vmem>>) dst(%dma_wait3A_70 : memref<128x16xf32, #tpu.memory_space<vmem_shared>>)
      tpu.yield
    }) : () -> ()
    %mul3A_9 = arith.constant 640 : i32
    %mul3A_10 = arith.muli %arg1, %mul3A_9 : i32
    %add3A_11 = arith.constant 128 : i32
    %add3A_12 = arith.addi %mul3A_10, %add3A_11 : i32
    "tpu.region"() ({
      %run_scoped3A = tpu.sem_alloc : memref<!tpu.dma_semaphore, #tpu.memory_space<semaphore_mem>>
      %dma_start3A = arith.constant 0 : i32
      %dma_start3A_65 = tpu.memref_slice %arg5[%add3A_12, %dma_start3A] : memref<10240x16xf32, #tpu.memory_space<hbm>> -> memref<128x16xf32, #tpu.memory_space<hbm>>
      %dma_start3A_66 = arith.constant 0 : i32
      %dma_start3A_67 = tpu.memref_slice %arg5[%add3A_12, %dma_start3A_66] : memref<10240x16xf32, #tpu.memory_space<hbm>> -> memref<128x16xf32, #tpu.memory_space<hbm>>
      tpu.enqueue_dma source(%dma_start3A_67 : memref<128x16xf32, #tpu.memory_space<hbm>>) target(%arg9 : memref<128x16xf32, #tpu.memory_space<vmem>>) target_semaphore(%run_scoped3A : memref<!tpu.dma_semaphore, #tpu.memory_space<semaphore_mem>>)
      %dma_wait3A = arith.constant 0 : i32
      %dma_wait3A_68 = tpu.memref_slice %arg5[%add3A_12, %dma_wait3A] : memref<10240x16xf32, #tpu.memory_space<hbm>> -> memref<128x16xf32, #tpu.memory_space<hbm>>
      %dma_wait3A_69 = arith.constant 0 : i32
      %dma_wait3A_70 = tpu.memref_slice %arg5[%add3A_12, %dma_wait3A_69] : memref<10240x16xf32, #tpu.memory_space<hbm>> -> memref<128x16xf32, #tpu.memory_space<hbm>>
      tpu.wait_dma2 semaphore(%run_scoped3A : memref<!tpu.dma_semaphore, #tpu.memory_space<semaphore_mem>>) src(%dma_wait3A_70 : memref<128x16xf32, #tpu.memory_space<hbm>>) dst(%arg9 : memref<128x16xf32, #tpu.memory_space<vmem>>)
      tpu.yield
    }) : () -> ()
    "tpu.region"() ({
      %run_scoped3A = tpu.sem_alloc : memref<!tpu.dma_semaphore, #tpu.memory_space<semaphore_mem>>
      %dma_start3A = arith.constant 0 : i32
      %dma_start3A_65 = tpu.memref_slice %arg11[%add3A_12, %dma_start3A] : memref<10240x16xf32, #tpu.memory_space<vmem_shared>> -> memref<128x16xf32, #tpu.memory_space<vmem_shared>>
      %dma_start3A_66 = arith.constant 0 : i32
      %dma_start3A_67 = tpu.memref_slice %arg11[%add3A_12, %dma_start3A_66] : memref<10240x16xf32, #tpu.memory_space<vmem_shared>> -> memref<128x16xf32, #tpu.memory_space<vmem_shared>>
      tpu.enqueue_dma source(%arg9 : memref<128x16xf32, #tpu.memory_space<vmem>>) target(%dma_start3A_67 : memref<128x16xf32, #tpu.memory_space<vmem_shared>>) target_semaphore(%run_scoped3A : memref<!tpu.dma_semaphore, #tpu.memory_space<semaphore_mem>>)
      %dma_wait3A = arith.constant 0 : i32
      %dma_wait3A_68 = tpu.memref_slice %arg11[%add3A_12, %dma_wait3A] : memref<10240x16xf32, #tpu.memory_space<vmem_shared>> -> memref<128x16xf32, #tpu.memory_space<vmem_shared>>
      %dma_wait3A_69 = arith.constant 0 : i32
      %dma_wait3A_70 = tpu.memref_slice %arg11[%add3A_12, %dma_wait3A_69] : memref<10240x16xf32, #tpu.memory_space<vmem_shared>> -> memref<128x16xf32, #tpu.memory_space<vmem_shared>>
      tpu.wait_dma2 semaphore(%run_scoped3A : memref<!tpu.dma_semaphore, #tpu.memory_space<semaphore_mem>>) src(%arg9 : memref<128x16xf32, #tpu.memory_space<vmem>>) dst(%dma_wait3A_70 : memref<128x16xf32, #tpu.memory_space<vmem_shared>>)
      tpu.yield
    }) : () -> ()
    %mul3A_13 = arith.constant 640 : i32
    %mul3A_14 = arith.muli %arg1, %mul3A_13 : i32
    %add3A_15 = arith.constant 256 : i32
    %add3A_16 = arith.addi %mul3A_14, %add3A_15 : i32
    "tpu.region"() ({
      %run_scoped3A = tpu.sem_alloc : memref<!tpu.dma_semaphore, #tpu.memory_space<semaphore_mem>>
      %dma_start3A = arith.constant 0 : i32
      %dma_start3A_65 = tpu.memref_slice %arg5[%add3A_16, %dma_start3A] : memref<10240x16xf32, #tpu.memory_space<hbm>> -> memref<128x16xf32, #tpu.memory_space<hbm>>
      %dma_start3A_66 = arith.constant 0 : i32
      %dma_start3A_67 = tpu.memref_slice %arg5[%add3A_16, %dma_start3A_66] : memref<10240x16xf32, #tpu.memory_space<hbm>> -> memref<128x16xf32, #tpu.memory_space<hbm>>
      tpu.enqueue_dma source(%dma_start3A_67 : memref<128x16xf32, #tpu.memory_space<hbm>>) target(%arg9 : memref<128x16xf32, #tpu.memory_space<vmem>>) target_semaphore(%run_scoped3A : memref<!tpu.dma_semaphore, #tpu.memory_space<semaphore_mem>>)
      %dma_wait3A = arith.constant 0 : i32
      %dma_wait3A_68 = tpu.memref_slice %arg5[%add3A_16, %dma_wait3A] : memref<10240x16xf32, #tpu.memory_space<hbm>> -> memref<128x16xf32, #tpu.memory_space<hbm>>
      %dma_wait3A_69 = arith.constant 0 : i32
      %dma_wait3A_70 = tpu.memref_slice %arg5[%add3A_16, %dma_wait3A_69] : memref<10240x16xf32, #tpu.memory_space<hbm>> -> memref<128x16xf32, #tpu.memory_space<hbm>>
      tpu.wait_dma2 semaphore(%run_scoped3A : memref<!tpu.dma_semaphore, #tpu.memory_space<semaphore_mem>>) src(%dma_wait3A_70 : memref<128x16xf32, #tpu.memory_space<hbm>>) dst(%arg9 : memref<128x16xf32, #tpu.memory_space<vmem>>)
      tpu.yield
    }) : () -> ()
    "tpu.region"() ({
      %run_scoped3A = tpu.sem_alloc : memref<!tpu.dma_semaphore, #tpu.memory_space<semaphore_mem>>
      %dma_start3A = arith.constant 0 : i32
      %dma_start3A_65 = tpu.memref_slice %arg11[%add3A_16, %dma_start3A] : memref<10240x16xf32, #tpu.memory_space<vmem_shared>> -> memref<128x16xf32, #tpu.memory_space<vmem_shared>>
      %dma_start3A_66 = arith.constant 0 : i32
      %dma_start3A_67 = tpu.memref_slice %arg11[%add3A_16, %dma_start3A_66] : memref<10240x16xf32, #tpu.memory_space<vmem_shared>> -> memref<128x16xf32, #tpu.memory_space<vmem_shared>>
      tpu.enqueue_dma source(%arg9 : memref<128x16xf32, #tpu.memory_space<vmem>>) target(%dma_start3A_67 : memref<128x16xf32, #tpu.memory_space<vmem_shared>>) target_semaphore(%run_scoped3A : memref<!tpu.dma_semaphore, #tpu.memory_space<semaphore_mem>>)
      %dma_wait3A = arith.constant 0 : i32
      %dma_wait3A_68 = tpu.memref_slice %arg11[%add3A_16, %dma_wait3A] : memref<10240x16xf32, #tpu.memory_space<vmem_shared>> -> memref<128x16xf32, #tpu.memory_space<vmem_shared>>
      %dma_wait3A_69 = arith.constant 0 : i32
      %dma_wait3A_70 = tpu.memref_slice %arg11[%add3A_16, %dma_wait3A_69] : memref<10240x16xf32, #tpu.memory_space<vmem_shared>> -> memref<128x16xf32, #tpu.memory_space<vmem_shared>>
      tpu.wait_dma2 semaphore(%run_scoped3A : memref<!tpu.dma_semaphore, #tpu.memory_space<semaphore_mem>>) src(%arg9 : memref<128x16xf32, #tpu.memory_space<vmem>>) dst(%dma_wait3A_70 : memref<128x16xf32, #tpu.memory_space<vmem_shared>>)
      tpu.yield
    }) : () -> ()
    %mul3A_17 = arith.constant 640 : i32
    %mul3A_18 = arith.muli %arg1, %mul3A_17 : i32
    %add3A_19 = arith.constant 384 : i32
    %add3A_20 = arith.addi %mul3A_18, %add3A_19 : i32
    "tpu.region"() ({
      %run_scoped3A = tpu.sem_alloc : memref<!tpu.dma_semaphore, #tpu.memory_space<semaphore_mem>>
      %dma_start3A = arith.constant 0 : i32
      %dma_start3A_65 = tpu.memref_slice %arg5[%add3A_20, %dma_start3A] : memref<10240x16xf32, #tpu.memory_space<hbm>> -> memref<128x16xf32, #tpu.memory_space<hbm>>
      %dma_start3A_66 = arith.constant 0 : i32
      %dma_start3A_67 = tpu.memref_slice %arg5[%add3A_20, %dma_start3A_66] : memref<10240x16xf32, #tpu.memory_space<hbm>> -> memref<128x16xf32, #tpu.memory_space<hbm>>
      tpu.enqueue_dma source(%dma_start3A_67 : memref<128x16xf32, #tpu.memory_space<hbm>>) target(%arg9 : memref<128x16xf32, #tpu.memory_space<vmem>>) target_semaphore(%run_scoped3A : memref<!tpu.dma_semaphore, #tpu.memory_space<semaphore_mem>>)
      %dma_wait3A = arith.constant 0 : i32
      %dma_wait3A_68 = tpu.memref_slice %arg5[%add3A_20, %dma_wait3A] : memref<10240x16xf32, #tpu.memory_space<hbm>> -> memref<128x16xf32, #tpu.memory_space<hbm>>
      %dma_wait3A_69 = arith.constant 0 : i32
      %dma_wait3A_70 = tpu.memref_slice %arg5[%add3A_20, %dma_wait3A_69] : memref<10240x16xf32, #tpu.memory_space<hbm>> -> memref<128x16xf32, #tpu.memory_space<hbm>>
      tpu.wait_dma2 semaphore(%run_scoped3A : memref<!tpu.dma_semaphore, #tpu.memory_space<semaphore_mem>>) src(%dma_wait3A_70 : memref<128x16xf32, #tpu.memory_space<hbm>>) dst(%arg9 : memref<128x16xf32, #tpu.memory_space<vmem>>)
      tpu.yield
    }) : () -> ()
    "tpu.region"() ({
      %run_scoped3A = tpu.sem_alloc : memref<!tpu.dma_semaphore, #tpu.memory_space<semaphore_mem>>
      %dma_start3A = arith.constant 0 : i32
      %dma_start3A_65 = tpu.memref_slice %arg11[%add3A_20, %dma_start3A] : memref<10240x16xf32, #tpu.memory_space<vmem_shared>> -> memref<128x16xf32, #tpu.memory_space<vmem_shared>>
      %dma_start3A_66 = arith.constant 0 : i32
      %dma_start3A_67 = tpu.memref_slice %arg11[%add3A_20, %dma_start3A_66] : memref<10240x16xf32, #tpu.memory_space<vmem_shared>> -> memref<128x16xf32, #tpu.memory_space<vmem_shared>>
      tpu.enqueue_dma source(%arg9 : memref<128x16xf32, #tpu.memory_space<vmem>>) target(%dma_start3A_67 : memref<128x16xf32, #tpu.memory_space<vmem_shared>>) target_semaphore(%run_scoped3A : memref<!tpu.dma_semaphore, #tpu.memory_space<semaphore_mem>>)
      %dma_wait3A = arith.constant 0 : i32
      %dma_wait3A_68 = tpu.memref_slice %arg11[%add3A_20, %dma_wait3A] : memref<10240x16xf32, #tpu.memory_space<vmem_shared>> -> memref<128x16xf32, #tpu.memory_space<vmem_shared>>
      %dma_wait3A_69 = arith.constant 0 : i32
      %dma_wait3A_70 = tpu.memref_slice %arg11[%add3A_20, %dma_wait3A_69] : memref<10240x16xf32, #tpu.memory_space<vmem_shared>> -> memref<128x16xf32, #tpu.memory_space<vmem_shared>>
      tpu.wait_dma2 semaphore(%run_scoped3A : memref<!tpu.dma_semaphore, #tpu.memory_space<semaphore_mem>>) src(%arg9 : memref<128x16xf32, #tpu.memory_space<vmem>>) dst(%dma_wait3A_70 : memref<128x16xf32, #tpu.memory_space<vmem_shared>>)
      tpu.yield
    }) : () -> ()
    %mul3A_21 = arith.constant 640 : i32
    %mul3A_22 = arith.muli %arg1, %mul3A_21 : i32
    %add3A_23 = arith.constant 512 : i32
    %add3A_24 = arith.addi %mul3A_22, %add3A_23 : i32
    "tpu.region"() ({
      %run_scoped3A = tpu.sem_alloc : memref<!tpu.dma_semaphore, #tpu.memory_space<semaphore_mem>>
      %dma_start3A = arith.constant 0 : i32
      %dma_start3A_65 = tpu.memref_slice %arg5[%add3A_24, %dma_start3A] : memref<10240x16xf32, #tpu.memory_space<hbm>> -> memref<128x16xf32, #tpu.memory_space<hbm>>
      %dma_start3A_66 = arith.constant 0 : i32
      %dma_start3A_67 = tpu.memref_slice %arg5[%add3A_24, %dma_start3A_66] : memref<10240x16xf32, #tpu.memory_space<hbm>> -> memref<128x16xf32, #tpu.memory_space<hbm>>
      tpu.enqueue_dma source(%dma_start3A_67 : memref<128x16xf32, #tpu.memory_space<hbm>>) target(%arg9 : memref<128x16xf32, #tpu.memory_space<vmem>>) target_semaphore(%run_scoped3A : memref<!tpu.dma_semaphore, #tpu.memory_space<semaphore_mem>>)
      %dma_wait3A = arith.constant 0 : i32
      %dma_wait3A_68 = tpu.memref_slice %arg5[%add3A_24, %dma_wait3A] : memref<10240x16xf32, #tpu.memory_space<hbm>> -> memref<128x16xf32, #tpu.memory_space<hbm>>
      %dma_wait3A_69 = arith.constant 0 : i32
      %dma_wait3A_70 = tpu.memref_slice %arg5[%add3A_24, %dma_wait3A_69] : memref<10240x16xf32, #tpu.memory_space<hbm>> -> memref<128x16xf32, #tpu.memory_space<hbm>>
      tpu.wait_dma2 semaphore(%run_scoped3A : memref<!tpu.dma_semaphore, #tpu.memory_space<semaphore_mem>>) src(%dma_wait3A_70 : memref<128x16xf32, #tpu.memory_space<hbm>>) dst(%arg9 : memref<128x16xf32, #tpu.memory_space<vmem>>)
      tpu.yield
    }) : () -> ()
    "tpu.region"() ({
      %run_scoped3A = tpu.sem_alloc : memref<!tpu.dma_semaphore, #tpu.memory_space<semaphore_mem>>
      %dma_start3A = arith.constant 0 : i32
      %dma_start3A_65 = tpu.memref_slice %arg11[%add3A_24, %dma_start3A] : memref<10240x16xf32, #tpu.memory_space<vmem_shared>> -> memref<128x16xf32, #tpu.memory_space<vmem_shared>>
      %dma_start3A_66 = arith.constant 0 : i32
      %dma_start3A_67 = tpu.memref_slice %arg11[%add3A_24, %dma_start3A_66] : memref<10240x16xf32, #tpu.memory_space<vmem_shared>> -> memref<128x16xf32, #tpu.memory_space<vmem_shared>>
      tpu.enqueue_dma source(%arg9 : memref<128x16xf32, #tpu.memory_space<vmem>>) target(%dma_start3A_67 : memref<128x16xf32, #tpu.memory_space<vmem_shared>>) target_semaphore(%run_scoped3A : memref<!tpu.dma_semaphore, #tpu.memory_space<semaphore_mem>>)
      %dma_wait3A = arith.constant 0 : i32
      %dma_wait3A_68 = tpu.memref_slice %arg11[%add3A_24, %dma_wait3A] : memref<10240x16xf32, #tpu.memory_space<vmem_shared>> -> memref<128x16xf32, #tpu.memory_space<vmem_shared>>
      %dma_wait3A_69 = arith.constant 0 : i32
      %dma_wait3A_70 = tpu.memref_slice %arg11[%add3A_24, %dma_wait3A_69] : memref<10240x16xf32, #tpu.memory_space<vmem_shared>> -> memref<128x16xf32, #tpu.memory_space<vmem_shared>>
      tpu.wait_dma2 semaphore(%run_scoped3A : memref<!tpu.dma_semaphore, #tpu.memory_space<semaphore_mem>>) src(%arg9 : memref<128x16xf32, #tpu.memory_space<vmem>>) dst(%dma_wait3A_70 : memref<128x16xf32, #tpu.memory_space<vmem_shared>>)
      tpu.yield
    }) : () -> ()
    %barrier3A = arith.constant 0 : index
    tpu.barrier barrier_id(%barrier3A)
    %mul3A_25 = arith.constant 80 : i32
    %mul3A_26 = arith.muli %add3A, %mul3A_25 : i32
    %add3A_27 = arith.constant 0 : i32
    %add3A_28 = arith.addi %mul3A_26, %add3A_27 : i32
    "tpu.region"() ({
      %run_scoped3A = tpu.sem_alloc : memref<!tpu.dma_semaphore, #tpu.memory_space<semaphore_mem>>
      %dma_start3A = arith.constant 0 : i32
      %dma_start3A_65 = tpu.memref_slice %arg4[%add3A_28, %dma_start3A] : memref<2560x128xi32, #tpu.memory_space<hbm>> -> memref<40x128xi32, #tpu.memory_space<hbm>>
      %dma_start3A_66 = arith.constant 0 : i32
      %dma_start3A_67 = tpu.memref_slice %arg4[%add3A_28, %dma_start3A_66] : memref<2560x128xi32, #tpu.memory_space<hbm>> -> memref<40x128xi32, #tpu.memory_space<hbm>>
      tpu.enqueue_dma source(%dma_start3A_67 : memref<40x128xi32, #tpu.memory_space<hbm>>) target(%arg8 : memref<40x128xi32, #tpu.memory_space<vmem>>) target_semaphore(%run_scoped3A : memref<!tpu.dma_semaphore, #tpu.memory_space<semaphore_mem>>)
      %dma_wait3A = arith.constant 0 : i32
      %dma_wait3A_68 = tpu.memref_slice %arg4[%add3A_28, %dma_wait3A] : memref<2560x128xi32, #tpu.memory_space<hbm>> -> memref<40x128xi32, #tpu.memory_space<hbm>>
      %dma_wait3A_69 = arith.constant 0 : i32
      %dma_wait3A_70 = tpu.memref_slice %arg4[%add3A_28, %dma_wait3A_69] : memref<2560x128xi32, #tpu.memory_space<hbm>> -> memref<40x128xi32, #tpu.memory_space<hbm>>
      tpu.wait_dma2 semaphore(%run_scoped3A : memref<!tpu.dma_semaphore, #tpu.memory_space<semaphore_mem>>) src(%dma_wait3A_70 : memref<40x128xi32, #tpu.memory_space<hbm>>) dst(%arg8 : memref<40x128xi32, #tpu.memory_space<vmem>>)
      tpu.yield
    }) : () -> ()
    %scan3A = arith.constant 0 : i32
    %scan3A_29 = arith.constant 0 : i32
    %scan3A_30 = arith.constant 20 : i32
    %scan3A_31 = arith.addi %scan3A_29, %scan3A_30 : i32
    %scan3A_32 = arith.constant 1 : i32
    scf.for %scan3A_65 = %scan3A_29 to %scan3A_31 step %scan3A_32  : i32 {
      %mul3A_66 = arith.constant 2 : i32
      %mul3A_67 = arith.muli %mul3A_66, %scan3A_65 : i32
      %add3A_68 = arith.constant 0 : i32
      %add3A_69 = arith.addi %add3A_68, %mul3A_67 : i32
      %mul3A_70 = arith.constant 128 : i32
      %mul3A_71 = arith.muli %add3A_69, %mul3A_70 : i32
      %dma_start3A = tpu.memref_slice %arg7[%mul3A_71] : memref<10240xi32, #tpu.memory_space<vmem>> -> memref<128xi32, #tpu.memory_space<vmem>>
      %dma_start3A_72 = arith.constant 0 : i32
      %dma_start3A_73 = arith.constant 0 : i32
      %dma_start3A_74 = tpu.memref_slice %arg2[%dma_start3A_72, %dma_start3A_73] : memref<10240x16xf32, #tpu.memory_space<hbm>> -> memref<10240x16xf32, #tpu.memory_space<hbm>>
      tpu.enqueue_indirect_dma source(%dma_start3A_74 : memref<10240x16xf32, #tpu.memory_space<hbm>>) target(%arg9 : memref<128x16xf32, #tpu.memory_space<vmem>>) offsets(%dma_start3A : memref<128xi32, #tpu.memory_space<vmem>>) semaphore(%arg12 : memref<!tpu.dma_semaphore, #tpu.memory_space<semaphore_mem>>)
      %add3A_75 = arith.constant 128 : i32
      %add3A_76 = arith.addi %mul3A_71, %add3A_75 : i32
      %dma_start3A_77 = tpu.memref_slice %arg7[%add3A_76] : memref<10240xi32, #tpu.memory_space<vmem>> -> memref<128xi32, #tpu.memory_space<vmem>>
      %dma_start3A_78 = arith.constant 0 : i32
      %dma_start3A_79 = arith.constant 0 : i32
      %dma_start3A_80 = tpu.memref_slice %arg2[%dma_start3A_78, %dma_start3A_79] : memref<10240x16xf32, #tpu.memory_space<hbm>> -> memref<10240x16xf32, #tpu.memory_space<hbm>>
      tpu.enqueue_indirect_dma source(%dma_start3A_80 : memref<10240x16xf32, #tpu.memory_space<hbm>>) target(%arg10 : memref<128x16xf32, #tpu.memory_space<vmem>>) offsets(%dma_start3A_77 : memref<128xi32, #tpu.memory_space<vmem>>) semaphore(%arg13 : memref<!tpu.dma_semaphore, #tpu.memory_space<semaphore_mem>>)
      %dma_wait3A = tpu.memref_slice %arg7[%mul3A_71] : memref<10240xi32, #tpu.memory_space<vmem>> -> memref<128xi32, #tpu.memory_space<vmem>>
      %dma_wait3A_81 = arith.constant 0 : i32
      %dma_wait3A_82 = arith.constant 0 : i32
      %dma_wait3A_83 = tpu.memref_slice %arg2[%dma_wait3A_81, %dma_wait3A_82] : memref<10240x16xf32, #tpu.memory_space<hbm>> -> memref<10240x16xf32, #tpu.memory_space<hbm>>
      tpu.wait_indirect_dma semaphore(%arg12 : memref<!tpu.dma_semaphore, #tpu.memory_space<semaphore_mem>>) src(%dma_wait3A_83 : memref<10240x16xf32, #tpu.memory_space<hbm>>) dst(%arg9 : memref<128x16xf32, #tpu.memory_space<vmem>>)
      %mul3A_84 = arith.constant 2 : i32
      %mul3A_85 = arith.muli %mul3A_84, %scan3A_65 : i32
      %dma_start3A_86 = arith.constant 0 : i32
      %dma_start3A_87 = tpu.memref_slice %arg8[%mul3A_85, %dma_start3A_86] : memref<40x128xi32, #tpu.memory_space<vmem>> -> memref<1x128xi32, #tpu.memory_space<vmem>>
      %dma_start3A_88 = tpu.memref_squeeze %dma_start3A_87 : memref<1x128xi32, #tpu.memory_space<vmem>> -> memref<128xi32, #tpu.memory_space<vmem>>
      %dma_start3A_89 = arith.constant 0 : i32
      %dma_start3A_90 = arith.constant 0 : i32
      %dma_start3A_91 = tpu.memref_slice %arg11[%dma_start3A_89, %dma_start3A_90] : memref<10240x16xf32, #tpu.memory_space<vmem_shared>> -> memref<10240x16xf32, #tpu.memory_space<vmem_shared>>
      tpu.enqueue_indirect_dma source(%arg9 : memref<128x16xf32, #tpu.memory_space<vmem>>) target(%dma_start3A_91 : memref<10240x16xf32, #tpu.memory_space<vmem_shared>>) offsets(%dma_start3A_88 : memref<128xi32, #tpu.memory_space<vmem>>) semaphore(%arg14 : memref<!tpu.dma_semaphore, #tpu.memory_space<semaphore_mem>>) {add = true}
      %dma_wait3A_92 = tpu.memref_slice %arg7[%add3A_76] : memref<10240xi32, #tpu.memory_space<vmem>> -> memref<128xi32, #tpu.memory_space<vmem>>
      %dma_wait3A_93 = arith.constant 0 : i32
      %dma_wait3A_94 = arith.constant 0 : i32
      %dma_wait3A_95 = tpu.memref_slice %arg2[%dma_wait3A_93, %dma_wait3A_94] : memref<10240x16xf32, #tpu.memory_space<hbm>> -> memref<10240x16xf32, #tpu.memory_space<hbm>>
      tpu.wait_indirect_dma semaphore(%arg13 : memref<!tpu.dma_semaphore, #tpu.memory_space<semaphore_mem>>) src(%dma_wait3A_95 : memref<10240x16xf32, #tpu.memory_space<hbm>>) dst(%arg10 : memref<128x16xf32, #tpu.memory_space<vmem>>)
      %mul3A_96 = arith.constant 2 : i32
      %mul3A_97 = arith.muli %mul3A_96, %scan3A_65 : i32
      %add3A_98 = arith.constant 1 : i32
      %add3A_99 = arith.addi %mul3A_97, %add3A_98 : i32
      %dma_start3A_100 = arith.constant 0 : i32
      %dma_start3A_101 = tpu.memref_slice %arg8[%add3A_99, %dma_start3A_100] : memref<40x128xi32, #tpu.memory_space<vmem>> -> memref<1x128xi32, #tpu.memory_space<vmem>>
      %dma_start3A_102 = tpu.memref_squeeze %dma_start3A_101 : memref<1x128xi32, #tpu.memory_space<vmem>> -> memref<128xi32, #tpu.memory_space<vmem>>
      %dma_start3A_103 = arith.constant 0 : i32
      %dma_start3A_104 = arith.constant 0 : i32
      %dma_start3A_105 = tpu.memref_slice %arg11[%dma_start3A_103, %dma_start3A_104] : memref<10240x16xf32, #tpu.memory_space<vmem_shared>> -> memref<10240x16xf32, #tpu.memory_space<vmem_shared>>
      tpu.enqueue_indirect_dma source(%arg10 : memref<128x16xf32, #tpu.memory_space<vmem>>) target(%dma_start3A_105 : memref<10240x16xf32, #tpu.memory_space<vmem_shared>>) offsets(%dma_start3A_102 : memref<128xi32, #tpu.memory_space<vmem>>) semaphore(%arg15 : memref<!tpu.dma_semaphore, #tpu.memory_space<semaphore_mem>>) {add = true}
      %dma_wait3A_106 = arith.constant 0 : i32
      %dma_wait3A_107 = tpu.memref_slice %arg8[%mul3A_85, %dma_wait3A_106] : memref<40x128xi32, #tpu.memory_space<vmem>> -> memref<1x128xi32, #tpu.memory_space<vmem>>
      %dma_wait3A_108 = tpu.memref_squeeze %dma_wait3A_107 : memref<1x128xi32, #tpu.memory_space<vmem>> -> memref<128xi32, #tpu.memory_space<vmem>>
      %dma_wait3A_109 = arith.constant 0 : i32
      %dma_wait3A_110 = arith.constant 0 : i32
      %dma_wait3A_111 = tpu.memref_slice %arg11[%dma_wait3A_109, %dma_wait3A_110] : memref<10240x16xf32, #tpu.memory_space<vmem_shared>> -> memref<10240x16xf32, #tpu.memory_space<vmem_shared>>
      tpu.wait_indirect_dma semaphore(%arg14 : memref<!tpu.dma_semaphore, #tpu.memory_space<semaphore_mem>>) src(%arg9 : memref<128x16xf32, #tpu.memory_space<vmem>>) dst(%dma_wait3A_111 : memref<10240x16xf32, #tpu.memory_space<vmem_shared>>)
      %dma_wait3A_112 = arith.constant 0 : i32
      %dma_wait3A_113 = tpu.memref_slice %arg8[%add3A_99, %dma_wait3A_112] : memref<40x128xi32, #tpu.memory_space<vmem>> -> memref<1x128xi32, #tpu.memory_space<vmem>>
      %dma_wait3A_114 = tpu.memref_squeeze %dma_wait3A_113 : memref<1x128xi32, #tpu.memory_space<vmem>> -> memref<128xi32, #tpu.memory_space<vmem>>
      %dma_wait3A_115 = arith.constant 0 : i32
      %dma_wait3A_116 = arith.constant 0 : i32
      %dma_wait3A_117 = tpu.memref_slice %arg11[%dma_wait3A_115, %dma_wait3A_116] : memref<10240x16xf32, #tpu.memory_space<vmem_shared>> -> memref<10240x16xf32, #tpu.memory_space<vmem_shared>>
      tpu.wait_indirect_dma semaphore(%arg15 : memref<!tpu.dma_semaphore, #tpu.memory_space<semaphore_mem>>) src(%arg10 : memref<128x16xf32, #tpu.memory_space<vmem>>) dst(%dma_wait3A_117 : memref<10240x16xf32, #tpu.memory_space<vmem_shared>>)
    }
    %scan3A_33 = arith.constant 20 : i32
    %mul3A_34 = arith.constant 80 : i32
    %mul3A_35 = arith.muli %add3A, %mul3A_34 : i32
    %add3A_36 = arith.constant 40 : i32
    %add3A_37 = arith.addi %mul3A_35, %add3A_36 : i32
    "tpu.region"() ({
      %run_scoped3A = tpu.sem_alloc : memref<!tpu.dma_semaphore, #tpu.memory_space<semaphore_mem>>
      %dma_start3A = arith.constant 0 : i32
      %dma_start3A_65 = tpu.memref_slice %arg4[%add3A_37, %dma_start3A] : memref<2560x128xi32, #tpu.memory_space<hbm>> -> memref<40x128xi32, #tpu.memory_space<hbm>>
      %dma_start3A_66 = arith.constant 0 : i32
      %dma_start3A_67 = tpu.memref_slice %arg4[%add3A_37, %dma_start3A_66] : memref<2560x128xi32, #tpu.memory_space<hbm>> -> memref<40x128xi32, #tpu.memory_space<hbm>>
      tpu.enqueue_dma source(%dma_start3A_67 : memref<40x128xi32, #tpu.memory_space<hbm>>) target(%arg8 : memref<40x128xi32, #tpu.memory_space<vmem>>) target_semaphore(%run_scoped3A : memref<!tpu.dma_semaphore, #tpu.memory_space<semaphore_mem>>)
      %dma_wait3A = arith.constant 0 : i32
      %dma_wait3A_68 = tpu.memref_slice %arg4[%add3A_37, %dma_wait3A] : memref<2560x128xi32, #tpu.memory_space<hbm>> -> memref<40x128xi32, #tpu.memory_space<hbm>>
      %dma_wait3A_69 = arith.constant 0 : i32
      %dma_wait3A_70 = tpu.memref_slice %arg4[%add3A_37, %dma_wait3A_69] : memref<2560x128xi32, #tpu.memory_space<hbm>> -> memref<40x128xi32, #tpu.memory_space<hbm>>
      tpu.wait_dma2 semaphore(%run_scoped3A : memref<!tpu.dma_semaphore, #tpu.memory_space<semaphore_mem>>) src(%dma_wait3A_70 : memref<40x128xi32, #tpu.memory_space<hbm>>) dst(%arg8 : memref<40x128xi32, #tpu.memory_space<vmem>>)
      tpu.yield
    }) : () -> ()
    %scan3A_38 = arith.constant 0 : i32
    %scan3A_39 = arith.constant 0 : i32
    %scan3A_40 = arith.constant 20 : i32
    %scan3A_41 = arith.addi %scan3A_39, %scan3A_40 : i32
    %scan3A_42 = arith.constant 1 : i32
    scf.for %scan3A_65 = %scan3A_39 to %scan3A_41 step %scan3A_42  : i32 {
      %mul3A_66 = arith.constant 2 : i32
      %mul3A_67 = arith.muli %mul3A_66, %scan3A_65 : i32
      %add3A_68 = arith.constant 40 : i32
      %add3A_69 = arith.addi %add3A_68, %mul3A_67 : i32
      %mul3A_70 = arith.constant 128 : i32
      %mul3A_71 = arith.muli %add3A_69, %mul3A_70 : i32
      %dma_start3A = tpu.memref_slice %arg7[%mul3A_71] : memref<10240xi32, #tpu.memory_space<vmem>> -> memref<128xi32, #tpu.memory_space<vmem>>
      %dma_start3A_72 = arith.constant 0 : i32
      %dma_start3A_73 = arith.constant 0 : i32
      %dma_start3A_74 = tpu.memref_slice %arg2[%dma_start3A_72, %dma_start3A_73] : memref<10240x16xf32, #tpu.memory_space<hbm>> -> memref<10240x16xf32, #tpu.memory_space<hbm>>
      tpu.enqueue_indirect_dma source(%dma_start3A_74 : memref<10240x16xf32, #tpu.memory_space<hbm>>) target(%arg9 : memref<128x16xf32, #tpu.memory_space<vmem>>) offsets(%dma_start3A : memref<128xi32, #tpu.memory_space<vmem>>) semaphore(%arg12 : memref<!tpu.dma_semaphore, #tpu.memory_space<semaphore_mem>>)
      %add3A_75 = arith.constant 128 : i32
      %add3A_76 = arith.addi %mul3A_71, %add3A_75 : i32
      %dma_start3A_77 = tpu.memref_slice %arg7[%add3A_76] : memref<10240xi32, #tpu.memory_space<vmem>> -> memref<128xi32, #tpu.memory_space<vmem>>
      %dma_start3A_78 = arith.constant 0 : i32
      %dma_start3A_79 = arith.constant 0 : i32
      %dma_start3A_80 = tpu.memref_slice %arg2[%dma_start3A_78, %dma_start3A_79] : memref<10240x16xf32, #tpu.memory_space<hbm>> -> memref<10240x16xf32, #tpu.memory_space<hbm>>
      tpu.enqueue_indirect_dma source(%dma_start3A_80 : memref<10240x16xf32, #tpu.memory_space<hbm>>) target(%arg10 : memref<128x16xf32, #tpu.memory_space<vmem>>) offsets(%dma_start3A_77 : memref<128xi32, #tpu.memory_space<vmem>>) semaphore(%arg13 : memref<!tpu.dma_semaphore, #tpu.memory_space<semaphore_mem>>)
      %dma_wait3A = tpu.memref_slice %arg7[%mul3A_71] : memref<10240xi32, #tpu.memory_space<vmem>> -> memref<128xi32, #tpu.memory_space<vmem>>
      %dma_wait3A_81 = arith.constant 0 : i32
      %dma_wait3A_82 = arith.constant 0 : i32
      %dma_wait3A_83 = tpu.memref_slice %arg2[%dma_wait3A_81, %dma_wait3A_82] : memref<10240x16xf32, #tpu.memory_space<hbm>> -> memref<10240x16xf32, #tpu.memory_space<hbm>>
      tpu.wait_indirect_dma semaphore(%arg12 : memref<!tpu.dma_semaphore, #tpu.memory_space<semaphore_mem>>) src(%dma_wait3A_83 : memref<10240x16xf32, #tpu.memory_space<hbm>>) dst(%arg9 : memref<128x16xf32, #tpu.memory_space<vmem>>)
      %mul3A_84 = arith.constant 2 : i32
      %mul3A_85 = arith.muli %mul3A_84, %scan3A_65 : i32
      %dma_start3A_86 = arith.constant 0 : i32
      %dma_start3A_87 = tpu.memref_slice %arg8[%mul3A_85, %dma_start3A_86] : memref<40x128xi32, #tpu.memory_space<vmem>> -> memref<1x128xi32, #tpu.memory_space<vmem>>
      %dma_start3A_88 = tpu.memref_squeeze %dma_start3A_87 : memref<1x128xi32, #tpu.memory_space<vmem>> -> memref<128xi32, #tpu.memory_space<vmem>>
      %dma_start3A_89 = arith.constant 0 : i32
      %dma_start3A_90 = arith.constant 0 : i32
      %dma_start3A_91 = tpu.memref_slice %arg11[%dma_start3A_89, %dma_start3A_90] : memref<10240x16xf32, #tpu.memory_space<vmem_shared>> -> memref<10240x16xf32, #tpu.memory_space<vmem_shared>>
      tpu.enqueue_indirect_dma source(%arg9 : memref<128x16xf32, #tpu.memory_space<vmem>>) target(%dma_start3A_91 : memref<10240x16xf32, #tpu.memory_space<vmem_shared>>) offsets(%dma_start3A_88 : memref<128xi32, #tpu.memory_space<vmem>>) semaphore(%arg14 : memref<!tpu.dma_semaphore, #tpu.memory_space<semaphore_mem>>) {add = true}
      %dma_wait3A_92 = tpu.memref_slice %arg7[%add3A_76] : memref<10240xi32, #tpu.memory_space<vmem>> -> memref<128xi32, #tpu.memory_space<vmem>>
      %dma_wait3A_93 = arith.constant 0 : i32
      %dma_wait3A_94 = arith.constant 0 : i32
      %dma_wait3A_95 = tpu.memref_slice %arg2[%dma_wait3A_93, %dma_wait3A_94] : memref<10240x16xf32, #tpu.memory_space<hbm>> -> memref<10240x16xf32, #tpu.memory_space<hbm>>
      tpu.wait_indirect_dma semaphore(%arg13 : memref<!tpu.dma_semaphore, #tpu.memory_space<semaphore_mem>>) src(%dma_wait3A_95 : memref<10240x16xf32, #tpu.memory_space<hbm>>) dst(%arg10 : memref<128x16xf32, #tpu.memory_space<vmem>>)
      %mul3A_96 = arith.constant 2 : i32
      %mul3A_97 = arith.muli %mul3A_96, %scan3A_65 : i32
      %add3A_98 = arith.constant 1 : i32
      %add3A_99 = arith.addi %mul3A_97, %add3A_98 : i32
      %dma_start3A_100 = arith.constant 0 : i32
      %dma_start3A_101 = tpu.memref_slice %arg8[%add3A_99, %dma_start3A_100] : memref<40x128xi32, #tpu.memory_space<vmem>> -> memref<1x128xi32, #tpu.memory_space<vmem>>
      %dma_start3A_102 = tpu.memref_squeeze %dma_start3A_101 : memref<1x128xi32, #tpu.memory_space<vmem>> -> memref<128xi32, #tpu.memory_space<vmem>>
      %dma_start3A_103 = arith.constant 0 : i32
      %dma_start3A_104 = arith.constant 0 : i32
      %dma_start3A_105 = tpu.memref_slice %arg11[%dma_start3A_103, %dma_start3A_104] : memref<10240x16xf32, #tpu.memory_space<vmem_shared>> -> memref<10240x16xf32, #tpu.memory_space<vmem_shared>>
      tpu.enqueue_indirect_dma source(%arg10 : memref<128x16xf32, #tpu.memory_space<vmem>>) target(%dma_start3A_105 : memref<10240x16xf32, #tpu.memory_space<vmem_shared>>) offsets(%dma_start3A_102 : memref<128xi32, #tpu.memory_space<vmem>>) semaphore(%arg15 : memref<!tpu.dma_semaphore, #tpu.memory_space<semaphore_mem>>) {add = true}
      %dma_wait3A_106 = arith.constant 0 : i32
      %dma_wait3A_107 = tpu.memref_slice %arg8[%mul3A_85, %dma_wait3A_106] : memref<40x128xi32, #tpu.memory_space<vmem>> -> memref<1x128xi32, #tpu.memory_space<vmem>>
      %dma_wait3A_108 = tpu.memref_squeeze %dma_wait3A_107 : memref<1x128xi32, #tpu.memory_space<vmem>> -> memref<128xi32, #tpu.memory_space<vmem>>
      %dma_wait3A_109 = arith.constant 0 : i32
      %dma_wait3A_110 = arith.constant 0 : i32
      %dma_wait3A_111 = tpu.memref_slice %arg11[%dma_wait3A_109, %dma_wait3A_110] : memref<10240x16xf32, #tpu.memory_space<vmem_shared>> -> memref<10240x16xf32, #tpu.memory_space<vmem_shared>>
      tpu.wait_indirect_dma semaphore(%arg14 : memref<!tpu.dma_semaphore, #tpu.memory_space<semaphore_mem>>) src(%arg9 : memref<128x16xf32, #tpu.memory_space<vmem>>) dst(%dma_wait3A_111 : memref<10240x16xf32, #tpu.memory_space<vmem_shared>>)
      %dma_wait3A_112 = arith.constant 0 : i32
      %dma_wait3A_113 = tpu.memref_slice %arg8[%add3A_99, %dma_wait3A_112] : memref<40x128xi32, #tpu.memory_space<vmem>> -> memref<1x128xi32, #tpu.memory_space<vmem>>
      %dma_wait3A_114 = tpu.memref_squeeze %dma_wait3A_113 : memref<1x128xi32, #tpu.memory_space<vmem>> -> memref<128xi32, #tpu.memory_space<vmem>>
      %dma_wait3A_115 = arith.constant 0 : i32
      %dma_wait3A_116 = arith.constant 0 : i32
      %dma_wait3A_117 = tpu.memref_slice %arg11[%dma_wait3A_115, %dma_wait3A_116] : memref<10240x16xf32, #tpu.memory_space<vmem_shared>> -> memref<10240x16xf32, #tpu.memory_space<vmem_shared>>
      tpu.wait_indirect_dma semaphore(%arg15 : memref<!tpu.dma_semaphore, #tpu.memory_space<semaphore_mem>>) src(%arg10 : memref<128x16xf32, #tpu.memory_space<vmem>>) dst(%dma_wait3A_117 : memref<10240x16xf32, #tpu.memory_space<vmem_shared>>)
    }
    %scan3A_43 = arith.constant 20 : i32
    %barrier3A_44 = arith.constant 0 : index
    tpu.barrier barrier_id(%barrier3A_44)
    %mul3A_45 = arith.constant 640 : i32
    %mul3A_46 = arith.muli %arg1, %mul3A_45 : i32
    %add3A_47 = arith.constant 0 : i32
    %add3A_48 = arith.addi %mul3A_46, %add3A_47 : i32
    "tpu.region"() ({
      %run_scoped3A = tpu.sem_alloc : memref<!tpu.dma_semaphore, #tpu.memory_space<semaphore_mem>>
      %dma_start3A = arith.constant 0 : i32
      %dma_start3A_65 = tpu.memref_slice %arg11[%add3A_48, %dma_start3A] : memref<10240x16xf32, #tpu.memory_space<vmem_shared>> -> memref<128x16xf32, #tpu.memory_space<vmem_shared>>
      %dma_start3A_66 = arith.constant 0 : i32
      %dma_start3A_67 = tpu.memref_slice %arg11[%add3A_48, %dma_start3A_66] : memref<10240x16xf32, #tpu.memory_space<vmem_shared>> -> memref<128x16xf32, #tpu.memory_space<vmem_shared>>
      tpu.enqueue_dma source(%dma_start3A_67 : memref<128x16xf32, #tpu.memory_space<vmem_shared>>) target(%arg9 : memref<128x16xf32, #tpu.memory_space<vmem>>) target_semaphore(%run_scoped3A : memref<!tpu.dma_semaphore, #tpu.memory_space<semaphore_mem>>)
      %dma_wait3A = arith.constant 0 : i32
      %dma_wait3A_68 = tpu.memref_slice %arg11[%add3A_48, %dma_wait3A] : memref<10240x16xf32, #tpu.memory_space<vmem_shared>> -> memref<128x16xf32, #tpu.memory_space<vmem_shared>>
      %dma_wait3A_69 = arith.constant 0 : i32
      %dma_wait3A_70 = tpu.memref_slice %arg11[%add3A_48, %dma_wait3A_69] : memref<10240x16xf32, #tpu.memory_space<vmem_shared>> -> memref<128x16xf32, #tpu.memory_space<vmem_shared>>
      tpu.wait_dma2 semaphore(%run_scoped3A : memref<!tpu.dma_semaphore, #tpu.memory_space<semaphore_mem>>) src(%dma_wait3A_70 : memref<128x16xf32, #tpu.memory_space<vmem_shared>>) dst(%arg9 : memref<128x16xf32, #tpu.memory_space<vmem>>)
      tpu.yield
    }) : () -> ()
    "tpu.region"() ({
      %run_scoped3A = tpu.sem_alloc : memref<!tpu.dma_semaphore, #tpu.memory_space<semaphore_mem>>
      %dma_start3A = arith.constant 0 : i32
      %dma_start3A_65 = tpu.memref_slice %arg6[%arg0, %add3A_48, %dma_start3A] : memref<2x10240x16xf32, #tpu.memory_space<hbm>> -> memref<1x128x16xf32, #tpu.memory_space<hbm>>
      %dma_start3A_66 = tpu.memref_squeeze %dma_start3A_65 : memref<1x128x16xf32, #tpu.memory_space<hbm>> -> memref<128x16xf32, #tpu.memory_space<hbm>>
      %dma_start3A_67 = arith.constant 0 : i32
      %dma_start3A_68 = tpu.memref_slice %arg6[%arg0, %add3A_48, %dma_start3A_67] : memref<2x10240x16xf32, #tpu.memory_space<hbm>> -> memref<1x128x16xf32, #tpu.memory_space<hbm>>
      %dma_start3A_69 = tpu.memref_squeeze %dma_start3A_68 : memref<1x128x16xf32, #tpu.memory_space<hbm>> -> memref<128x16xf32, #tpu.memory_space<hbm>>
      tpu.enqueue_dma source(%arg9 : memref<128x16xf32, #tpu.memory_space<vmem>>) target(%dma_start3A_69 : memref<128x16xf32, #tpu.memory_space<hbm>>) target_semaphore(%run_scoped3A : memref<!tpu.dma_semaphore, #tpu.memory_space<semaphore_mem>>)
      %dma_wait3A = arith.constant 0 : i32
      %dma_wait3A_70 = tpu.memref_slice %arg6[%arg0, %add3A_48, %dma_wait3A] : memref<2x10240x16xf32, #tpu.memory_space<hbm>> -> memref<1x128x16xf32, #tpu.memory_space<hbm>>
      %dma_wait3A_71 = tpu.memref_squeeze %dma_wait3A_70 : memref<1x128x16xf32, #tpu.memory_space<hbm>> -> memref<128x16xf32, #tpu.memory_space<hbm>>
      %dma_wait3A_72 = arith.constant 0 : i32
      %dma_wait3A_73 = tpu.memref_slice %arg6[%arg0, %add3A_48, %dma_wait3A_72] : memref<2x10240x16xf32, #tpu.memory_space<hbm>> -> memref<1x128x16xf32, #tpu.memory_space<hbm>>
      %dma_wait3A_74 = tpu.memref_squeeze %dma_wait3A_73 : memref<1x128x16xf32, #tpu.memory_space<hbm>> -> memref<128x16xf32, #tpu.memory_space<hbm>>
      tpu.wait_dma2 semaphore(%run_scoped3A : memref<!tpu.dma_semaphore, #tpu.memory_space<semaphore_mem>>) src(%arg9 : memref<128x16xf32, #tpu.memory_space<vmem>>) dst(%dma_wait3A_74 : memref<128x16xf32, #tpu.memory_space<hbm>>)
      tpu.yield
    }) : () -> ()
    %mul3A_49 = arith.constant 640 : i32
    %mul3A_50 = arith.muli %arg1, %mul3A_49 : i32
    %add3A_51 = arith.constant 128 : i32
    %add3A_52 = arith.addi %mul3A_50, %add3A_51 : i32
    "tpu.region"() ({
      %run_scoped3A = tpu.sem_alloc : memref<!tpu.dma_semaphore, #tpu.memory_space<semaphore_mem>>
      %dma_start3A = arith.constant 0 : i32
      %dma_start3A_65 = tpu.memref_slice %arg11[%add3A_52, %dma_start3A] : memref<10240x16xf32, #tpu.memory_space<vmem_shared>> -> memref<128x16xf32, #tpu.memory_space<vmem_shared>>
      %dma_start3A_66 = arith.constant 0 : i32
      %dma_start3A_67 = tpu.memref_slice %arg11[%add3A_52, %dma_start3A_66] : memref<10240x16xf32, #tpu.memory_space<vmem_shared>> -> memref<128x16xf32, #tpu.memory_space<vmem_shared>>
      tpu.enqueue_dma source(%dma_start3A_67 : memref<128x16xf32, #tpu.memory_space<vmem_shared>>) target(%arg9 : memref<128x16xf32, #tpu.memory_space<vmem>>) target_semaphore(%run_scoped3A : memref<!tpu.dma_semaphore, #tpu.memory_space<semaphore_mem>>)
      %dma_wait3A = arith.constant 0 : i32
      %dma_wait3A_68 = tpu.memref_slice %arg11[%add3A_52, %dma_wait3A] : memref<10240x16xf32, #tpu.memory_space<vmem_shared>> -> memref<128x16xf32, #tpu.memory_space<vmem_shared>>
      %dma_wait3A_69 = arith.constant 0 : i32
      %dma_wait3A_70 = tpu.memref_slice %arg11[%add3A_52, %dma_wait3A_69] : memref<10240x16xf32, #tpu.memory_space<vmem_shared>> -> memref<128x16xf32, #tpu.memory_space<vmem_shared>>
      tpu.wait_dma2 semaphore(%run_scoped3A : memref<!tpu.dma_semaphore, #tpu.memory_space<semaphore_mem>>) src(%dma_wait3A_70 : memref<128x16xf32, #tpu.memory_space<vmem_shared>>) dst(%arg9 : memref<128x16xf32, #tpu.memory_space<vmem>>)
      tpu.yield
    }) : () -> ()
    "tpu.region"() ({
      %run_scoped3A = tpu.sem_alloc : memref<!tpu.dma_semaphore, #tpu.memory_space<semaphore_mem>>
      %dma_start3A = arith.constant 0 : i32
      %dma_start3A_65 = tpu.memref_slice %arg6[%arg0, %add3A_52, %dma_start3A] : memref<2x10240x16xf32, #tpu.memory_space<hbm>> -> memref<1x128x16xf32, #tpu.memory_space<hbm>>
      %dma_start3A_66 = tpu.memref_squeeze %dma_start3A_65 : memref<1x128x16xf32, #tpu.memory_space<hbm>> -> memref<128x16xf32, #tpu.memory_space<hbm>>
      %dma_start3A_67 = arith.constant 0 : i32
      %dma_start3A_68 = tpu.memref_slice %arg6[%arg0, %add3A_52, %dma_start3A_67] : memref<2x10240x16xf32, #tpu.memory_space<hbm>> -> memref<1x128x16xf32, #tpu.memory_space<hbm>>
      %dma_start3A_69 = tpu.memref_squeeze %dma_start3A_68 : memref<1x128x16xf32, #tpu.memory_space<hbm>> -> memref<128x16xf32, #tpu.memory_space<hbm>>
      tpu.enqueue_dma source(%arg9 : memref<128x16xf32, #tpu.memory_space<vmem>>) target(%dma_start3A_69 : memref<128x16xf32, #tpu.memory_space<hbm>>) target_semaphore(%run_scoped3A : memref<!tpu.dma_semaphore, #tpu.memory_space<semaphore_mem>>)
      %dma_wait3A = arith.constant 0 : i32
      %dma_wait3A_70 = tpu.memref_slice %arg6[%arg0, %add3A_52, %dma_wait3A] : memref<2x10240x16xf32, #tpu.memory_space<hbm>> -> memref<1x128x16xf32, #tpu.memory_space<hbm>>
      %dma_wait3A_71 = tpu.memref_squeeze %dma_wait3A_70 : memref<1x128x16xf32, #tpu.memory_space<hbm>> -> memref<128x16xf32, #tpu.memory_space<hbm>>
      %dma_wait3A_72 = arith.constant 0 : i32
      %dma_wait3A_73 = tpu.memref_slice %arg6[%arg0, %add3A_52, %dma_wait3A_72] : memref<2x10240x16xf32, #tpu.memory_space<hbm>> -> memref<1x128x16xf32, #tpu.memory_space<hbm>>
      %dma_wait3A_74 = tpu.memref_squeeze %dma_wait3A_73 : memref<1x128x16xf32, #tpu.memory_space<hbm>> -> memref<128x16xf32, #tpu.memory_space<hbm>>
      tpu.wait_dma2 semaphore(%run_scoped3A : memref<!tpu.dma_semaphore, #tpu.memory_space<semaphore_mem>>) src(%arg9 : memref<128x16xf32, #tpu.memory_space<vmem>>) dst(%dma_wait3A_74 : memref<128x16xf32, #tpu.memory_space<hbm>>)
      tpu.yield
    }) : () -> ()
    %mul3A_53 = arith.constant 640 : i32
    %mul3A_54 = arith.muli %arg1, %mul3A_53 : i32
    %add3A_55 = arith.constant 256 : i32
    %add3A_56 = arith.addi %mul3A_54, %add3A_55 : i32
    "tpu.region"() ({
      %run_scoped3A = tpu.sem_alloc : memref<!tpu.dma_semaphore, #tpu.memory_space<semaphore_mem>>
      %dma_start3A = arith.constant 0 : i32
      %dma_start3A_65 = tpu.memref_slice %arg11[%add3A_56, %dma_start3A] : memref<10240x16xf32, #tpu.memory_space<vmem_shared>> -> memref<128x16xf32, #tpu.memory_space<vmem_shared>>
      %dma_start3A_66 = arith.constant 0 : i32
      %dma_start3A_67 = tpu.memref_slice %arg11[%add3A_56, %dma_start3A_66] : memref<10240x16xf32, #tpu.memory_space<vmem_shared>> -> memref<128x16xf32, #tpu.memory_space<vmem_shared>>
      tpu.enqueue_dma source(%dma_start3A_67 : memref<128x16xf32, #tpu.memory_space<vmem_shared>>) target(%arg9 : memref<128x16xf32, #tpu.memory_space<vmem>>) target_semaphore(%run_scoped3A : memref<!tpu.dma_semaphore, #tpu.memory_space<semaphore_mem>>)
      %dma_wait3A = arith.constant 0 : i32
      %dma_wait3A_68 = tpu.memref_slice %arg11[%add3A_56, %dma_wait3A] : memref<10240x16xf32, #tpu.memory_space<vmem_shared>> -> memref<128x16xf32, #tpu.memory_space<vmem_shared>>
      %dma_wait3A_69 = arith.constant 0 : i32
      %dma_wait3A_70 = tpu.memref_slice %arg11[%add3A_56, %dma_wait3A_69] : memref<10240x16xf32, #tpu.memory_space<vmem_shared>> -> memref<128x16xf32, #tpu.memory_space<vmem_shared>>
      tpu.wait_dma2 semaphore(%run_scoped3A : memref<!tpu.dma_semaphore, #tpu.memory_space<semaphore_mem>>) src(%dma_wait3A_70 : memref<128x16xf32, #tpu.memory_space<vmem_shared>>) dst(%arg9 : memref<128x16xf32, #tpu.memory_space<vmem>>)
      tpu.yield
    }) : () -> ()
    "tpu.region"() ({
      %run_scoped3A = tpu.sem_alloc : memref<!tpu.dma_semaphore, #tpu.memory_space<semaphore_mem>>
      %dma_start3A = arith.constant 0 : i32
      %dma_start3A_65 = tpu.memref_slice %arg6[%arg0, %add3A_56, %dma_start3A] : memref<2x10240x16xf32, #tpu.memory_space<hbm>> -> memref<1x128x16xf32, #tpu.memory_space<hbm>>
      %dma_start3A_66 = tpu.memref_squeeze %dma_start3A_65 : memref<1x128x16xf32, #tpu.memory_space<hbm>> -> memref<128x16xf32, #tpu.memory_space<hbm>>
      %dma_start3A_67 = arith.constant 0 : i32
      %dma_start3A_68 = tpu.memref_slice %arg6[%arg0, %add3A_56, %dma_start3A_67] : memref<2x10240x16xf32, #tpu.memory_space<hbm>> -> memref<1x128x16xf32, #tpu.memory_space<hbm>>
      %dma_start3A_69 = tpu.memref_squeeze %dma_start3A_68 : memref<1x128x16xf32, #tpu.memory_space<hbm>> -> memref<128x16xf32, #tpu.memory_space<hbm>>
      tpu.enqueue_dma source(%arg9 : memref<128x16xf32, #tpu.memory_space<vmem>>) target(%dma_start3A_69 : memref<128x16xf32, #tpu.memory_space<hbm>>) target_semaphore(%run_scoped3A : memref<!tpu.dma_semaphore, #tpu.memory_space<semaphore_mem>>)
      %dma_wait3A = arith.constant 0 : i32
      %dma_wait3A_70 = tpu.memref_slice %arg6[%arg0, %add3A_56, %dma_wait3A] : memref<2x10240x16xf32, #tpu.memory_space<hbm>> -> memref<1x128x16xf32, #tpu.memory_space<hbm>>
      %dma_wait3A_71 = tpu.memref_squeeze %dma_wait3A_70 : memref<1x128x16xf32, #tpu.memory_space<hbm>> -> memref<128x16xf32, #tpu.memory_space<hbm>>
      %dma_wait3A_72 = arith.constant 0 : i32
      %dma_wait3A_73 = tpu.memref_slice %arg6[%arg0, %add3A_56, %dma_wait3A_72] : memref<2x10240x16xf32, #tpu.memory_space<hbm>> -> memref<1x128x16xf32, #tpu.memory_space<hbm>>
      %dma_wait3A_74 = tpu.memref_squeeze %dma_wait3A_73 : memref<1x128x16xf32, #tpu.memory_space<hbm>> -> memref<128x16xf32, #tpu.memory_space<hbm>>
      tpu.wait_dma2 semaphore(%run_scoped3A : memref<!tpu.dma_semaphore, #tpu.memory_space<semaphore_mem>>) src(%arg9 : memref<128x16xf32, #tpu.memory_space<vmem>>) dst(%dma_wait3A_74 : memref<128x16xf32, #tpu.memory_space<hbm>>)
      tpu.yield
    }) : () -> ()
    %mul3A_57 = arith.constant 640 : i32
    %mul3A_58 = arith.muli %arg1, %mul3A_57 : i32
    %add3A_59 = arith.constant 384 : i32
    %add3A_60 = arith.addi %mul3A_58, %add3A_59 : i32
    "tpu.region"() ({
      %run_scoped3A = tpu.sem_alloc : memref<!tpu.dma_semaphore, #tpu.memory_space<semaphore_mem>>
      %dma_start3A = arith.constant 0 : i32
      %dma_start3A_65 = tpu.memref_slice %arg11[%add3A_60, %dma_start3A] : memref<10240x16xf32, #tpu.memory_space<vmem_shared>> -> memref<128x16xf32, #tpu.memory_space<vmem_shared>>
      %dma_start3A_66 = arith.constant 0 : i32
      %dma_start3A_67 = tpu.memref_slice %arg11[%add3A_60, %dma_start3A_66] : memref<10240x16xf32, #tpu.memory_space<vmem_shared>> -> memref<128x16xf32, #tpu.memory_space<vmem_shared>>
      tpu.enqueue_dma source(%dma_start3A_67 : memref<128x16xf32, #tpu.memory_space<vmem_shared>>) target(%arg9 : memref<128x16xf32, #tpu.memory_space<vmem>>) target_semaphore(%run_scoped3A : memref<!tpu.dma_semaphore, #tpu.memory_space<semaphore_mem>>)
      %dma_wait3A = arith.constant 0 : i32
      %dma_wait3A_68 = tpu.memref_slice %arg11[%add3A_60, %dma_wait3A] : memref<10240x16xf32, #tpu.memory_space<vmem_shared>> -> memref<128x16xf32, #tpu.memory_space<vmem_shared>>
      %dma_wait3A_69 = arith.constant 0 : i32
      %dma_wait3A_70 = tpu.memref_slice %arg11[%add3A_60, %dma_wait3A_69] : memref<10240x16xf32, #tpu.memory_space<vmem_shared>> -> memref<128x16xf32, #tpu.memory_space<vmem_shared>>
      tpu.wait_dma2 semaphore(%run_scoped3A : memref<!tpu.dma_semaphore, #tpu.memory_space<semaphore_mem>>) src(%dma_wait3A_70 : memref<128x16xf32, #tpu.memory_space<vmem_shared>>) dst(%arg9 : memref<128x16xf32, #tpu.memory_space<vmem>>)
      tpu.yield
    }) : () -> ()
    "tpu.region"() ({
      %run_scoped3A = tpu.sem_alloc : memref<!tpu.dma_semaphore, #tpu.memory_space<semaphore_mem>>
      %dma_start3A = arith.constant 0 : i32
      %dma_start3A_65 = tpu.memref_slice %arg6[%arg0, %add3A_60, %dma_start3A] : memref<2x10240x16xf32, #tpu.memory_space<hbm>> -> memref<1x128x16xf32, #tpu.memory_space<hbm>>
      %dma_start3A_66 = tpu.memref_squeeze %dma_start3A_65 : memref<1x128x16xf32, #tpu.memory_space<hbm>> -> memref<128x16xf32, #tpu.memory_space<hbm>>
      %dma_start3A_67 = arith.constant 0 : i32
      %dma_start3A_68 = tpu.memref_slice %arg6[%arg0, %add3A_60, %dma_start3A_67] : memref<2x10240x16xf32, #tpu.memory_space<hbm>> -> memref<1x128x16xf32, #tpu.memory_space<hbm>>
      %dma_start3A_69 = tpu.memref_squeeze %dma_start3A_68 : memref<1x128x16xf32, #tpu.memory_space<hbm>> -> memref<128x16xf32, #tpu.memory_space<hbm>>
      tpu.enqueue_dma source(%arg9 : memref<128x16xf32, #tpu.memory_space<vmem>>) target(%dma_start3A_69 : memref<128x16xf32, #tpu.memory_space<hbm>>) target_semaphore(%run_scoped3A : memref<!tpu.dma_semaphore, #tpu.memory_space<semaphore_mem>>)
      %dma_wait3A = arith.constant 0 : i32
      %dma_wait3A_70 = tpu.memref_slice %arg6[%arg0, %add3A_60, %dma_wait3A] : memref<2x10240x16xf32, #tpu.memory_space<hbm>> -> memref<1x128x16xf32, #tpu.memory_space<hbm>>
      %dma_wait3A_71 = tpu.memref_squeeze %dma_wait3A_70 : memref<1x128x16xf32, #tpu.memory_space<hbm>> -> memref<128x16xf32, #tpu.memory_space<hbm>>
      %dma_wait3A_72 = arith.constant 0 : i32
      %dma_wait3A_73 = tpu.memref_slice %arg6[%arg0, %add3A_60, %dma_wait3A_72] : memref<2x10240x16xf32, #tpu.memory_space<hbm>> -> memref<1x128x16xf32, #tpu.memory_space<hbm>>
      %dma_wait3A_74 = tpu.memref_squeeze %dma_wait3A_73 : memref<1x128x16xf32, #tpu.memory_space<hbm>> -> memref<128x16xf32, #tpu.memory_space<hbm>>
      tpu.wait_dma2 semaphore(%run_scoped3A : memref<!tpu.dma_semaphore, #tpu.memory_space<semaphore_mem>>) src(%arg9 : memref<128x16xf32, #tpu.memory_space<vmem>>) dst(%dma_wait3A_74 : memref<128x16xf32, #tpu.memory_space<hbm>>)
      tpu.yield
    }) : () -> ()
    %mul3A_61 = arith.constant 640 : i32
    %mul3A_62 = arith.muli %arg1, %mul3A_61 : i32
    %add3A_63 = arith.constant 512 : i32
    %add3A_64 = arith.addi %mul3A_62, %add3A_63 : i32
    "tpu.region"() ({
      %run_scoped3A = tpu.sem_alloc : memref<!tpu.dma_semaphore, #tpu.memory_space<semaphore_mem>>
      %dma_start3A = arith.constant 0 : i32
      %dma_start3A_65 = tpu.memref_slice %arg11[%add3A_64, %dma_start3A] : memref<10240x16xf32, #tpu.memory_space<vmem_shared>> -> memref<128x16xf32, #tpu.memory_space<vmem_shared>>
      %dma_start3A_66 = arith.constant 0 : i32
      %dma_start3A_67 = tpu.memref_slice %arg11[%add3A_64, %dma_start3A_66] : memref<10240x16xf32, #tpu.memory_space<vmem_shared>> -> memref<128x16xf32, #tpu.memory_space<vmem_shared>>
      tpu.enqueue_dma source(%dma_start3A_67 : memref<128x16xf32, #tpu.memory_space<vmem_shared>>) target(%arg9 : memref<128x16xf32, #tpu.memory_space<vmem>>) target_semaphore(%run_scoped3A : memref<!tpu.dma_semaphore, #tpu.memory_space<semaphore_mem>>)
      %dma_wait3A = arith.constant 0 : i32
      %dma_wait3A_68 = tpu.memref_slice %arg11[%add3A_64, %dma_wait3A] : memref<10240x16xf32, #tpu.memory_space<vmem_shared>> -> memref<128x16xf32, #tpu.memory_space<vmem_shared>>
      %dma_wait3A_69 = arith.constant 0 : i32
      %dma_wait3A_70 = tpu.memref_slice %arg11[%add3A_64, %dma_wait3A_69] : memref<10240x16xf32, #tpu.memory_space<vmem_shared>> -> memref<128x16xf32, #tpu.memory_space<vmem_shared>>
      tpu.wait_dma2 semaphore(%run_scoped3A : memref<!tpu.dma_semaphore, #tpu.memory_space<semaphore_mem>>) src(%dma_wait3A_70 : memref<128x16xf32, #tpu.memory_space<vmem_shared>>) dst(%arg9 : memref<128x16xf32, #tpu.memory_space<vmem>>)
      tpu.yield
    }) : () -> ()
    "tpu.region"() ({
      %run_scoped3A = tpu.sem_alloc : memref<!tpu.dma_semaphore, #tpu.memory_space<semaphore_mem>>
      %dma_start3A = arith.constant 0 : i32
      %dma_start3A_65 = tpu.memref_slice %arg6[%arg0, %add3A_64, %dma_start3A] : memref<2x10240x16xf32, #tpu.memory_space<hbm>> -> memref<1x128x16xf32, #tpu.memory_space<hbm>>
      %dma_start3A_66 = tpu.memref_squeeze %dma_start3A_65 : memref<1x128x16xf32, #tpu.memory_space<hbm>> -> memref<128x16xf32, #tpu.memory_space<hbm>>
      %dma_start3A_67 = arith.constant 0 : i32
      %dma_start3A_68 = tpu.memref_slice %arg6[%arg0, %add3A_64, %dma_start3A_67] : memref<2x10240x16xf32, #tpu.memory_space<hbm>> -> memref<1x128x16xf32, #tpu.memory_space<hbm>>
      %dma_start3A_69 = tpu.memref_squeeze %dma_start3A_68 : memref<1x128x16xf32, #tpu.memory_space<hbm>> -> memref<128x16xf32, #tpu.memory_space<hbm>>
      tpu.enqueue_dma source(%arg9 : memref<128x16xf32, #tpu.memory_space<vmem>>) target(%dma_start3A_69 : memref<128x16xf32, #tpu.memory_space<hbm>>) target_semaphore(%run_scoped3A : memref<!tpu.dma_semaphore, #tpu.memory_space<semaphore_mem>>)
      %dma_wait3A = arith.constant 0 : i32
      %dma_wait3A_70 = tpu.memref_slice %arg6[%arg0, %add3A_64, %dma_wait3A] : memref<2x10240x16xf32, #tpu.memory_space<hbm>> -> memref<1x128x16xf32, #tpu.memory_space<hbm>>
      %dma_wait3A_71 = tpu.memref_squeeze %dma_wait3A_70 : memref<1x128x16xf32, #tpu.memory_space<hbm>> -> memref<128x16xf32, #tpu.memory_space<hbm>>
      %dma_wait3A_72 = arith.constant 0 : i32
      %dma_wait3A_73 = tpu.memref_slice %arg6[%arg0, %add3A_64, %dma_wait3A_72] : memref<2x10240x16xf32, #tpu.memory_space<hbm>> -> memref<1x128x16xf32, #tpu.memory_space<hbm>>
      %dma_wait3A_74 = tpu.memref_squeeze %dma_wait3A_73 : memref<1x128x16xf32, #tpu.memory_space<hbm>> -> memref<128x16xf32, #tpu.memory_space<hbm>>
      tpu.wait_dma2 semaphore(%run_scoped3A : memref<!tpu.dma_semaphore, #tpu.memory_space<semaphore_mem>>) src(%arg9 : memref<128x16xf32, #tpu.memory_space<vmem>>) dst(%dma_wait3A_74 : memref<128x16xf32, #tpu.memory_space<hbm>>)
      tpu.yield
    }) : () -> ()
    return
  }
}

#map = affine_map<(d0, d1) -> (0, 0)>
#map1 = affine_map<(d0, d1) -> (0)>
module attributes {stable_mosaic.version = 14 : i64} {
  func.func @deg_kernel(%arg0: i32, %arg1: i32, %arg2: memref<2560x128xi32, #tpu.memory_space<hbm>>, %arg3: memref<10240xf32, #tpu.memory_space<hbm>>, %arg4: memref<2x10240xf32, #tpu.memory_space<hbm>>, %arg5: memref<80x128xi32, #tpu.memory_space<vmem>>, %arg6: memref<128xf32, #tpu.memory_space<vmem>>, %arg7: memref<640xf32, #tpu.memory_space<vmem>>, %arg8: memref<128xi32, #tpu.memory_space<vmem>>, %arg9: memref<10240xf32, #tpu.memory_space<vmem_shared>>, %arg10: memref<!tpu.dma_semaphore, #tpu.memory_space<semaphore_mem>>, %arg11: memref<!tpu.dma_semaphore, #tpu.memory_space<semaphore_mem>>) attributes {dimension_semantics = [#tpu.dimension_semantics<core_parallel>, #tpu.dimension_semantics<subcore_parallel>], iteration_bounds = array<i64: 2, 16>, scalar_prefetch = 0 : i64, scratch_operands = 7 : i64, tpu.core_type = #tpu.core_type<sc_vector_subcore>, window_params = [{transform_indices = #map}, {transform_indices = #map1}, {transform_indices = #map}]} {
    %mul3A = arith.constant 16 : i32
    %mul3A_0 = arith.muli %arg0, %mul3A : i32
    %add3A = arith.addi %mul3A_0, %arg1 : i32
    %mul3A_1 = arith.constant 80 : i32
    %mul3A_2 = arith.muli %add3A, %mul3A_1 : i32
    "tpu.region"() ({
      %run_scoped3A = tpu.sem_alloc : memref<!tpu.dma_semaphore, #tpu.memory_space<semaphore_mem>>
      %dma_start3A = arith.constant 0 : i32
      %dma_start3A_63 = tpu.memref_slice %arg2[%mul3A_2, %dma_start3A] : memref<2560x128xi32, #tpu.memory_space<hbm>> -> memref<80x128xi32, #tpu.memory_space<hbm>>
      %dma_start3A_64 = arith.constant 0 : i32
      %dma_start3A_65 = tpu.memref_slice %arg2[%mul3A_2, %dma_start3A_64] : memref<2560x128xi32, #tpu.memory_space<hbm>> -> memref<80x128xi32, #tpu.memory_space<hbm>>
      tpu.enqueue_dma source(%dma_start3A_65 : memref<80x128xi32, #tpu.memory_space<hbm>>) target(%arg5 : memref<80x128xi32, #tpu.memory_space<vmem>>) target_semaphore(%run_scoped3A : memref<!tpu.dma_semaphore, #tpu.memory_space<semaphore_mem>>)
      %dma_wait3A = arith.constant 0 : i32
      %dma_wait3A_66 = tpu.memref_slice %arg2[%mul3A_2, %dma_wait3A] : memref<2560x128xi32, #tpu.memory_space<hbm>> -> memref<80x128xi32, #tpu.memory_space<hbm>>
      %dma_wait3A_67 = arith.constant 0 : i32
      %dma_wait3A_68 = tpu.memref_slice %arg2[%mul3A_2, %dma_wait3A_67] : memref<2560x128xi32, #tpu.memory_space<hbm>> -> memref<80x128xi32, #tpu.memory_space<hbm>>
      tpu.wait_dma2 semaphore(%run_scoped3A : memref<!tpu.dma_semaphore, #tpu.memory_space<semaphore_mem>>) src(%dma_wait3A_68 : memref<80x128xi32, #tpu.memory_space<hbm>>) dst(%arg5 : memref<80x128xi32, #tpu.memory_space<vmem>>)
      tpu.yield
    }) : () -> ()
    %broadcast_in_dim3A = arith.constant 1.000000e+00 : f32
    %broadcast_in_dim3A_3 = vector.broadcast %broadcast_in_dim3A : f32 to vector<16xf32>
    %swap3A = arith.constant 0 : index
    %swap3A_4 = tpu.vector_load %arg6[%swap3A] {strides = array<i32>} : memref<128xf32, #tpu.memory_space<vmem>>, vector<16xf32>,
    %swap3A_5 = vector.shape_cast %swap3A_4 : vector<16xf32> to vector<16xf32>
    %swap3A_6 = vector.shape_cast %broadcast_in_dim3A_3 : vector<16xf32> to vector<16xf32>
    tpu.vector_store %arg6[%swap3A], %swap3A_6 {strides = array<i32>} : memref<128xf32, #tpu.memory_space<vmem>>, vector<16xf32>,
    %broadcast_in_dim3A_7 = arith.constant 1.000000e+00 : f32
    %broadcast_in_dim3A_8 = vector.broadcast %broadcast_in_dim3A_7 : f32 to vector<16xf32>
    %swap3A_9 = arith.constant 16 : index
    %swap3A_10 = tpu.vector_load %arg6[%swap3A_9] {strides = array<i32>} : memref<128xf32, #tpu.memory_space<vmem>>, vector<16xf32>,
    %swap3A_11 = vector.shape_cast %swap3A_10 : vector<16xf32> to vector<16xf32>
    %swap3A_12 = vector.shape_cast %broadcast_in_dim3A_8 : vector<16xf32> to vector<16xf32>
    tpu.vector_store %arg6[%swap3A_9], %swap3A_12 {strides = array<i32>} : memref<128xf32, #tpu.memory_space<vmem>>, vector<16xf32>,
    %broadcast_in_dim3A_13 = arith.constant 1.000000e+00 : f32
    %broadcast_in_dim3A_14 = vector.broadcast %broadcast_in_dim3A_13 : f32 to vector<16xf32>
    %swap3A_15 = arith.constant 32 : index
    %swap3A_16 = tpu.vector_load %arg6[%swap3A_15] {strides = array<i32>} : memref<128xf32, #tpu.memory_space<vmem>>, vector<16xf32>,
    %swap3A_17 = vector.shape_cast %swap3A_16 : vector<16xf32> to vector<16xf32>
    %swap3A_18 = vector.shape_cast %broadcast_in_dim3A_14 : vector<16xf32> to vector<16xf32>
    tpu.vector_store %arg6[%swap3A_15], %swap3A_18 {strides = array<i32>} : memref<128xf32, #tpu.memory_space<vmem>>, vector<16xf32>,
    %broadcast_in_dim3A_19 = arith.constant 1.000000e+00 : f32
    %broadcast_in_dim3A_20 = vector.broadcast %broadcast_in_dim3A_19 : f32 to vector<16xf32>
    %swap3A_21 = arith.constant 48 : index
    %swap3A_22 = tpu.vector_load %arg6[%swap3A_21] {strides = array<i32>} : memref<128xf32, #tpu.memory_space<vmem>>, vector<16xf32>,
    %swap3A_23 = vector.shape_cast %swap3A_22 : vector<16xf32> to vector<16xf32>
    %swap3A_24 = vector.shape_cast %broadcast_in_dim3A_20 : vector<16xf32> to vector<16xf32>
    tpu.vector_store %arg6[%swap3A_21], %swap3A_24 {strides = array<i32>} : memref<128xf32, #tpu.memory_space<vmem>>, vector<16xf32>,
    %broadcast_in_dim3A_25 = arith.constant 1.000000e+00 : f32
    %broadcast_in_dim3A_26 = vector.broadcast %broadcast_in_dim3A_25 : f32 to vector<16xf32>
    %swap3A_27 = arith.constant 64 : index
    %swap3A_28 = tpu.vector_load %arg6[%swap3A_27] {strides = array<i32>} : memref<128xf32, #tpu.memory_space<vmem>>, vector<16xf32>,
    %swap3A_29 = vector.shape_cast %swap3A_28 : vector<16xf32> to vector<16xf32>
    %swap3A_30 = vector.shape_cast %broadcast_in_dim3A_26 : vector<16xf32> to vector<16xf32>
    tpu.vector_store %arg6[%swap3A_27], %swap3A_30 {strides = array<i32>} : memref<128xf32, #tpu.memory_space<vmem>>, vector<16xf32>,
    %broadcast_in_dim3A_31 = arith.constant 1.000000e+00 : f32
    %broadcast_in_dim3A_32 = vector.broadcast %broadcast_in_dim3A_31 : f32 to vector<16xf32>
    %swap3A_33 = arith.constant 80 : index
    %swap3A_34 = tpu.vector_load %arg6[%swap3A_33] {strides = array<i32>} : memref<128xf32, #tpu.memory_space<vmem>>, vector<16xf32>,
    %swap3A_35 = vector.shape_cast %swap3A_34 : vector<16xf32> to vector<16xf32>
    %swap3A_36 = vector.shape_cast %broadcast_in_dim3A_32 : vector<16xf32> to vector<16xf32>
    tpu.vector_store %arg6[%swap3A_33], %swap3A_36 {strides = array<i32>} : memref<128xf32, #tpu.memory_space<vmem>>, vector<16xf32>,
    %broadcast_in_dim3A_37 = arith.constant 1.000000e+00 : f32
    %broadcast_in_dim3A_38 = vector.broadcast %broadcast_in_dim3A_37 : f32 to vector<16xf32>
    %swap3A_39 = arith.constant 96 : index
    %swap3A_40 = tpu.vector_load %arg6[%swap3A_39] {strides = array<i32>} : memref<128xf32, #tpu.memory_space<vmem>>, vector<16xf32>,
    %swap3A_41 = vector.shape_cast %swap3A_40 : vector<16xf32> to vector<16xf32>
    %swap3A_42 = vector.shape_cast %broadcast_in_dim3A_38 : vector<16xf32> to vector<16xf32>
    tpu.vector_store %arg6[%swap3A_39], %swap3A_42 {strides = array<i32>} : memref<128xf32, #tpu.memory_space<vmem>>, vector<16xf32>,
    %broadcast_in_dim3A_43 = arith.constant 1.000000e+00 : f32
    %broadcast_in_dim3A_44 = vector.broadcast %broadcast_in_dim3A_43 : f32 to vector<16xf32>
    %swap3A_45 = arith.constant 112 : index
    %swap3A_46 = tpu.vector_load %arg6[%swap3A_45] {strides = array<i32>} : memref<128xf32, #tpu.memory_space<vmem>>, vector<16xf32>,
    %swap3A_47 = vector.shape_cast %swap3A_46 : vector<16xf32> to vector<16xf32>
    %swap3A_48 = vector.shape_cast %broadcast_in_dim3A_44 : vector<16xf32> to vector<16xf32>
    tpu.vector_store %arg6[%swap3A_45], %swap3A_48 {strides = array<i32>} : memref<128xf32, #tpu.memory_space<vmem>>, vector<16xf32>,
    %mul3A_49 = arith.constant 640 : i32
    %mul3A_50 = arith.muli %arg1, %mul3A_49 : i32
    "tpu.region"() ({
      %run_scoped3A = tpu.sem_alloc : memref<!tpu.dma_semaphore, #tpu.memory_space<semaphore_mem>>
      %dma_start3A = tpu.memref_slice %arg3[%mul3A_50] : memref<10240xf32, #tpu.memory_space<hbm>> -> memref<640xf32, #tpu.memory_space<hbm>>
      %dma_start3A_63 = tpu.memref_slice %arg3[%mul3A_50] : memref<10240xf32, #tpu.memory_space<hbm>> -> memref<640xf32, #tpu.memory_space<hbm>>
      tpu.enqueue_dma source(%dma_start3A_63 : memref<640xf32, #tpu.memory_space<hbm>>) target(%arg7 : memref<640xf32, #tpu.memory_space<vmem>>) target_semaphore(%run_scoped3A : memref<!tpu.dma_semaphore, #tpu.memory_space<semaphore_mem>>)
      %dma_wait3A = tpu.memref_slice %arg3[%mul3A_50] : memref<10240xf32, #tpu.memory_space<hbm>> -> memref<640xf32, #tpu.memory_space<hbm>>
      %dma_wait3A_64 = tpu.memref_slice %arg3[%mul3A_50] : memref<10240xf32, #tpu.memory_space<hbm>> -> memref<640xf32, #tpu.memory_space<hbm>>
      tpu.wait_dma2 semaphore(%run_scoped3A : memref<!tpu.dma_semaphore, #tpu.memory_space<semaphore_mem>>) src(%dma_wait3A_64 : memref<640xf32, #tpu.memory_space<hbm>>) dst(%arg7 : memref<640xf32, #tpu.memory_space<vmem>>)
      tpu.yield
    }) : () -> ()
    %mul3A_51 = arith.constant 640 : i32
    %mul3A_52 = arith.muli %arg1, %mul3A_51 : i32
    "tpu.region"() ({
      %run_scoped3A = tpu.sem_alloc : memref<!tpu.dma_semaphore, #tpu.memory_space<semaphore_mem>>
      %dma_start3A = tpu.memref_slice %arg9[%mul3A_52] : memref<10240xf32, #tpu.memory_space<vmem_shared>> -> memref<640xf32, #tpu.memory_space<vmem_shared>>
      %dma_start3A_63 = tpu.memref_slice %arg9[%mul3A_52] : memref<10240xf32, #tpu.memory_space<vmem_shared>> -> memref<640xf32, #tpu.memory_space<vmem_shared>>
      tpu.enqueue_dma source(%arg7 : memref<640xf32, #tpu.memory_space<vmem>>) target(%dma_start3A_63 : memref<640xf32, #tpu.memory_space<vmem_shared>>) target_semaphore(%run_scoped3A : memref<!tpu.dma_semaphore, #tpu.memory_space<semaphore_mem>>)
      %dma_wait3A = tpu.memref_slice %arg9[%mul3A_52] : memref<10240xf32, #tpu.memory_space<vmem_shared>> -> memref<640xf32, #tpu.memory_space<vmem_shared>>
      %dma_wait3A_64 = tpu.memref_slice %arg9[%mul3A_52] : memref<10240xf32, #tpu.memory_space<vmem_shared>> -> memref<640xf32, #tpu.memory_space<vmem_shared>>
      tpu.wait_dma2 semaphore(%run_scoped3A : memref<!tpu.dma_semaphore, #tpu.memory_space<semaphore_mem>>) src(%arg7 : memref<640xf32, #tpu.memory_space<vmem>>) dst(%dma_wait3A_64 : memref<640xf32, #tpu.memory_space<vmem_shared>>)
      tpu.yield
    }) : () -> ()
    %barrier3A = arith.constant 0 : index
    tpu.barrier barrier_id(%barrier3A)
    %scan3A = arith.constant 0 : i32
    %scan3A_53 = arith.constant 0 : i32
    %scan3A_54 = arith.constant 40 : i32
    %scan3A_55 = arith.addi %scan3A_53, %scan3A_54 : i32
    %scan3A_56 = arith.constant 1 : i32
    scf.for %scan3A_63 = %scan3A_53 to %scan3A_55 step %scan3A_56  : i32 {
      %mul3A_64 = arith.constant 2 : i32
      %mul3A_65 = arith.muli %mul3A_64, %scan3A_63 : i32
      %dma_start3A = arith.constant 0 : i32
      %dma_start3A_66 = tpu.memref_slice %arg5[%mul3A_65, %dma_start3A] : memref<80x128xi32, #tpu.memory_space<vmem>> -> memref<1x128xi32, #tpu.memory_space<vmem>>
      %dma_start3A_67 = tpu.memref_squeeze %dma_start3A_66 : memref<1x128xi32, #tpu.memory_space<vmem>> -> memref<128xi32, #tpu.memory_space<vmem>>
      %dma_start3A_68 = arith.constant 0 : i32
      %dma_start3A_69 = tpu.memref_slice %arg9[%dma_start3A_68] : memref<10240xf32, #tpu.memory_space<vmem_shared>> -> memref<10240xf32, #tpu.memory_space<vmem_shared>>
      tpu.enqueue_indirect_dma source(%arg6 : memref<128xf32, #tpu.memory_space<vmem>>) target(%dma_start3A_69 : memref<10240xf32, #tpu.memory_space<vmem_shared>>) offsets(%dma_start3A_67 : memref<128xi32, #tpu.memory_space<vmem>>) semaphore(%arg10 : memref<!tpu.dma_semaphore, #tpu.memory_space<semaphore_mem>>) {add = true}
      %mul3A_70 = arith.constant 2 : i32
      %mul3A_71 = arith.muli %mul3A_70, %scan3A_63 : i32
      %add3A_72 = arith.constant 1 : i32
      %add3A_73 = arith.addi %mul3A_71, %add3A_72 : i32
      %dma_start3A_74 = arith.constant 0 : i32
      %dma_start3A_75 = tpu.memref_slice %arg5[%add3A_73, %dma_start3A_74] : memref<80x128xi32, #tpu.memory_space<vmem>> -> memref<1x128xi32, #tpu.memory_space<vmem>>
      %dma_start3A_76 = tpu.memref_squeeze %dma_start3A_75 : memref<1x128xi32, #tpu.memory_space<vmem>> -> memref<128xi32, #tpu.memory_space<vmem>>
      %dma_start3A_77 = arith.constant 0 : i32
      %dma_start3A_78 = tpu.memref_slice %arg9[%dma_start3A_77] : memref<10240xf32, #tpu.memory_space<vmem_shared>> -> memref<10240xf32, #tpu.memory_space<vmem_shared>>
      tpu.enqueue_indirect_dma source(%arg6 : memref<128xf32, #tpu.memory_space<vmem>>) target(%dma_start3A_78 : memref<10240xf32, #tpu.memory_space<vmem_shared>>) offsets(%dma_start3A_76 : memref<128xi32, #tpu.memory_space<vmem>>) semaphore(%arg11 : memref<!tpu.dma_semaphore, #tpu.memory_space<semaphore_mem>>) {add = true}
      %dma_wait3A = arith.constant 0 : i32
      %dma_wait3A_79 = tpu.memref_slice %arg5[%mul3A_65, %dma_wait3A] : memref<80x128xi32, #tpu.memory_space<vmem>> -> memref<1x128xi32, #tpu.memory_space<vmem>>
      %dma_wait3A_80 = tpu.memref_squeeze %dma_wait3A_79 : memref<1x128xi32, #tpu.memory_space<vmem>> -> memref<128xi32, #tpu.memory_space<vmem>>
      %dma_wait3A_81 = arith.constant 0 : i32
      %dma_wait3A_82 = tpu.memref_slice %arg9[%dma_wait3A_81] : memref<10240xf32, #tpu.memory_space<vmem_shared>> -> memref<10240xf32, #tpu.memory_space<vmem_shared>>
      tpu.wait_indirect_dma semaphore(%arg10 : memref<!tpu.dma_semaphore, #tpu.memory_space<semaphore_mem>>) src(%arg6 : memref<128xf32, #tpu.memory_space<vmem>>) dst(%dma_wait3A_82 : memref<10240xf32, #tpu.memory_space<vmem_shared>>)
      %dma_wait3A_83 = arith.constant 0 : i32
      %dma_wait3A_84 = tpu.memref_slice %arg5[%add3A_73, %dma_wait3A_83] : memref<80x128xi32, #tpu.memory_space<vmem>> -> memref<1x128xi32, #tpu.memory_space<vmem>>
      %dma_wait3A_85 = tpu.memref_squeeze %dma_wait3A_84 : memref<1x128xi32, #tpu.memory_space<vmem>> -> memref<128xi32, #tpu.memory_space<vmem>>
      %dma_wait3A_86 = arith.constant 0 : i32
      %dma_wait3A_87 = tpu.memref_slice %arg9[%dma_wait3A_86] : memref<10240xf32, #tpu.memory_space<vmem_shared>> -> memref<10240xf32, #tpu.memory_space<vmem_shared>>
      tpu.wait_indirect_dma semaphore(%arg11 : memref<!tpu.dma_semaphore, #tpu.memory_space<semaphore_mem>>) src(%arg6 : memref<128xf32, #tpu.memory_space<vmem>>) dst(%dma_wait3A_87 : memref<10240xf32, #tpu.memory_space<vmem_shared>>)
    }
    %scan3A_57 = arith.constant 40 : i32
    %barrier3A_58 = arith.constant 0 : index
    tpu.barrier barrier_id(%barrier3A_58)
    %mul3A_59 = arith.constant 640 : i32
    %mul3A_60 = arith.muli %arg1, %mul3A_59 : i32
    "tpu.region"() ({
      %run_scoped3A = tpu.sem_alloc : memref<!tpu.dma_semaphore, #tpu.memory_space<semaphore_mem>>
      %dma_start3A = tpu.memref_slice %arg9[%mul3A_60] : memref<10240xf32, #tpu.memory_space<vmem_shared>> -> memref<640xf32, #tpu.memory_space<vmem_shared>>
      %dma_start3A_63 = tpu.memref_slice %arg9[%mul3A_60] : memref<10240xf32, #tpu.memory_space<vmem_shared>> -> memref<640xf32, #tpu.memory_space<vmem_shared>>
      tpu.enqueue_dma source(%dma_start3A_63 : memref<640xf32, #tpu.memory_space<vmem_shared>>) target(%arg7 : memref<640xf32, #tpu.memory_space<vmem>>) target_semaphore(%run_scoped3A : memref<!tpu.dma_semaphore, #tpu.memory_space<semaphore_mem>>)
      %dma_wait3A = tpu.memref_slice %arg9[%mul3A_60] : memref<10240xf32, #tpu.memory_space<vmem_shared>> -> memref<640xf32, #tpu.memory_space<vmem_shared>>
      %dma_wait3A_64 = tpu.memref_slice %arg9[%mul3A_60] : memref<10240xf32, #tpu.memory_space<vmem_shared>> -> memref<640xf32, #tpu.memory_space<vmem_shared>>
      tpu.wait_dma2 semaphore(%run_scoped3A : memref<!tpu.dma_semaphore, #tpu.memory_space<semaphore_mem>>) src(%dma_wait3A_64 : memref<640xf32, #tpu.memory_space<vmem_shared>>) dst(%arg7 : memref<640xf32, #tpu.memory_space<vmem>>)
      tpu.yield
    }) : () -> ()
    %mul3A_61 = arith.constant 640 : i32
    %mul3A_62 = arith.muli %arg1, %mul3A_61 : i32
    "tpu.region"() ({
      %run_scoped3A = tpu.sem_alloc : memref<!tpu.dma_semaphore, #tpu.memory_space<semaphore_mem>>
      %dma_start3A = tpu.memref_slice %arg4[%arg0, %mul3A_62] : memref<2x10240xf32, #tpu.memory_space<hbm>> -> memref<1x640xf32, #tpu.memory_space<hbm>>
      %dma_start3A_63 = tpu.memref_squeeze %dma_start3A : memref<1x640xf32, #tpu.memory_space<hbm>> -> memref<640xf32, #tpu.memory_space<hbm>>
      %dma_start3A_64 = tpu.memref_slice %arg4[%arg0, %mul3A_62] : memref<2x10240xf32, #tpu.memory_space<hbm>> -> memref<1x640xf32, #tpu.memory_space<hbm>>
      %dma_start3A_65 = tpu.memref_squeeze %dma_start3A_64 : memref<1x640xf32, #tpu.memory_space<hbm>> -> memref<640xf32, #tpu.memory_space<hbm>>
      tpu.enqueue_dma source(%arg7 : memref<640xf32, #tpu.memory_space<vmem>>) target(%dma_start3A_65 : memref<640xf32, #tpu.memory_space<hbm>>) target_semaphore(%run_scoped3A : memref<!tpu.dma_semaphore, #tpu.memory_space<semaphore_mem>>)
      %dma_wait3A = tpu.memref_slice %arg4[%arg0, %mul3A_62] : memref<2x10240xf32, #tpu.memory_space<hbm>> -> memref<1x640xf32, #tpu.memory_space<hbm>>
      %dma_wait3A_66 = tpu.memref_squeeze %dma_wait3A : memref<1x640xf32, #tpu.memory_space<hbm>> -> memref<640xf32, #tpu.memory_space<hbm>>
      %dma_wait3A_67 = tpu.memref_slice %arg4[%arg0, %mul3A_62] : memref<2x10240xf32, #tpu.memory_space<hbm>> -> memref<1x640xf32, #tpu.memory_space<hbm>>
      %dma_wait3A_68 = tpu.memref_squeeze %dma_wait3A_67 : memref<1x640xf32, #tpu.memory_space<hbm>> -> memref<640xf32, #tpu.memory_space<hbm>>
      tpu.wait_dma2 semaphore(%run_scoped3A : memref<!tpu.dma_semaphore, #tpu.memory_space<semaphore_mem>>) src(%arg7 : memref<640xf32, #tpu.memory_space<vmem>>) dst(%dma_wait3A_68 : memref<640xf32, #tpu.memory_space<hbm>>)
      tpu.yield
    }) : () -> ()
    return
  }
}

#map = affine_map<(d0, d1) -> (0, 0)>
#map1 = affine_map<(d0, d1) -> (0)>
#map2 = affine_map<(d0, d1) -> (0, 0, 0)>
module attributes {stable_mosaic.version = 14 : i64} {
  func.func @agg_kernel(%arg0: i32, %arg1: i32, %arg2: memref<10240x128xf32, #tpu.memory_space<hbm>>, %arg3: memref<327680xi32, #tpu.memory_space<hbm>>, %arg4: memref<2560x128xi32, #tpu.memory_space<hbm>>, %arg5: memref<10240x128xf32, #tpu.memory_space<hbm>>, %arg6: memref<2x10240x128xf32, #tpu.memory_space<hbm>>, %arg7: memref<10240xi32, #tpu.memory_space<vmem>>, %arg8: memref<40x128xi32, #tpu.memory_space<vmem>>, %arg9: memref<128x128xf32, #tpu.memory_space<vmem>>, %arg10: memref<128x128xf32, #tpu.memory_space<vmem>>, %arg11: memref<10240x128xf32, #tpu.memory_space<vmem_shared>>, %arg12: memref<!tpu.dma_semaphore, #tpu.memory_space<semaphore_mem>>, %arg13: memref<!tpu.dma_semaphore, #tpu.memory_space<semaphore_mem>>, %arg14: memref<!tpu.dma_semaphore, #tpu.memory_space<semaphore_mem>>, %arg15: memref<!tpu.dma_semaphore, #tpu.memory_space<semaphore_mem>>) attributes {dimension_semantics = [#tpu.dimension_semantics<core_parallel>, #tpu.dimension_semantics<subcore_parallel>], iteration_bounds = array<i64: 2, 16>, scalar_prefetch = 0 : i64, scratch_operands = 9 : i64, tpu.core_type = #tpu.core_type<sc_vector_subcore>, window_params = [{transform_indices = #map}, {transform_indices = #map1}, {transform_indices = #map}, {transform_indices = #map}, {transform_indices = #map2}]} {
    %mul3A = arith.constant 16 : i32
    %mul3A_0 = arith.muli %arg0, %mul3A : i32
    %add3A = arith.addi %mul3A_0, %arg1 : i32
    %mul3A_1 = arith.constant 80 : i32
    %mul3A_2 = arith.muli %add3A, %mul3A_1 : i32
    %mul3A_3 = arith.constant 128 : i32
    %mul3A_4 = arith.muli %mul3A_2, %mul3A_3 : i32
    "tpu.region"() ({
      %run_scoped3A = tpu.sem_alloc : memref<!tpu.dma_semaphore, #tpu.memory_space<semaphore_mem>>
      %dma_start3A = tpu.memref_slice %arg3[%mul3A_4] : memref<327680xi32, #tpu.memory_space<hbm>> -> memref<10240xi32, #tpu.memory_space<hbm>>
      %dma_start3A_65 = tpu.memref_slice %arg3[%mul3A_4] : memref<327680xi32, #tpu.memory_space<hbm>> -> memref<10240xi32, #tpu.memory_space<hbm>>
      tpu.enqueue_dma source(%dma_start3A_65 : memref<10240xi32, #tpu.memory_space<hbm>>) target(%arg7 : memref<10240xi32, #tpu.memory_space<vmem>>) target_semaphore(%run_scoped3A : memref<!tpu.dma_semaphore, #tpu.memory_space<semaphore_mem>>)
      %dma_wait3A = tpu.memref_slice %arg3[%mul3A_4] : memref<327680xi32, #tpu.memory_space<hbm>> -> memref<10240xi32, #tpu.memory_space<hbm>>
      %dma_wait3A_66 = tpu.memref_slice %arg3[%mul3A_4] : memref<327680xi32, #tpu.memory_space<hbm>> -> memref<10240xi32, #tpu.memory_space<hbm>>
      tpu.wait_dma2 semaphore(%run_scoped3A : memref<!tpu.dma_semaphore, #tpu.memory_space<semaphore_mem>>) src(%dma_wait3A_66 : memref<10240xi32, #tpu.memory_space<hbm>>) dst(%arg7 : memref<10240xi32, #tpu.memory_space<vmem>>)
      tpu.yield
    }) : () -> ()
    %mul3A_5 = arith.constant 640 : i32
    %mul3A_6 = arith.muli %arg1, %mul3A_5 : i32
    %add3A_7 = arith.constant 0 : i32
    %add3A_8 = arith.addi %mul3A_6, %add3A_7 : i32
    "tpu.region"() ({
      %run_scoped3A = tpu.sem_alloc : memref<!tpu.dma_semaphore, #tpu.memory_space<semaphore_mem>>
      %dma_start3A = arith.constant 0 : i32
      %dma_start3A_65 = tpu.memref_slice %arg5[%add3A_8, %dma_start3A] : memref<10240x128xf32, #tpu.memory_space<hbm>> -> memref<128x128xf32, #tpu.memory_space<hbm>>
      %dma_start3A_66 = arith.constant 0 : i32
      %dma_start3A_67 = tpu.memref_slice %arg5[%add3A_8, %dma_start3A_66] : memref<10240x128xf32, #tpu.memory_space<hbm>> -> memref<128x128xf32, #tpu.memory_space<hbm>>
      tpu.enqueue_dma source(%dma_start3A_67 : memref<128x128xf32, #tpu.memory_space<hbm>>) target(%arg9 : memref<128x128xf32, #tpu.memory_space<vmem>>) target_semaphore(%run_scoped3A : memref<!tpu.dma_semaphore, #tpu.memory_space<semaphore_mem>>)
      %dma_wait3A = arith.constant 0 : i32
      %dma_wait3A_68 = tpu.memref_slice %arg5[%add3A_8, %dma_wait3A] : memref<10240x128xf32, #tpu.memory_space<hbm>> -> memref<128x128xf32, #tpu.memory_space<hbm>>
      %dma_wait3A_69 = arith.constant 0 : i32
      %dma_wait3A_70 = tpu.memref_slice %arg5[%add3A_8, %dma_wait3A_69] : memref<10240x128xf32, #tpu.memory_space<hbm>> -> memref<128x128xf32, #tpu.memory_space<hbm>>
      tpu.wait_dma2 semaphore(%run_scoped3A : memref<!tpu.dma_semaphore, #tpu.memory_space<semaphore_mem>>) src(%dma_wait3A_70 : memref<128x128xf32, #tpu.memory_space<hbm>>) dst(%arg9 : memref<128x128xf32, #tpu.memory_space<vmem>>)
      tpu.yield
    }) : () -> ()
    "tpu.region"() ({
      %run_scoped3A = tpu.sem_alloc : memref<!tpu.dma_semaphore, #tpu.memory_space<semaphore_mem>>
      %dma_start3A = arith.constant 0 : i32
      %dma_start3A_65 = tpu.memref_slice %arg11[%add3A_8, %dma_start3A] : memref<10240x128xf32, #tpu.memory_space<vmem_shared>> -> memref<128x128xf32, #tpu.memory_space<vmem_shared>>
      %dma_start3A_66 = arith.constant 0 : i32
      %dma_start3A_67 = tpu.memref_slice %arg11[%add3A_8, %dma_start3A_66] : memref<10240x128xf32, #tpu.memory_space<vmem_shared>> -> memref<128x128xf32, #tpu.memory_space<vmem_shared>>
      tpu.enqueue_dma source(%arg9 : memref<128x128xf32, #tpu.memory_space<vmem>>) target(%dma_start3A_67 : memref<128x128xf32, #tpu.memory_space<vmem_shared>>) target_semaphore(%run_scoped3A : memref<!tpu.dma_semaphore, #tpu.memory_space<semaphore_mem>>)
      %dma_wait3A = arith.constant 0 : i32
      %dma_wait3A_68 = tpu.memref_slice %arg11[%add3A_8, %dma_wait3A] : memref<10240x128xf32, #tpu.memory_space<vmem_shared>> -> memref<128x128xf32, #tpu.memory_space<vmem_shared>>
      %dma_wait3A_69 = arith.constant 0 : i32
      %dma_wait3A_70 = tpu.memref_slice %arg11[%add3A_8, %dma_wait3A_69] : memref<10240x128xf32, #tpu.memory_space<vmem_shared>> -> memref<128x128xf32, #tpu.memory_space<vmem_shared>>
      tpu.wait_dma2 semaphore(%run_scoped3A : memref<!tpu.dma_semaphore, #tpu.memory_space<semaphore_mem>>) src(%arg9 : memref<128x128xf32, #tpu.memory_space<vmem>>) dst(%dma_wait3A_70 : memref<128x128xf32, #tpu.memory_space<vmem_shared>>)
      tpu.yield
    }) : () -> ()
    %mul3A_9 = arith.constant 640 : i32
    %mul3A_10 = arith.muli %arg1, %mul3A_9 : i32
    %add3A_11 = arith.constant 128 : i32
    %add3A_12 = arith.addi %mul3A_10, %add3A_11 : i32
    "tpu.region"() ({
      %run_scoped3A = tpu.sem_alloc : memref<!tpu.dma_semaphore, #tpu.memory_space<semaphore_mem>>
      %dma_start3A = arith.constant 0 : i32
      %dma_start3A_65 = tpu.memref_slice %arg5[%add3A_12, %dma_start3A] : memref<10240x128xf32, #tpu.memory_space<hbm>> -> memref<128x128xf32, #tpu.memory_space<hbm>>
      %dma_start3A_66 = arith.constant 0 : i32
      %dma_start3A_67 = tpu.memref_slice %arg5[%add3A_12, %dma_start3A_66] : memref<10240x128xf32, #tpu.memory_space<hbm>> -> memref<128x128xf32, #tpu.memory_space<hbm>>
      tpu.enqueue_dma source(%dma_start3A_67 : memref<128x128xf32, #tpu.memory_space<hbm>>) target(%arg9 : memref<128x128xf32, #tpu.memory_space<vmem>>) target_semaphore(%run_scoped3A : memref<!tpu.dma_semaphore, #tpu.memory_space<semaphore_mem>>)
      %dma_wait3A = arith.constant 0 : i32
      %dma_wait3A_68 = tpu.memref_slice %arg5[%add3A_12, %dma_wait3A] : memref<10240x128xf32, #tpu.memory_space<hbm>> -> memref<128x128xf32, #tpu.memory_space<hbm>>
      %dma_wait3A_69 = arith.constant 0 : i32
      %dma_wait3A_70 = tpu.memref_slice %arg5[%add3A_12, %dma_wait3A_69] : memref<10240x128xf32, #tpu.memory_space<hbm>> -> memref<128x128xf32, #tpu.memory_space<hbm>>
      tpu.wait_dma2 semaphore(%run_scoped3A : memref<!tpu.dma_semaphore, #tpu.memory_space<semaphore_mem>>) src(%dma_wait3A_70 : memref<128x128xf32, #tpu.memory_space<hbm>>) dst(%arg9 : memref<128x128xf32, #tpu.memory_space<vmem>>)
      tpu.yield
    }) : () -> ()
    "tpu.region"() ({
      %run_scoped3A = tpu.sem_alloc : memref<!tpu.dma_semaphore, #tpu.memory_space<semaphore_mem>>
      %dma_start3A = arith.constant 0 : i32
      %dma_start3A_65 = tpu.memref_slice %arg11[%add3A_12, %dma_start3A] : memref<10240x128xf32, #tpu.memory_space<vmem_shared>> -> memref<128x128xf32, #tpu.memory_space<vmem_shared>>
      %dma_start3A_66 = arith.constant 0 : i32
      %dma_start3A_67 = tpu.memref_slice %arg11[%add3A_12, %dma_start3A_66] : memref<10240x128xf32, #tpu.memory_space<vmem_shared>> -> memref<128x128xf32, #tpu.memory_space<vmem_shared>>
      tpu.enqueue_dma source(%arg9 : memref<128x128xf32, #tpu.memory_space<vmem>>) target(%dma_start3A_67 : memref<128x128xf32, #tpu.memory_space<vmem_shared>>) target_semaphore(%run_scoped3A : memref<!tpu.dma_semaphore, #tpu.memory_space<semaphore_mem>>)
      %dma_wait3A = arith.constant 0 : i32
      %dma_wait3A_68 = tpu.memref_slice %arg11[%add3A_12, %dma_wait3A] : memref<10240x128xf32, #tpu.memory_space<vmem_shared>> -> memref<128x128xf32, #tpu.memory_space<vmem_shared>>
      %dma_wait3A_69 = arith.constant 0 : i32
      %dma_wait3A_70 = tpu.memref_slice %arg11[%add3A_12, %dma_wait3A_69] : memref<10240x128xf32, #tpu.memory_space<vmem_shared>> -> memref<128x128xf32, #tpu.memory_space<vmem_shared>>
      tpu.wait_dma2 semaphore(%run_scoped3A : memref<!tpu.dma_semaphore, #tpu.memory_space<semaphore_mem>>) src(%arg9 : memref<128x128xf32, #tpu.memory_space<vmem>>) dst(%dma_wait3A_70 : memref<128x128xf32, #tpu.memory_space<vmem_shared>>)
      tpu.yield
    }) : () -> ()
    %mul3A_13 = arith.constant 640 : i32
    %mul3A_14 = arith.muli %arg1, %mul3A_13 : i32
    %add3A_15 = arith.constant 256 : i32
    %add3A_16 = arith.addi %mul3A_14, %add3A_15 : i32
    "tpu.region"() ({
      %run_scoped3A = tpu.sem_alloc : memref<!tpu.dma_semaphore, #tpu.memory_space<semaphore_mem>>
      %dma_start3A = arith.constant 0 : i32
      %dma_start3A_65 = tpu.memref_slice %arg5[%add3A_16, %dma_start3A] : memref<10240x128xf32, #tpu.memory_space<hbm>> -> memref<128x128xf32, #tpu.memory_space<hbm>>
      %dma_start3A_66 = arith.constant 0 : i32
      %dma_start3A_67 = tpu.memref_slice %arg5[%add3A_16, %dma_start3A_66] : memref<10240x128xf32, #tpu.memory_space<hbm>> -> memref<128x128xf32, #tpu.memory_space<hbm>>
      tpu.enqueue_dma source(%dma_start3A_67 : memref<128x128xf32, #tpu.memory_space<hbm>>) target(%arg9 : memref<128x128xf32, #tpu.memory_space<vmem>>) target_semaphore(%run_scoped3A : memref<!tpu.dma_semaphore, #tpu.memory_space<semaphore_mem>>)
      %dma_wait3A = arith.constant 0 : i32
      %dma_wait3A_68 = tpu.memref_slice %arg5[%add3A_16, %dma_wait3A] : memref<10240x128xf32, #tpu.memory_space<hbm>> -> memref<128x128xf32, #tpu.memory_space<hbm>>
      %dma_wait3A_69 = arith.constant 0 : i32
      %dma_wait3A_70 = tpu.memref_slice %arg5[%add3A_16, %dma_wait3A_69] : memref<10240x128xf32, #tpu.memory_space<hbm>> -> memref<128x128xf32, #tpu.memory_space<hbm>>
      tpu.wait_dma2 semaphore(%run_scoped3A : memref<!tpu.dma_semaphore, #tpu.memory_space<semaphore_mem>>) src(%dma_wait3A_70 : memref<128x128xf32, #tpu.memory_space<hbm>>) dst(%arg9 : memref<128x128xf32, #tpu.memory_space<vmem>>)
      tpu.yield
    }) : () -> ()
    "tpu.region"() ({
      %run_scoped3A = tpu.sem_alloc : memref<!tpu.dma_semaphore, #tpu.memory_space<semaphore_mem>>
      %dma_start3A = arith.constant 0 : i32
      %dma_start3A_65 = tpu.memref_slice %arg11[%add3A_16, %dma_start3A] : memref<10240x128xf32, #tpu.memory_space<vmem_shared>> -> memref<128x128xf32, #tpu.memory_space<vmem_shared>>
      %dma_start3A_66 = arith.constant 0 : i32
      %dma_start3A_67 = tpu.memref_slice %arg11[%add3A_16, %dma_start3A_66] : memref<10240x128xf32, #tpu.memory_space<vmem_shared>> -> memref<128x128xf32, #tpu.memory_space<vmem_shared>>
      tpu.enqueue_dma source(%arg9 : memref<128x128xf32, #tpu.memory_space<vmem>>) target(%dma_start3A_67 : memref<128x128xf32, #tpu.memory_space<vmem_shared>>) target_semaphore(%run_scoped3A : memref<!tpu.dma_semaphore, #tpu.memory_space<semaphore_mem>>)
      %dma_wait3A = arith.constant 0 : i32
      %dma_wait3A_68 = tpu.memref_slice %arg11[%add3A_16, %dma_wait3A] : memref<10240x128xf32, #tpu.memory_space<vmem_shared>> -> memref<128x128xf32, #tpu.memory_space<vmem_shared>>
      %dma_wait3A_69 = arith.constant 0 : i32
      %dma_wait3A_70 = tpu.memref_slice %arg11[%add3A_16, %dma_wait3A_69] : memref<10240x128xf32, #tpu.memory_space<vmem_shared>> -> memref<128x128xf32, #tpu.memory_space<vmem_shared>>
      tpu.wait_dma2 semaphore(%run_scoped3A : memref<!tpu.dma_semaphore, #tpu.memory_space<semaphore_mem>>) src(%arg9 : memref<128x128xf32, #tpu.memory_space<vmem>>) dst(%dma_wait3A_70 : memref<128x128xf32, #tpu.memory_space<vmem_shared>>)
      tpu.yield
    }) : () -> ()
    %mul3A_17 = arith.constant 640 : i32
    %mul3A_18 = arith.muli %arg1, %mul3A_17 : i32
    %add3A_19 = arith.constant 384 : i32
    %add3A_20 = arith.addi %mul3A_18, %add3A_19 : i32
    "tpu.region"() ({
      %run_scoped3A = tpu.sem_alloc : memref<!tpu.dma_semaphore, #tpu.memory_space<semaphore_mem>>
      %dma_start3A = arith.constant 0 : i32
      %dma_start3A_65 = tpu.memref_slice %arg5[%add3A_20, %dma_start3A] : memref<10240x128xf32, #tpu.memory_space<hbm>> -> memref<128x128xf32, #tpu.memory_space<hbm>>
      %dma_start3A_66 = arith.constant 0 : i32
      %dma_start3A_67 = tpu.memref_slice %arg5[%add3A_20, %dma_start3A_66] : memref<10240x128xf32, #tpu.memory_space<hbm>> -> memref<128x128xf32, #tpu.memory_space<hbm>>
      tpu.enqueue_dma source(%dma_start3A_67 : memref<128x128xf32, #tpu.memory_space<hbm>>) target(%arg9 : memref<128x128xf32, #tpu.memory_space<vmem>>) target_semaphore(%run_scoped3A : memref<!tpu.dma_semaphore, #tpu.memory_space<semaphore_mem>>)
      %dma_wait3A = arith.constant 0 : i32
      %dma_wait3A_68 = tpu.memref_slice %arg5[%add3A_20, %dma_wait3A] : memref<10240x128xf32, #tpu.memory_space<hbm>> -> memref<128x128xf32, #tpu.memory_space<hbm>>
      %dma_wait3A_69 = arith.constant 0 : i32
      %dma_wait3A_70 = tpu.memref_slice %arg5[%add3A_20, %dma_wait3A_69] : memref<10240x128xf32, #tpu.memory_space<hbm>> -> memref<128x128xf32, #tpu.memory_space<hbm>>
      tpu.wait_dma2 semaphore(%run_scoped3A : memref<!tpu.dma_semaphore, #tpu.memory_space<semaphore_mem>>) src(%dma_wait3A_70 : memref<128x128xf32, #tpu.memory_space<hbm>>) dst(%arg9 : memref<128x128xf32, #tpu.memory_space<vmem>>)
      tpu.yield
    }) : () -> ()
    "tpu.region"() ({
      %run_scoped3A = tpu.sem_alloc : memref<!tpu.dma_semaphore, #tpu.memory_space<semaphore_mem>>
      %dma_start3A = arith.constant 0 : i32
      %dma_start3A_65 = tpu.memref_slice %arg11[%add3A_20, %dma_start3A] : memref<10240x128xf32, #tpu.memory_space<vmem_shared>> -> memref<128x128xf32, #tpu.memory_space<vmem_shared>>
      %dma_start3A_66 = arith.constant 0 : i32
      %dma_start3A_67 = tpu.memref_slice %arg11[%add3A_20, %dma_start3A_66] : memref<10240x128xf32, #tpu.memory_space<vmem_shared>> -> memref<128x128xf32, #tpu.memory_space<vmem_shared>>
      tpu.enqueue_dma source(%arg9 : memref<128x128xf32, #tpu.memory_space<vmem>>) target(%dma_start3A_67 : memref<128x128xf32, #tpu.memory_space<vmem_shared>>) target_semaphore(%run_scoped3A : memref<!tpu.dma_semaphore, #tpu.memory_space<semaphore_mem>>)
      %dma_wait3A = arith.constant 0 : i32
      %dma_wait3A_68 = tpu.memref_slice %arg11[%add3A_20, %dma_wait3A] : memref<10240x128xf32, #tpu.memory_space<vmem_shared>> -> memref<128x128xf32, #tpu.memory_space<vmem_shared>>
      %dma_wait3A_69 = arith.constant 0 : i32
      %dma_wait3A_70 = tpu.memref_slice %arg11[%add3A_20, %dma_wait3A_69] : memref<10240x128xf32, #tpu.memory_space<vmem_shared>> -> memref<128x128xf32, #tpu.memory_space<vmem_shared>>
      tpu.wait_dma2 semaphore(%run_scoped3A : memref<!tpu.dma_semaphore, #tpu.memory_space<semaphore_mem>>) src(%arg9 : memref<128x128xf32, #tpu.memory_space<vmem>>) dst(%dma_wait3A_70 : memref<128x128xf32, #tpu.memory_space<vmem_shared>>)
      tpu.yield
    }) : () -> ()
    %mul3A_21 = arith.constant 640 : i32
    %mul3A_22 = arith.muli %arg1, %mul3A_21 : i32
    %add3A_23 = arith.constant 512 : i32
    %add3A_24 = arith.addi %mul3A_22, %add3A_23 : i32
    "tpu.region"() ({
      %run_scoped3A = tpu.sem_alloc : memref<!tpu.dma_semaphore, #tpu.memory_space<semaphore_mem>>
      %dma_start3A = arith.constant 0 : i32
      %dma_start3A_65 = tpu.memref_slice %arg5[%add3A_24, %dma_start3A] : memref<10240x128xf32, #tpu.memory_space<hbm>> -> memref<128x128xf32, #tpu.memory_space<hbm>>
      %dma_start3A_66 = arith.constant 0 : i32
      %dma_start3A_67 = tpu.memref_slice %arg5[%add3A_24, %dma_start3A_66] : memref<10240x128xf32, #tpu.memory_space<hbm>> -> memref<128x128xf32, #tpu.memory_space<hbm>>
      tpu.enqueue_dma source(%dma_start3A_67 : memref<128x128xf32, #tpu.memory_space<hbm>>) target(%arg9 : memref<128x128xf32, #tpu.memory_space<vmem>>) target_semaphore(%run_scoped3A : memref<!tpu.dma_semaphore, #tpu.memory_space<semaphore_mem>>)
      %dma_wait3A = arith.constant 0 : i32
      %dma_wait3A_68 = tpu.memref_slice %arg5[%add3A_24, %dma_wait3A] : memref<10240x128xf32, #tpu.memory_space<hbm>> -> memref<128x128xf32, #tpu.memory_space<hbm>>
      %dma_wait3A_69 = arith.constant 0 : i32
      %dma_wait3A_70 = tpu.memref_slice %arg5[%add3A_24, %dma_wait3A_69] : memref<10240x128xf32, #tpu.memory_space<hbm>> -> memref<128x128xf32, #tpu.memory_space<hbm>>
      tpu.wait_dma2 semaphore(%run_scoped3A : memref<!tpu.dma_semaphore, #tpu.memory_space<semaphore_mem>>) src(%dma_wait3A_70 : memref<128x128xf32, #tpu.memory_space<hbm>>) dst(%arg9 : memref<128x128xf32, #tpu.memory_space<vmem>>)
      tpu.yield
    }) : () -> ()
    "tpu.region"() ({
      %run_scoped3A = tpu.sem_alloc : memref<!tpu.dma_semaphore, #tpu.memory_space<semaphore_mem>>
      %dma_start3A = arith.constant 0 : i32
      %dma_start3A_65 = tpu.memref_slice %arg11[%add3A_24, %dma_start3A] : memref<10240x128xf32, #tpu.memory_space<vmem_shared>> -> memref<128x128xf32, #tpu.memory_space<vmem_shared>>
      %dma_start3A_66 = arith.constant 0 : i32
      %dma_start3A_67 = tpu.memref_slice %arg11[%add3A_24, %dma_start3A_66] : memref<10240x128xf32, #tpu.memory_space<vmem_shared>> -> memref<128x128xf32, #tpu.memory_space<vmem_shared>>
      tpu.enqueue_dma source(%arg9 : memref<128x128xf32, #tpu.memory_space<vmem>>) target(%dma_start3A_67 : memref<128x128xf32, #tpu.memory_space<vmem_shared>>) target_semaphore(%run_scoped3A : memref<!tpu.dma_semaphore, #tpu.memory_space<semaphore_mem>>)
      %dma_wait3A = arith.constant 0 : i32
      %dma_wait3A_68 = tpu.memref_slice %arg11[%add3A_24, %dma_wait3A] : memref<10240x128xf32, #tpu.memory_space<vmem_shared>> -> memref<128x128xf32, #tpu.memory_space<vmem_shared>>
      %dma_wait3A_69 = arith.constant 0 : i32
      %dma_wait3A_70 = tpu.memref_slice %arg11[%add3A_24, %dma_wait3A_69] : memref<10240x128xf32, #tpu.memory_space<vmem_shared>> -> memref<128x128xf32, #tpu.memory_space<vmem_shared>>
      tpu.wait_dma2 semaphore(%run_scoped3A : memref<!tpu.dma_semaphore, #tpu.memory_space<semaphore_mem>>) src(%arg9 : memref<128x128xf32, #tpu.memory_space<vmem>>) dst(%dma_wait3A_70 : memref<128x128xf32, #tpu.memory_space<vmem_shared>>)
      tpu.yield
    }) : () -> ()
    %barrier3A = arith.constant 0 : index
    tpu.barrier barrier_id(%barrier3A)
    %mul3A_25 = arith.constant 80 : i32
    %mul3A_26 = arith.muli %add3A, %mul3A_25 : i32
    %add3A_27 = arith.constant 0 : i32
    %add3A_28 = arith.addi %mul3A_26, %add3A_27 : i32
    "tpu.region"() ({
      %run_scoped3A = tpu.sem_alloc : memref<!tpu.dma_semaphore, #tpu.memory_space<semaphore_mem>>
      %dma_start3A = arith.constant 0 : i32
      %dma_start3A_65 = tpu.memref_slice %arg4[%add3A_28, %dma_start3A] : memref<2560x128xi32, #tpu.memory_space<hbm>> -> memref<40x128xi32, #tpu.memory_space<hbm>>
      %dma_start3A_66 = arith.constant 0 : i32
      %dma_start3A_67 = tpu.memref_slice %arg4[%add3A_28, %dma_start3A_66] : memref<2560x128xi32, #tpu.memory_space<hbm>> -> memref<40x128xi32, #tpu.memory_space<hbm>>
      tpu.enqueue_dma source(%dma_start3A_67 : memref<40x128xi32, #tpu.memory_space<hbm>>) target(%arg8 : memref<40x128xi32, #tpu.memory_space<vmem>>) target_semaphore(%run_scoped3A : memref<!tpu.dma_semaphore, #tpu.memory_space<semaphore_mem>>)
      %dma_wait3A = arith.constant 0 : i32
      %dma_wait3A_68 = tpu.memref_slice %arg4[%add3A_28, %dma_wait3A] : memref<2560x128xi32, #tpu.memory_space<hbm>> -> memref<40x128xi32, #tpu.memory_space<hbm>>
      %dma_wait3A_69 = arith.constant 0 : i32
      %dma_wait3A_70 = tpu.memref_slice %arg4[%add3A_28, %dma_wait3A_69] : memref<2560x128xi32, #tpu.memory_space<hbm>> -> memref<40x128xi32, #tpu.memory_space<hbm>>
      tpu.wait_dma2 semaphore(%run_scoped3A : memref<!tpu.dma_semaphore, #tpu.memory_space<semaphore_mem>>) src(%dma_wait3A_70 : memref<40x128xi32, #tpu.memory_space<hbm>>) dst(%arg8 : memref<40x128xi32, #tpu.memory_space<vmem>>)
      tpu.yield
    }) : () -> ()
    %scan3A = arith.constant 0 : i32
    %scan3A_29 = arith.constant 0 : i32
    %scan3A_30 = arith.constant 20 : i32
    %scan3A_31 = arith.addi %scan3A_29, %scan3A_30 : i32
    %scan3A_32 = arith.constant 1 : i32
    scf.for %scan3A_65 = %scan3A_29 to %scan3A_31 step %scan3A_32  : i32 {
      %mul3A_66 = arith.constant 2 : i32
      %mul3A_67 = arith.muli %mul3A_66, %scan3A_65 : i32
      %add3A_68 = arith.constant 0 : i32
      %add3A_69 = arith.addi %add3A_68, %mul3A_67 : i32
      %mul3A_70 = arith.constant 128 : i32
      %mul3A_71 = arith.muli %add3A_69, %mul3A_70 : i32
      %dma_start3A = tpu.memref_slice %arg7[%mul3A_71] : memref<10240xi32, #tpu.memory_space<vmem>> -> memref<128xi32, #tpu.memory_space<vmem>>
      %dma_start3A_72 = arith.constant 0 : i32
      %dma_start3A_73 = arith.constant 0 : i32
      %dma_start3A_74 = tpu.memref_slice %arg2[%dma_start3A_72, %dma_start3A_73] : memref<10240x128xf32, #tpu.memory_space<hbm>> -> memref<10240x128xf32, #tpu.memory_space<hbm>>
      tpu.enqueue_indirect_dma source(%dma_start3A_74 : memref<10240x128xf32, #tpu.memory_space<hbm>>) target(%arg9 : memref<128x128xf32, #tpu.memory_space<vmem>>) offsets(%dma_start3A : memref<128xi32, #tpu.memory_space<vmem>>) semaphore(%arg12 : memref<!tpu.dma_semaphore, #tpu.memory_space<semaphore_mem>>)
      %add3A_75 = arith.constant 128 : i32
      %add3A_76 = arith.addi %mul3A_71, %add3A_75 : i32
      %dma_start3A_77 = tpu.memref_slice %arg7[%add3A_76] : memref<10240xi32, #tpu.memory_space<vmem>> -> memref<128xi32, #tpu.memory_space<vmem>>
      %dma_start3A_78 = arith.constant 0 : i32
      %dma_start3A_79 = arith.constant 0 : i32
      %dma_start3A_80 = tpu.memref_slice %arg2[%dma_start3A_78, %dma_start3A_79] : memref<10240x128xf32, #tpu.memory_space<hbm>> -> memref<10240x128xf32, #tpu.memory_space<hbm>>
      tpu.enqueue_indirect_dma source(%dma_start3A_80 : memref<10240x128xf32, #tpu.memory_space<hbm>>) target(%arg10 : memref<128x128xf32, #tpu.memory_space<vmem>>) offsets(%dma_start3A_77 : memref<128xi32, #tpu.memory_space<vmem>>) semaphore(%arg13 : memref<!tpu.dma_semaphore, #tpu.memory_space<semaphore_mem>>)
      %dma_wait3A = tpu.memref_slice %arg7[%mul3A_71] : memref<10240xi32, #tpu.memory_space<vmem>> -> memref<128xi32, #tpu.memory_space<vmem>>
      %dma_wait3A_81 = arith.constant 0 : i32
      %dma_wait3A_82 = arith.constant 0 : i32
      %dma_wait3A_83 = tpu.memref_slice %arg2[%dma_wait3A_81, %dma_wait3A_82] : memref<10240x128xf32, #tpu.memory_space<hbm>> -> memref<10240x128xf32, #tpu.memory_space<hbm>>
      tpu.wait_indirect_dma semaphore(%arg12 : memref<!tpu.dma_semaphore, #tpu.memory_space<semaphore_mem>>) src(%dma_wait3A_83 : memref<10240x128xf32, #tpu.memory_space<hbm>>) dst(%arg9 : memref<128x128xf32, #tpu.memory_space<vmem>>)
      %mul3A_84 = arith.constant 2 : i32
      %mul3A_85 = arith.muli %mul3A_84, %scan3A_65 : i32
      %dma_start3A_86 = arith.constant 0 : i32
      %dma_start3A_87 = tpu.memref_slice %arg8[%mul3A_85, %dma_start3A_86] : memref<40x128xi32, #tpu.memory_space<vmem>> -> memref<1x128xi32, #tpu.memory_space<vmem>>
      %dma_start3A_88 = tpu.memref_squeeze %dma_start3A_87 : memref<1x128xi32, #tpu.memory_space<vmem>> -> memref<128xi32, #tpu.memory_space<vmem>>
      %dma_start3A_89 = arith.constant 0 : i32
      %dma_start3A_90 = arith.constant 0 : i32
      %dma_start3A_91 = tpu.memref_slice %arg11[%dma_start3A_89, %dma_start3A_90] : memref<10240x128xf32, #tpu.memory_space<vmem_shared>> -> memref<10240x128xf32, #tpu.memory_space<vmem_shared>>
      tpu.enqueue_indirect_dma source(%arg9 : memref<128x128xf32, #tpu.memory_space<vmem>>) target(%dma_start3A_91 : memref<10240x128xf32, #tpu.memory_space<vmem_shared>>) offsets(%dma_start3A_88 : memref<128xi32, #tpu.memory_space<vmem>>) semaphore(%arg14 : memref<!tpu.dma_semaphore, #tpu.memory_space<semaphore_mem>>) {add = true}
      %dma_wait3A_92 = tpu.memref_slice %arg7[%add3A_76] : memref<10240xi32, #tpu.memory_space<vmem>> -> memref<128xi32, #tpu.memory_space<vmem>>
      %dma_wait3A_93 = arith.constant 0 : i32
      %dma_wait3A_94 = arith.constant 0 : i32
      %dma_wait3A_95 = tpu.memref_slice %arg2[%dma_wait3A_93, %dma_wait3A_94] : memref<10240x128xf32, #tpu.memory_space<hbm>> -> memref<10240x128xf32, #tpu.memory_space<hbm>>
      tpu.wait_indirect_dma semaphore(%arg13 : memref<!tpu.dma_semaphore, #tpu.memory_space<semaphore_mem>>) src(%dma_wait3A_95 : memref<10240x128xf32, #tpu.memory_space<hbm>>) dst(%arg10 : memref<128x128xf32, #tpu.memory_space<vmem>>)
      %mul3A_96 = arith.constant 2 : i32
      %mul3A_97 = arith.muli %mul3A_96, %scan3A_65 : i32
      %add3A_98 = arith.constant 1 : i32
      %add3A_99 = arith.addi %mul3A_97, %add3A_98 : i32
      %dma_start3A_100 = arith.constant 0 : i32
      %dma_start3A_101 = tpu.memref_slice %arg8[%add3A_99, %dma_start3A_100] : memref<40x128xi32, #tpu.memory_space<vmem>> -> memref<1x128xi32, #tpu.memory_space<vmem>>
      %dma_start3A_102 = tpu.memref_squeeze %dma_start3A_101 : memref<1x128xi32, #tpu.memory_space<vmem>> -> memref<128xi32, #tpu.memory_space<vmem>>
      %dma_start3A_103 = arith.constant 0 : i32
      %dma_start3A_104 = arith.constant 0 : i32
      %dma_start3A_105 = tpu.memref_slice %arg11[%dma_start3A_103, %dma_start3A_104] : memref<10240x128xf32, #tpu.memory_space<vmem_shared>> -> memref<10240x128xf32, #tpu.memory_space<vmem_shared>>
      tpu.enqueue_indirect_dma source(%arg10 : memref<128x128xf32, #tpu.memory_space<vmem>>) target(%dma_start3A_105 : memref<10240x128xf32, #tpu.memory_space<vmem_shared>>) offsets(%dma_start3A_102 : memref<128xi32, #tpu.memory_space<vmem>>) semaphore(%arg15 : memref<!tpu.dma_semaphore, #tpu.memory_space<semaphore_mem>>) {add = true}
      %dma_wait3A_106 = arith.constant 0 : i32
      %dma_wait3A_107 = tpu.memref_slice %arg8[%mul3A_85, %dma_wait3A_106] : memref<40x128xi32, #tpu.memory_space<vmem>> -> memref<1x128xi32, #tpu.memory_space<vmem>>
      %dma_wait3A_108 = tpu.memref_squeeze %dma_wait3A_107 : memref<1x128xi32, #tpu.memory_space<vmem>> -> memref<128xi32, #tpu.memory_space<vmem>>
      %dma_wait3A_109 = arith.constant 0 : i32
      %dma_wait3A_110 = arith.constant 0 : i32
      %dma_wait3A_111 = tpu.memref_slice %arg11[%dma_wait3A_109, %dma_wait3A_110] : memref<10240x128xf32, #tpu.memory_space<vmem_shared>> -> memref<10240x128xf32, #tpu.memory_space<vmem_shared>>
      tpu.wait_indirect_dma semaphore(%arg14 : memref<!tpu.dma_semaphore, #tpu.memory_space<semaphore_mem>>) src(%arg9 : memref<128x128xf32, #tpu.memory_space<vmem>>) dst(%dma_wait3A_111 : memref<10240x128xf32, #tpu.memory_space<vmem_shared>>)
      %dma_wait3A_112 = arith.constant 0 : i32
      %dma_wait3A_113 = tpu.memref_slice %arg8[%add3A_99, %dma_wait3A_112] : memref<40x128xi32, #tpu.memory_space<vmem>> -> memref<1x128xi32, #tpu.memory_space<vmem>>
      %dma_wait3A_114 = tpu.memref_squeeze %dma_wait3A_113 : memref<1x128xi32, #tpu.memory_space<vmem>> -> memref<128xi32, #tpu.memory_space<vmem>>
      %dma_wait3A_115 = arith.constant 0 : i32
      %dma_wait3A_116 = arith.constant 0 : i32
      %dma_wait3A_117 = tpu.memref_slice %arg11[%dma_wait3A_115, %dma_wait3A_116] : memref<10240x128xf32, #tpu.memory_space<vmem_shared>> -> memref<10240x128xf32, #tpu.memory_space<vmem_shared>>
      tpu.wait_indirect_dma semaphore(%arg15 : memref<!tpu.dma_semaphore, #tpu.memory_space<semaphore_mem>>) src(%arg10 : memref<128x128xf32, #tpu.memory_space<vmem>>) dst(%dma_wait3A_117 : memref<10240x128xf32, #tpu.memory_space<vmem_shared>>)
    }
    %scan3A_33 = arith.constant 20 : i32
    %mul3A_34 = arith.constant 80 : i32
    %mul3A_35 = arith.muli %add3A, %mul3A_34 : i32
    %add3A_36 = arith.constant 40 : i32
    %add3A_37 = arith.addi %mul3A_35, %add3A_36 : i32
    "tpu.region"() ({
      %run_scoped3A = tpu.sem_alloc : memref<!tpu.dma_semaphore, #tpu.memory_space<semaphore_mem>>
      %dma_start3A = arith.constant 0 : i32
      %dma_start3A_65 = tpu.memref_slice %arg4[%add3A_37, %dma_start3A] : memref<2560x128xi32, #tpu.memory_space<hbm>> -> memref<40x128xi32, #tpu.memory_space<hbm>>
      %dma_start3A_66 = arith.constant 0 : i32
      %dma_start3A_67 = tpu.memref_slice %arg4[%add3A_37, %dma_start3A_66] : memref<2560x128xi32, #tpu.memory_space<hbm>> -> memref<40x128xi32, #tpu.memory_space<hbm>>
      tpu.enqueue_dma source(%dma_start3A_67 : memref<40x128xi32, #tpu.memory_space<hbm>>) target(%arg8 : memref<40x128xi32, #tpu.memory_space<vmem>>) target_semaphore(%run_scoped3A : memref<!tpu.dma_semaphore, #tpu.memory_space<semaphore_mem>>)
      %dma_wait3A = arith.constant 0 : i32
      %dma_wait3A_68 = tpu.memref_slice %arg4[%add3A_37, %dma_wait3A] : memref<2560x128xi32, #tpu.memory_space<hbm>> -> memref<40x128xi32, #tpu.memory_space<hbm>>
      %dma_wait3A_69 = arith.constant 0 : i32
      %dma_wait3A_70 = tpu.memref_slice %arg4[%add3A_37, %dma_wait3A_69] : memref<2560x128xi32, #tpu.memory_space<hbm>> -> memref<40x128xi32, #tpu.memory_space<hbm>>
      tpu.wait_dma2 semaphore(%run_scoped3A : memref<!tpu.dma_semaphore, #tpu.memory_space<semaphore_mem>>) src(%dma_wait3A_70 : memref<40x128xi32, #tpu.memory_space<hbm>>) dst(%arg8 : memref<40x128xi32, #tpu.memory_space<vmem>>)
      tpu.yield
    }) : () -> ()
    %scan3A_38 = arith.constant 0 : i32
    %scan3A_39 = arith.constant 0 : i32
    %scan3A_40 = arith.constant 20 : i32
    %scan3A_41 = arith.addi %scan3A_39, %scan3A_40 : i32
    %scan3A_42 = arith.constant 1 : i32
    scf.for %scan3A_65 = %scan3A_39 to %scan3A_41 step %scan3A_42  : i32 {
      %mul3A_66 = arith.constant 2 : i32
      %mul3A_67 = arith.muli %mul3A_66, %scan3A_65 : i32
      %add3A_68 = arith.constant 40 : i32
      %add3A_69 = arith.addi %add3A_68, %mul3A_67 : i32
      %mul3A_70 = arith.constant 128 : i32
      %mul3A_71 = arith.muli %add3A_69, %mul3A_70 : i32
      %dma_start3A = tpu.memref_slice %arg7[%mul3A_71] : memref<10240xi32, #tpu.memory_space<vmem>> -> memref<128xi32, #tpu.memory_space<vmem>>
      %dma_start3A_72 = arith.constant 0 : i32
      %dma_start3A_73 = arith.constant 0 : i32
      %dma_start3A_74 = tpu.memref_slice %arg2[%dma_start3A_72, %dma_start3A_73] : memref<10240x128xf32, #tpu.memory_space<hbm>> -> memref<10240x128xf32, #tpu.memory_space<hbm>>
      tpu.enqueue_indirect_dma source(%dma_start3A_74 : memref<10240x128xf32, #tpu.memory_space<hbm>>) target(%arg9 : memref<128x128xf32, #tpu.memory_space<vmem>>) offsets(%dma_start3A : memref<128xi32, #tpu.memory_space<vmem>>) semaphore(%arg12 : memref<!tpu.dma_semaphore, #tpu.memory_space<semaphore_mem>>)
      %add3A_75 = arith.constant 128 : i32
      %add3A_76 = arith.addi %mul3A_71, %add3A_75 : i32
      %dma_start3A_77 = tpu.memref_slice %arg7[%add3A_76] : memref<10240xi32, #tpu.memory_space<vmem>> -> memref<128xi32, #tpu.memory_space<vmem>>
      %dma_start3A_78 = arith.constant 0 : i32
      %dma_start3A_79 = arith.constant 0 : i32
      %dma_start3A_80 = tpu.memref_slice %arg2[%dma_start3A_78, %dma_start3A_79] : memref<10240x128xf32, #tpu.memory_space<hbm>> -> memref<10240x128xf32, #tpu.memory_space<hbm>>
      tpu.enqueue_indirect_dma source(%dma_start3A_80 : memref<10240x128xf32, #tpu.memory_space<hbm>>) target(%arg10 : memref<128x128xf32, #tpu.memory_space<vmem>>) offsets(%dma_start3A_77 : memref<128xi32, #tpu.memory_space<vmem>>) semaphore(%arg13 : memref<!tpu.dma_semaphore, #tpu.memory_space<semaphore_mem>>)
      %dma_wait3A = tpu.memref_slice %arg7[%mul3A_71] : memref<10240xi32, #tpu.memory_space<vmem>> -> memref<128xi32, #tpu.memory_space<vmem>>
      %dma_wait3A_81 = arith.constant 0 : i32
      %dma_wait3A_82 = arith.constant 0 : i32
      %dma_wait3A_83 = tpu.memref_slice %arg2[%dma_wait3A_81, %dma_wait3A_82] : memref<10240x128xf32, #tpu.memory_space<hbm>> -> memref<10240x128xf32, #tpu.memory_space<hbm>>
      tpu.wait_indirect_dma semaphore(%arg12 : memref<!tpu.dma_semaphore, #tpu.memory_space<semaphore_mem>>) src(%dma_wait3A_83 : memref<10240x128xf32, #tpu.memory_space<hbm>>) dst(%arg9 : memref<128x128xf32, #tpu.memory_space<vmem>>)
      %mul3A_84 = arith.constant 2 : i32
      %mul3A_85 = arith.muli %mul3A_84, %scan3A_65 : i32
      %dma_start3A_86 = arith.constant 0 : i32
      %dma_start3A_87 = tpu.memref_slice %arg8[%mul3A_85, %dma_start3A_86] : memref<40x128xi32, #tpu.memory_space<vmem>> -> memref<1x128xi32, #tpu.memory_space<vmem>>
      %dma_start3A_88 = tpu.memref_squeeze %dma_start3A_87 : memref<1x128xi32, #tpu.memory_space<vmem>> -> memref<128xi32, #tpu.memory_space<vmem>>
      %dma_start3A_89 = arith.constant 0 : i32
      %dma_start3A_90 = arith.constant 0 : i32
      %dma_start3A_91 = tpu.memref_slice %arg11[%dma_start3A_89, %dma_start3A_90] : memref<10240x128xf32, #tpu.memory_space<vmem_shared>> -> memref<10240x128xf32, #tpu.memory_space<vmem_shared>>
      tpu.enqueue_indirect_dma source(%arg9 : memref<128x128xf32, #tpu.memory_space<vmem>>) target(%dma_start3A_91 : memref<10240x128xf32, #tpu.memory_space<vmem_shared>>) offsets(%dma_start3A_88 : memref<128xi32, #tpu.memory_space<vmem>>) semaphore(%arg14 : memref<!tpu.dma_semaphore, #tpu.memory_space<semaphore_mem>>) {add = true}
      %dma_wait3A_92 = tpu.memref_slice %arg7[%add3A_76] : memref<10240xi32, #tpu.memory_space<vmem>> -> memref<128xi32, #tpu.memory_space<vmem>>
      %dma_wait3A_93 = arith.constant 0 : i32
      %dma_wait3A_94 = arith.constant 0 : i32
      %dma_wait3A_95 = tpu.memref_slice %arg2[%dma_wait3A_93, %dma_wait3A_94] : memref<10240x128xf32, #tpu.memory_space<hbm>> -> memref<10240x128xf32, #tpu.memory_space<hbm>>
      tpu.wait_indirect_dma semaphore(%arg13 : memref<!tpu.dma_semaphore, #tpu.memory_space<semaphore_mem>>) src(%dma_wait3A_95 : memref<10240x128xf32, #tpu.memory_space<hbm>>) dst(%arg10 : memref<128x128xf32, #tpu.memory_space<vmem>>)
      %mul3A_96 = arith.constant 2 : i32
      %mul3A_97 = arith.muli %mul3A_96, %scan3A_65 : i32
      %add3A_98 = arith.constant 1 : i32
      %add3A_99 = arith.addi %mul3A_97, %add3A_98 : i32
      %dma_start3A_100 = arith.constant 0 : i32
      %dma_start3A_101 = tpu.memref_slice %arg8[%add3A_99, %dma_start3A_100] : memref<40x128xi32, #tpu.memory_space<vmem>> -> memref<1x128xi32, #tpu.memory_space<vmem>>
      %dma_start3A_102 = tpu.memref_squeeze %dma_start3A_101 : memref<1x128xi32, #tpu.memory_space<vmem>> -> memref<128xi32, #tpu.memory_space<vmem>>
      %dma_start3A_103 = arith.constant 0 : i32
      %dma_start3A_104 = arith.constant 0 : i32
      %dma_start3A_105 = tpu.memref_slice %arg11[%dma_start3A_103, %dma_start3A_104] : memref<10240x128xf32, #tpu.memory_space<vmem_shared>> -> memref<10240x128xf32, #tpu.memory_space<vmem_shared>>
      tpu.enqueue_indirect_dma source(%arg10 : memref<128x128xf32, #tpu.memory_space<vmem>>) target(%dma_start3A_105 : memref<10240x128xf32, #tpu.memory_space<vmem_shared>>) offsets(%dma_start3A_102 : memref<128xi32, #tpu.memory_space<vmem>>) semaphore(%arg15 : memref<!tpu.dma_semaphore, #tpu.memory_space<semaphore_mem>>) {add = true}
      %dma_wait3A_106 = arith.constant 0 : i32
      %dma_wait3A_107 = tpu.memref_slice %arg8[%mul3A_85, %dma_wait3A_106] : memref<40x128xi32, #tpu.memory_space<vmem>> -> memref<1x128xi32, #tpu.memory_space<vmem>>
      %dma_wait3A_108 = tpu.memref_squeeze %dma_wait3A_107 : memref<1x128xi32, #tpu.memory_space<vmem>> -> memref<128xi32, #tpu.memory_space<vmem>>
      %dma_wait3A_109 = arith.constant 0 : i32
      %dma_wait3A_110 = arith.constant 0 : i32
      %dma_wait3A_111 = tpu.memref_slice %arg11[%dma_wait3A_109, %dma_wait3A_110] : memref<10240x128xf32, #tpu.memory_space<vmem_shared>> -> memref<10240x128xf32, #tpu.memory_space<vmem_shared>>
      tpu.wait_indirect_dma semaphore(%arg14 : memref<!tpu.dma_semaphore, #tpu.memory_space<semaphore_mem>>) src(%arg9 : memref<128x128xf32, #tpu.memory_space<vmem>>) dst(%dma_wait3A_111 : memref<10240x128xf32, #tpu.memory_space<vmem_shared>>)
      %dma_wait3A_112 = arith.constant 0 : i32
      %dma_wait3A_113 = tpu.memref_slice %arg8[%add3A_99, %dma_wait3A_112] : memref<40x128xi32, #tpu.memory_space<vmem>> -> memref<1x128xi32, #tpu.memory_space<vmem>>
      %dma_wait3A_114 = tpu.memref_squeeze %dma_wait3A_113 : memref<1x128xi32, #tpu.memory_space<vmem>> -> memref<128xi32, #tpu.memory_space<vmem>>
      %dma_wait3A_115 = arith.constant 0 : i32
      %dma_wait3A_116 = arith.constant 0 : i32
      %dma_wait3A_117 = tpu.memref_slice %arg11[%dma_wait3A_115, %dma_wait3A_116] : memref<10240x128xf32, #tpu.memory_space<vmem_shared>> -> memref<10240x128xf32, #tpu.memory_space<vmem_shared>>
      tpu.wait_indirect_dma semaphore(%arg15 : memref<!tpu.dma_semaphore, #tpu.memory_space<semaphore_mem>>) src(%arg10 : memref<128x128xf32, #tpu.memory_space<vmem>>) dst(%dma_wait3A_117 : memref<10240x128xf32, #tpu.memory_space<vmem_shared>>)
    }
    %scan3A_43 = arith.constant 20 : i32
    %barrier3A_44 = arith.constant 0 : index
    tpu.barrier barrier_id(%barrier3A_44)
    %mul3A_45 = arith.constant 640 : i32
    %mul3A_46 = arith.muli %arg1, %mul3A_45 : i32
    %add3A_47 = arith.constant 0 : i32
    %add3A_48 = arith.addi %mul3A_46, %add3A_47 : i32
    "tpu.region"() ({
      %run_scoped3A = tpu.sem_alloc : memref<!tpu.dma_semaphore, #tpu.memory_space<semaphore_mem>>
      %dma_start3A = arith.constant 0 : i32
      %dma_start3A_65 = tpu.memref_slice %arg11[%add3A_48, %dma_start3A] : memref<10240x128xf32, #tpu.memory_space<vmem_shared>> -> memref<128x128xf32, #tpu.memory_space<vmem_shared>>
      %dma_start3A_66 = arith.constant 0 : i32
      %dma_start3A_67 = tpu.memref_slice %arg11[%add3A_48, %dma_start3A_66] : memref<10240x128xf32, #tpu.memory_space<vmem_shared>> -> memref<128x128xf32, #tpu.memory_space<vmem_shared>>
      tpu.enqueue_dma source(%dma_start3A_67 : memref<128x128xf32, #tpu.memory_space<vmem_shared>>) target(%arg9 : memref<128x128xf32, #tpu.memory_space<vmem>>) target_semaphore(%run_scoped3A : memref<!tpu.dma_semaphore, #tpu.memory_space<semaphore_mem>>)
      %dma_wait3A = arith.constant 0 : i32
      %dma_wait3A_68 = tpu.memref_slice %arg11[%add3A_48, %dma_wait3A] : memref<10240x128xf32, #tpu.memory_space<vmem_shared>> -> memref<128x128xf32, #tpu.memory_space<vmem_shared>>
      %dma_wait3A_69 = arith.constant 0 : i32
      %dma_wait3A_70 = tpu.memref_slice %arg11[%add3A_48, %dma_wait3A_69] : memref<10240x128xf32, #tpu.memory_space<vmem_shared>> -> memref<128x128xf32, #tpu.memory_space<vmem_shared>>
      tpu.wait_dma2 semaphore(%run_scoped3A : memref<!tpu.dma_semaphore, #tpu.memory_space<semaphore_mem>>) src(%dma_wait3A_70 : memref<128x128xf32, #tpu.memory_space<vmem_shared>>) dst(%arg9 : memref<128x128xf32, #tpu.memory_space<vmem>>)
      tpu.yield
    }) : () -> ()
    "tpu.region"() ({
      %run_scoped3A = tpu.sem_alloc : memref<!tpu.dma_semaphore, #tpu.memory_space<semaphore_mem>>
      %dma_start3A = arith.constant 0 : i32
      %dma_start3A_65 = tpu.memref_slice %arg6[%arg0, %add3A_48, %dma_start3A] : memref<2x10240x128xf32, #tpu.memory_space<hbm>> -> memref<1x128x128xf32, #tpu.memory_space<hbm>>
      %dma_start3A_66 = tpu.memref_squeeze %dma_start3A_65 : memref<1x128x128xf32, #tpu.memory_space<hbm>> -> memref<128x128xf32, #tpu.memory_space<hbm>>
      %dma_start3A_67 = arith.constant 0 : i32
      %dma_start3A_68 = tpu.memref_slice %arg6[%arg0, %add3A_48, %dma_start3A_67] : memref<2x10240x128xf32, #tpu.memory_space<hbm>> -> memref<1x128x128xf32, #tpu.memory_space<hbm>>
      %dma_start3A_69 = tpu.memref_squeeze %dma_start3A_68 : memref<1x128x128xf32, #tpu.memory_space<hbm>> -> memref<128x128xf32, #tpu.memory_space<hbm>>
      tpu.enqueue_dma source(%arg9 : memref<128x128xf32, #tpu.memory_space<vmem>>) target(%dma_start3A_69 : memref<128x128xf32, #tpu.memory_space<hbm>>) target_semaphore(%run_scoped3A : memref<!tpu.dma_semaphore, #tpu.memory_space<semaphore_mem>>)
      %dma_wait3A = arith.constant 0 : i32
      %dma_wait3A_70 = tpu.memref_slice %arg6[%arg0, %add3A_48, %dma_wait3A] : memref<2x10240x128xf32, #tpu.memory_space<hbm>> -> memref<1x128x128xf32, #tpu.memory_space<hbm>>
      %dma_wait3A_71 = tpu.memref_squeeze %dma_wait3A_70 : memref<1x128x128xf32, #tpu.memory_space<hbm>> -> memref<128x128xf32, #tpu.memory_space<hbm>>
      %dma_wait3A_72 = arith.constant 0 : i32
      %dma_wait3A_73 = tpu.memref_slice %arg6[%arg0, %add3A_48, %dma_wait3A_72] : memref<2x10240x128xf32, #tpu.memory_space<hbm>> -> memref<1x128x128xf32, #tpu.memory_space<hbm>>
      %dma_wait3A_74 = tpu.memref_squeeze %dma_wait3A_73 : memref<1x128x128xf32, #tpu.memory_space<hbm>> -> memref<128x128xf32, #tpu.memory_space<hbm>>
      tpu.wait_dma2 semaphore(%run_scoped3A : memref<!tpu.dma_semaphore, #tpu.memory_space<semaphore_mem>>) src(%arg9 : memref<128x128xf32, #tpu.memory_space<vmem>>) dst(%dma_wait3A_74 : memref<128x128xf32, #tpu.memory_space<hbm>>)
      tpu.yield
    }) : () -> ()
    %mul3A_49 = arith.constant 640 : i32
    %mul3A_50 = arith.muli %arg1, %mul3A_49 : i32
    %add3A_51 = arith.constant 128 : i32
    %add3A_52 = arith.addi %mul3A_50, %add3A_51 : i32
    "tpu.region"() ({
      %run_scoped3A = tpu.sem_alloc : memref<!tpu.dma_semaphore, #tpu.memory_space<semaphore_mem>>
      %dma_start3A = arith.constant 0 : i32
      %dma_start3A_65 = tpu.memref_slice %arg11[%add3A_52, %dma_start3A] : memref<10240x128xf32, #tpu.memory_space<vmem_shared>> -> memref<128x128xf32, #tpu.memory_space<vmem_shared>>
      %dma_start3A_66 = arith.constant 0 : i32
      %dma_start3A_67 = tpu.memref_slice %arg11[%add3A_52, %dma_start3A_66] : memref<10240x128xf32, #tpu.memory_space<vmem_shared>> -> memref<128x128xf32, #tpu.memory_space<vmem_shared>>
      tpu.enqueue_dma source(%dma_start3A_67 : memref<128x128xf32, #tpu.memory_space<vmem_shared>>) target(%arg9 : memref<128x128xf32, #tpu.memory_space<vmem>>) target_semaphore(%run_scoped3A : memref<!tpu.dma_semaphore, #tpu.memory_space<semaphore_mem>>)
      %dma_wait3A = arith.constant 0 : i32
      %dma_wait3A_68 = tpu.memref_slice %arg11[%add3A_52, %dma_wait3A] : memref<10240x128xf32, #tpu.memory_space<vmem_shared>> -> memref<128x128xf32, #tpu.memory_space<vmem_shared>>
      %dma_wait3A_69 = arith.constant 0 : i32
      %dma_wait3A_70 = tpu.memref_slice %arg11[%add3A_52, %dma_wait3A_69] : memref<10240x128xf32, #tpu.memory_space<vmem_shared>> -> memref<128x128xf32, #tpu.memory_space<vmem_shared>>
      tpu.wait_dma2 semaphore(%run_scoped3A : memref<!tpu.dma_semaphore, #tpu.memory_space<semaphore_mem>>) src(%dma_wait3A_70 : memref<128x128xf32, #tpu.memory_space<vmem_shared>>) dst(%arg9 : memref<128x128xf32, #tpu.memory_space<vmem>>)
      tpu.yield
    }) : () -> ()
    "tpu.region"() ({
      %run_scoped3A = tpu.sem_alloc : memref<!tpu.dma_semaphore, #tpu.memory_space<semaphore_mem>>
      %dma_start3A = arith.constant 0 : i32
      %dma_start3A_65 = tpu.memref_slice %arg6[%arg0, %add3A_52, %dma_start3A] : memref<2x10240x128xf32, #tpu.memory_space<hbm>> -> memref<1x128x128xf32, #tpu.memory_space<hbm>>
      %dma_start3A_66 = tpu.memref_squeeze %dma_start3A_65 : memref<1x128x128xf32, #tpu.memory_space<hbm>> -> memref<128x128xf32, #tpu.memory_space<hbm>>
      %dma_start3A_67 = arith.constant 0 : i32
      %dma_start3A_68 = tpu.memref_slice %arg6[%arg0, %add3A_52, %dma_start3A_67] : memref<2x10240x128xf32, #tpu.memory_space<hbm>> -> memref<1x128x128xf32, #tpu.memory_space<hbm>>
      %dma_start3A_69 = tpu.memref_squeeze %dma_start3A_68 : memref<1x128x128xf32, #tpu.memory_space<hbm>> -> memref<128x128xf32, #tpu.memory_space<hbm>>
      tpu.enqueue_dma source(%arg9 : memref<128x128xf32, #tpu.memory_space<vmem>>) target(%dma_start3A_69 : memref<128x128xf32, #tpu.memory_space<hbm>>) target_semaphore(%run_scoped3A : memref<!tpu.dma_semaphore, #tpu.memory_space<semaphore_mem>>)
      %dma_wait3A = arith.constant 0 : i32
      %dma_wait3A_70 = tpu.memref_slice %arg6[%arg0, %add3A_52, %dma_wait3A] : memref<2x10240x128xf32, #tpu.memory_space<hbm>> -> memref<1x128x128xf32, #tpu.memory_space<hbm>>
      %dma_wait3A_71 = tpu.memref_squeeze %dma_wait3A_70 : memref<1x128x128xf32, #tpu.memory_space<hbm>> -> memref<128x128xf32, #tpu.memory_space<hbm>>
      %dma_wait3A_72 = arith.constant 0 : i32
      %dma_wait3A_73 = tpu.memref_slice %arg6[%arg0, %add3A_52, %dma_wait3A_72] : memref<2x10240x128xf32, #tpu.memory_space<hbm>> -> memref<1x128x128xf32, #tpu.memory_space<hbm>>
      %dma_wait3A_74 = tpu.memref_squeeze %dma_wait3A_73 : memref<1x128x128xf32, #tpu.memory_space<hbm>> -> memref<128x128xf32, #tpu.memory_space<hbm>>
      tpu.wait_dma2 semaphore(%run_scoped3A : memref<!tpu.dma_semaphore, #tpu.memory_space<semaphore_mem>>) src(%arg9 : memref<128x128xf32, #tpu.memory_space<vmem>>) dst(%dma_wait3A_74 : memref<128x128xf32, #tpu.memory_space<hbm>>)
      tpu.yield
    }) : () -> ()
    %mul3A_53 = arith.constant 640 : i32
    %mul3A_54 = arith.muli %arg1, %mul3A_53 : i32
    %add3A_55 = arith.constant 256 : i32
    %add3A_56 = arith.addi %mul3A_54, %add3A_55 : i32
    "tpu.region"() ({
      %run_scoped3A = tpu.sem_alloc : memref<!tpu.dma_semaphore, #tpu.memory_space<semaphore_mem>>
      %dma_start3A = arith.constant 0 : i32
      %dma_start3A_65 = tpu.memref_slice %arg11[%add3A_56, %dma_start3A] : memref<10240x128xf32, #tpu.memory_space<vmem_shared>> -> memref<128x128xf32, #tpu.memory_space<vmem_shared>>
      %dma_start3A_66 = arith.constant 0 : i32
      %dma_start3A_67 = tpu.memref_slice %arg11[%add3A_56, %dma_start3A_66] : memref<10240x128xf32, #tpu.memory_space<vmem_shared>> -> memref<128x128xf32, #tpu.memory_space<vmem_shared>>
      tpu.enqueue_dma source(%dma_start3A_67 : memref<128x128xf32, #tpu.memory_space<vmem_shared>>) target(%arg9 : memref<128x128xf32, #tpu.memory_space<vmem>>) target_semaphore(%run_scoped3A : memref<!tpu.dma_semaphore, #tpu.memory_space<semaphore_mem>>)
      %dma_wait3A = arith.constant 0 : i32
      %dma_wait3A_68 = tpu.memref_slice %arg11[%add3A_56, %dma_wait3A] : memref<10240x128xf32, #tpu.memory_space<vmem_shared>> -> memref<128x128xf32, #tpu.memory_space<vmem_shared>>
      %dma_wait3A_69 = arith.constant 0 : i32
      %dma_wait3A_70 = tpu.memref_slice %arg11[%add3A_56, %dma_wait3A_69] : memref<10240x128xf32, #tpu.memory_space<vmem_shared>> -> memref<128x128xf32, #tpu.memory_space<vmem_shared>>
      tpu.wait_dma2 semaphore(%run_scoped3A : memref<!tpu.dma_semaphore, #tpu.memory_space<semaphore_mem>>) src(%dma_wait3A_70 : memref<128x128xf32, #tpu.memory_space<vmem_shared>>) dst(%arg9 : memref<128x128xf32, #tpu.memory_space<vmem>>)
      tpu.yield
    }) : () -> ()
    "tpu.region"() ({
      %run_scoped3A = tpu.sem_alloc : memref<!tpu.dma_semaphore, #tpu.memory_space<semaphore_mem>>
      %dma_start3A = arith.constant 0 : i32
      %dma_start3A_65 = tpu.memref_slice %arg6[%arg0, %add3A_56, %dma_start3A] : memref<2x10240x128xf32, #tpu.memory_space<hbm>> -> memref<1x128x128xf32, #tpu.memory_space<hbm>>
      %dma_start3A_66 = tpu.memref_squeeze %dma_start3A_65 : memref<1x128x128xf32, #tpu.memory_space<hbm>> -> memref<128x128xf32, #tpu.memory_space<hbm>>
      %dma_start3A_67 = arith.constant 0 : i32
      %dma_start3A_68 = tpu.memref_slice %arg6[%arg0, %add3A_56, %dma_start3A_67] : memref<2x10240x128xf32, #tpu.memory_space<hbm>> -> memref<1x128x128xf32, #tpu.memory_space<hbm>>
      %dma_start3A_69 = tpu.memref_squeeze %dma_start3A_68 : memref<1x128x128xf32, #tpu.memory_space<hbm>> -> memref<128x128xf32, #tpu.memory_space<hbm>>
      tpu.enqueue_dma source(%arg9 : memref<128x128xf32, #tpu.memory_space<vmem>>) target(%dma_start3A_69 : memref<128x128xf32, #tpu.memory_space<hbm>>) target_semaphore(%run_scoped3A : memref<!tpu.dma_semaphore, #tpu.memory_space<semaphore_mem>>)
      %dma_wait3A = arith.constant 0 : i32
      %dma_wait3A_70 = tpu.memref_slice %arg6[%arg0, %add3A_56, %dma_wait3A] : memref<2x10240x128xf32, #tpu.memory_space<hbm>> -> memref<1x128x128xf32, #tpu.memory_space<hbm>>
      %dma_wait3A_71 = tpu.memref_squeeze %dma_wait3A_70 : memref<1x128x128xf32, #tpu.memory_space<hbm>> -> memref<128x128xf32, #tpu.memory_space<hbm>>
      %dma_wait3A_72 = arith.constant 0 : i32
      %dma_wait3A_73 = tpu.memref_slice %arg6[%arg0, %add3A_56, %dma_wait3A_72] : memref<2x10240x128xf32, #tpu.memory_space<hbm>> -> memref<1x128x128xf32, #tpu.memory_space<hbm>>
      %dma_wait3A_74 = tpu.memref_squeeze %dma_wait3A_73 : memref<1x128x128xf32, #tpu.memory_space<hbm>> -> memref<128x128xf32, #tpu.memory_space<hbm>>
      tpu.wait_dma2 semaphore(%run_scoped3A : memref<!tpu.dma_semaphore, #tpu.memory_space<semaphore_mem>>) src(%arg9 : memref<128x128xf32, #tpu.memory_space<vmem>>) dst(%dma_wait3A_74 : memref<128x128xf32, #tpu.memory_space<hbm>>)
      tpu.yield
    }) : () -> ()
    %mul3A_57 = arith.constant 640 : i32
    %mul3A_58 = arith.muli %arg1, %mul3A_57 : i32
    %add3A_59 = arith.constant 384 : i32
    %add3A_60 = arith.addi %mul3A_58, %add3A_59 : i32
    "tpu.region"() ({
      %run_scoped3A = tpu.sem_alloc : memref<!tpu.dma_semaphore, #tpu.memory_space<semaphore_mem>>
      %dma_start3A = arith.constant 0 : i32
      %dma_start3A_65 = tpu.memref_slice %arg11[%add3A_60, %dma_start3A] : memref<10240x128xf32, #tpu.memory_space<vmem_shared>> -> memref<128x128xf32, #tpu.memory_space<vmem_shared>>
      %dma_start3A_66 = arith.constant 0 : i32
      %dma_start3A_67 = tpu.memref_slice %arg11[%add3A_60, %dma_start3A_66] : memref<10240x128xf32, #tpu.memory_space<vmem_shared>> -> memref<128x128xf32, #tpu.memory_space<vmem_shared>>
      tpu.enqueue_dma source(%dma_start3A_67 : memref<128x128xf32, #tpu.memory_space<vmem_shared>>) target(%arg9 : memref<128x128xf32, #tpu.memory_space<vmem>>) target_semaphore(%run_scoped3A : memref<!tpu.dma_semaphore, #tpu.memory_space<semaphore_mem>>)
      %dma_wait3A = arith.constant 0 : i32
      %dma_wait3A_68 = tpu.memref_slice %arg11[%add3A_60, %dma_wait3A] : memref<10240x128xf32, #tpu.memory_space<vmem_shared>> -> memref<128x128xf32, #tpu.memory_space<vmem_shared>>
      %dma_wait3A_69 = arith.constant 0 : i32
      %dma_wait3A_70 = tpu.memref_slice %arg11[%add3A_60, %dma_wait3A_69] : memref<10240x128xf32, #tpu.memory_space<vmem_shared>> -> memref<128x128xf32, #tpu.memory_space<vmem_shared>>
      tpu.wait_dma2 semaphore(%run_scoped3A : memref<!tpu.dma_semaphore, #tpu.memory_space<semaphore_mem>>) src(%dma_wait3A_70 : memref<128x128xf32, #tpu.memory_space<vmem_shared>>) dst(%arg9 : memref<128x128xf32, #tpu.memory_space<vmem>>)
      tpu.yield
    }) : () -> ()
    "tpu.region"() ({
      %run_scoped3A = tpu.sem_alloc : memref<!tpu.dma_semaphore, #tpu.memory_space<semaphore_mem>>
      %dma_start3A = arith.constant 0 : i32
      %dma_start3A_65 = tpu.memref_slice %arg6[%arg0, %add3A_60, %dma_start3A] : memref<2x10240x128xf32, #tpu.memory_space<hbm>> -> memref<1x128x128xf32, #tpu.memory_space<hbm>>
      %dma_start3A_66 = tpu.memref_squeeze %dma_start3A_65 : memref<1x128x128xf32, #tpu.memory_space<hbm>> -> memref<128x128xf32, #tpu.memory_space<hbm>>
      %dma_start3A_67 = arith.constant 0 : i32
      %dma_start3A_68 = tpu.memref_slice %arg6[%arg0, %add3A_60, %dma_start3A_67] : memref<2x10240x128xf32, #tpu.memory_space<hbm>> -> memref<1x128x128xf32, #tpu.memory_space<hbm>>
      %dma_start3A_69 = tpu.memref_squeeze %dma_start3A_68 : memref<1x128x128xf32, #tpu.memory_space<hbm>> -> memref<128x128xf32, #tpu.memory_space<hbm>>
      tpu.enqueue_dma source(%arg9 : memref<128x128xf32, #tpu.memory_space<vmem>>) target(%dma_start3A_69 : memref<128x128xf32, #tpu.memory_space<hbm>>) target_semaphore(%run_scoped3A : memref<!tpu.dma_semaphore, #tpu.memory_space<semaphore_mem>>)
      %dma_wait3A = arith.constant 0 : i32
      %dma_wait3A_70 = tpu.memref_slice %arg6[%arg0, %add3A_60, %dma_wait3A] : memref<2x10240x128xf32, #tpu.memory_space<hbm>> -> memref<1x128x128xf32, #tpu.memory_space<hbm>>
      %dma_wait3A_71 = tpu.memref_squeeze %dma_wait3A_70 : memref<1x128x128xf32, #tpu.memory_space<hbm>> -> memref<128x128xf32, #tpu.memory_space<hbm>>
      %dma_wait3A_72 = arith.constant 0 : i32
      %dma_wait3A_73 = tpu.memref_slice %arg6[%arg0, %add3A_60, %dma_wait3A_72] : memref<2x10240x128xf32, #tpu.memory_space<hbm>> -> memref<1x128x128xf32, #tpu.memory_space<hbm>>
      %dma_wait3A_74 = tpu.memref_squeeze %dma_wait3A_73 : memref<1x128x128xf32, #tpu.memory_space<hbm>> -> memref<128x128xf32, #tpu.memory_space<hbm>>
      tpu.wait_dma2 semaphore(%run_scoped3A : memref<!tpu.dma_semaphore, #tpu.memory_space<semaphore_mem>>) src(%arg9 : memref<128x128xf32, #tpu.memory_space<vmem>>) dst(%dma_wait3A_74 : memref<128x128xf32, #tpu.memory_space<hbm>>)
      tpu.yield
    }) : () -> ()
    %mul3A_61 = arith.constant 640 : i32
    %mul3A_62 = arith.muli %arg1, %mul3A_61 : i32
    %add3A_63 = arith.constant 512 : i32
    %add3A_64 = arith.addi %mul3A_62, %add3A_63 : i32
    "tpu.region"() ({
      %run_scoped3A = tpu.sem_alloc : memref<!tpu.dma_semaphore, #tpu.memory_space<semaphore_mem>>
      %dma_start3A = arith.constant 0 : i32
      %dma_start3A_65 = tpu.memref_slice %arg11[%add3A_64, %dma_start3A] : memref<10240x128xf32, #tpu.memory_space<vmem_shared>> -> memref<128x128xf32, #tpu.memory_space<vmem_shared>>
      %dma_start3A_66 = arith.constant 0 : i32
      %dma_start3A_67 = tpu.memref_slice %arg11[%add3A_64, %dma_start3A_66] : memref<10240x128xf32, #tpu.memory_space<vmem_shared>> -> memref<128x128xf32, #tpu.memory_space<vmem_shared>>
      tpu.enqueue_dma source(%dma_start3A_67 : memref<128x128xf32, #tpu.memory_space<vmem_shared>>) target(%arg9 : memref<128x128xf32, #tpu.memory_space<vmem>>) target_semaphore(%run_scoped3A : memref<!tpu.dma_semaphore, #tpu.memory_space<semaphore_mem>>)
      %dma_wait3A = arith.constant 0 : i32
      %dma_wait3A_68 = tpu.memref_slice %arg11[%add3A_64, %dma_wait3A] : memref<10240x128xf32, #tpu.memory_space<vmem_shared>> -> memref<128x128xf32, #tpu.memory_space<vmem_shared>>
      %dma_wait3A_69 = arith.constant 0 : i32
      %dma_wait3A_70 = tpu.memref_slice %arg11[%add3A_64, %dma_wait3A_69] : memref<10240x128xf32, #tpu.memory_space<vmem_shared>> -> memref<128x128xf32, #tpu.memory_space<vmem_shared>>
      tpu.wait_dma2 semaphore(%run_scoped3A : memref<!tpu.dma_semaphore, #tpu.memory_space<semaphore_mem>>) src(%dma_wait3A_70 : memref<128x128xf32, #tpu.memory_space<vmem_shared>>) dst(%arg9 : memref<128x128xf32, #tpu.memory_space<vmem>>)
      tpu.yield
    }) : () -> ()
    "tpu.region"() ({
      %run_scoped3A = tpu.sem_alloc : memref<!tpu.dma_semaphore, #tpu.memory_space<semaphore_mem>>
      %dma_start3A = arith.constant 0 : i32
      %dma_start3A_65 = tpu.memref_slice %arg6[%arg0, %add3A_64, %dma_start3A] : memref<2x10240x128xf32, #tpu.memory_space<hbm>> -> memref<1x128x128xf32, #tpu.memory_space<hbm>>
      %dma_start3A_66 = tpu.memref_squeeze %dma_start3A_65 : memref<1x128x128xf32, #tpu.memory_space<hbm>> -> memref<128x128xf32, #tpu.memory_space<hbm>>
      %dma_start3A_67 = arith.constant 0 : i32
      %dma_start3A_68 = tpu.memref_slice %arg6[%arg0, %add3A_64, %dma_start3A_67] : memref<2x10240x128xf32, #tpu.memory_space<hbm>> -> memref<1x128x128xf32, #tpu.memory_space<hbm>>
      %dma_start3A_69 = tpu.memref_squeeze %dma_start3A_68 : memref<1x128x128xf32, #tpu.memory_space<hbm>> -> memref<128x128xf32, #tpu.memory_space<hbm>>
      tpu.enqueue_dma source(%arg9 : memref<128x128xf32, #tpu.memory_space<vmem>>) target(%dma_start3A_69 : memref<128x128xf32, #tpu.memory_space<hbm>>) target_semaphore(%run_scoped3A : memref<!tpu.dma_semaphore, #tpu.memory_space<semaphore_mem>>)
      %dma_wait3A = arith.constant 0 : i32
      %dma_wait3A_70 = tpu.memref_slice %arg6[%arg0, %add3A_64, %dma_wait3A] : memref<2x10240x128xf32, #tpu.memory_space<hbm>> -> memref<1x128x128xf32, #tpu.memory_space<hbm>>
      %dma_wait3A_71 = tpu.memref_squeeze %dma_wait3A_70 : memref<1x128x128xf32, #tpu.memory_space<hbm>> -> memref<128x128xf32, #tpu.memory_space<hbm>>
      %dma_wait3A_72 = arith.constant 0 : i32
      %dma_wait3A_73 = tpu.memref_slice %arg6[%arg0, %add3A_64, %dma_wait3A_72] : memref<2x10240x128xf32, #tpu.memory_space<hbm>> -> memref<1x128x128xf32, #tpu.memory_space<hbm>>
      %dma_wait3A_74 = tpu.memref_squeeze %dma_wait3A_73 : memref<1x128x128xf32, #tpu.memory_space<hbm>> -> memref<128x128xf32, #tpu.memory_space<hbm>>
      tpu.wait_dma2 semaphore(%run_scoped3A : memref<!tpu.dma_semaphore, #tpu.memory_space<semaphore_mem>>) src(%arg9 : memref<128x128xf32, #tpu.memory_space<vmem>>) dst(%dma_wait3A_74 : memref<128x128xf32, #tpu.memory_space<hbm>>)
      tpu.yield
    }) : () -> ()
    return
  }
}

module attributes {stable_mosaic.version = 14 : i64} {
  func.func @body(%arg0: memref<10000x128xf32, #tpu.memory_space<vmem>>, %arg1: memref<128x128xf32, #tpu.memory_space<vmem>>, %arg2: memref<10000x128xf32, #tpu.memory_space<vmem>>) attributes {dimension_semantics = [], scalar_prefetch = 0 : i64, scratch_operands = 0 : i64, tpu.core_type = #tpu.core_type<tc>} {
    %get3A = arith.constant 0 : index
    %get3A_0 = arith.constant 0 : index
    %get3A_1 = vector.load %arg0[%get3A, %get3A_0] : memref<10000x128xf32, #tpu.memory_space<vmem>>, vector<10000x128xf32>
    %get3A_2 = arith.constant 0 : index
    %get3A_3 = arith.constant 0 : index
    %get3A_4 = vector.load %arg1[%get3A_2, %get3A_3] : memref<128x128xf32, #tpu.memory_space<vmem>>, vector<128x128xf32>
    %dot_general3A = arith.constant dense<0.000000e+00> : vector<10000x128xf32>
    %dot_general3A_5 = tpu.matmul %get3A_1, %get3A_4, %dot_general3A {dimension_numbers = #tpu.dot_dimension_numbers<[1], [0], [0], [1], [0, 0, 1, 1], [], []>, transpose_lhs_hint = false} : vector<10000x128xf32>, vector<128x128xf32>, vector<10000x128xf32> -> vector<10000x128xf32>
    %swap3A = arith.constant 0 : index
    %swap3A_6 = arith.constant 0 : index
    %swap3A_7 = vector.load %arg2[%swap3A, %swap3A_6] : memref<10000x128xf32, #tpu.memory_space<vmem>>, vector<10000x128xf32>
    tpu.vector_store %arg2[%swap3A, %swap3A_6], %dot_general3A_5 {strides = array<i32>} : memref<10000x128xf32, #tpu.memory_space<vmem>>, vector<10000x128xf32>,
    return
  }
}

module attributes {stable_mosaic.version = 14 : i64} {
  func.func @body(%arg0: memref<10000x128xf32, #tpu.memory_space<vmem>>, %arg1: memref<10240x2xf32, #tpu.memory_space<vmem>>, %arg2: memref<10240x128xf32, #tpu.memory_space<vmem>>, %arg3: memref<10240x1xf32, #tpu.memory_space<vmem>>) attributes {dimension_semantics = [], scalar_prefetch = 0 : i64, scratch_operands = 0 : i64, tpu.core_type = #tpu.core_type<tc>} {
    %get3A = arith.constant 0 : index
    %get3A_0 = arith.constant 0 : index
    %get3A_1 = vector.load %arg1[%get3A, %get3A_0] : memref<10240x2xf32, #tpu.memory_space<vmem>>, vector<10240x2xf32>
    %slice3A = vector.extract_strided_slice %get3A_1 {offsets = [0, 0], sizes = [10240, 1], strides = [1, 1]} : vector<10240x2xf32> to vector<10240x1xf32>
    %slice3A_2 = vector.extract_strided_slice %get3A_1 {offsets = [0, 1], sizes = [10240, 1], strides = [1, 1]} : vector<10240x2xf32> to vector<10240x1xf32>
    %add3A = arith.addf %slice3A, %slice3A_2 : vector<10240x1xf32>
    %add3A_3 = arith.constant 1.000000e+00 : f32
    %add3A_4 = vector.broadcast %add3A_3 : f32 to vector<10240x1xf32>
    %add3A_5 = arith.addf %add3A, %add3A_4 : vector<10240x1xf32>
    %rsqrt3A = math.rsqrt %add3A_5 : vector<10240x1xf32>
    %swap3A = arith.constant 0 : index
    %swap3A_6 = arith.constant 0 : index
    %swap3A_7 = vector.load %arg3[%swap3A, %swap3A_6] : memref<10240x1xf32, #tpu.memory_space<vmem>>, vector<10240x1xf32>
    tpu.vector_store %arg3[%swap3A, %swap3A_6], %rsqrt3A {strides = array<i32>} : memref<10240x1xf32, #tpu.memory_space<vmem>>, vector<10240x1xf32>,
    %get3A_8 = arith.constant 0 : index
    %get3A_9 = arith.constant 0 : index
    %get3A_10 = vector.load %arg0[%get3A_8, %get3A_9] : memref<10000x128xf32, #tpu.memory_space<vmem>>, vector<10000x128xf32>
    %slice3A_11 = vector.extract_strided_slice %rsqrt3A {offsets = [0, 0], sizes = [10000, 1], strides = [1, 1]} : vector<10240x1xf32> to vector<10000x1xf32>
    %mul3A = vector.broadcast %slice3A_11 : vector<10000x1xf32> to vector<10000x128xf32>
    %mul3A_12 = arith.mulf %get3A_10, %mul3A : vector<10000x128xf32>
    %swap3A_13 = arith.constant 0 : index
    %swap3A_14 = arith.constant 0 : index
    %swap3A_15 = vector.load %arg2[%swap3A_13, %swap3A_14] : memref<10240x128xf32, #tpu.memory_space<vmem>>, vector<10000x128xf32>
    tpu.vector_store %arg2[%swap3A_13, %swap3A_14], %mul3A_12 {strides = array<i32>} : memref<10240x128xf32, #tpu.memory_space<vmem>>, vector<10000x128xf32>,
    %broadcast_in_dim3A = arith.constant 0.000000e+00 : f32
    %broadcast_in_dim3A_16 = vector.broadcast %broadcast_in_dim3A : f32 to vector<240x128xf32>
    %swap3A_17 = arith.constant 10000 : index
    %swap3A_18 = arith.constant 0 : index
    %swap3A_19 = vector.load %arg2[%swap3A_17, %swap3A_18] : memref<10240x128xf32, #tpu.memory_space<vmem>>, vector<240x128xf32>
    tpu.vector_store %arg2[%swap3A_17, %swap3A_18], %broadcast_in_dim3A_16 {strides = array<i32>} : memref<10240x128xf32, #tpu.memory_space<vmem>>, vector<240x128xf32>,
    return
  }
}

module attributes {stable_mosaic.version = 14 : i64} {
  func.func @body(%arg0: memref<2x10240x128xf32, #tpu.memory_space<vmem>>, %arg1: memref<10240x128xf32, #tpu.memory_space<vmem>>, %arg2: memref<10240x1xf32, #tpu.memory_space<vmem>>, %arg3: memref<1x128xf32, #tpu.memory_space<vmem>>, %arg4: memref<128x16xf32, #tpu.memory_space<vmem>>, %arg5: memref<10240x16xf32, #tpu.memory_space<vmem>>) attributes {dimension_semantics = [], scalar_prefetch = 0 : i64, scratch_operands = 0 : i64, tpu.core_type = #tpu.core_type<tc>} {
    %get3A = arith.constant 0 : index
    %get3A_0 = arith.constant 0 : index
    %get3A_1 = arith.constant 0 : index
    %get3A_2 = vector.load %arg0[%get3A, %get3A_0, %get3A_1] : memref<2x10240x128xf32, #tpu.memory_space<vmem>>, vector<1x10240x128xf32>
    %get3A_3 = vector.shape_cast %get3A_2 : vector<1x10240x128xf32> to vector<10240x128xf32>
    %get3A_4 = arith.constant 1 : index
    %get3A_5 = arith.constant 0 : index
    %get3A_6 = arith.constant 0 : index
    %get3A_7 = vector.load %arg0[%get3A_4, %get3A_5, %get3A_6] : memref<2x10240x128xf32, #tpu.memory_space<vmem>>, vector<1x10240x128xf32>
    %get3A_8 = vector.shape_cast %get3A_7 : vector<1x10240x128xf32> to vector<10240x128xf32>
    %add3A = arith.addf %get3A_3, %get3A_8 : vector<10240x128xf32>
    %get3A_9 = arith.constant 0 : index
    %get3A_10 = arith.constant 0 : index
    %get3A_11 = vector.load %arg1[%get3A_9, %get3A_10] : memref<10240x128xf32, #tpu.memory_space<vmem>>, vector<10240x128xf32>
    %add3A_12 = arith.addf %add3A, %get3A_11 : vector<10240x128xf32>
    %get3A_13 = arith.constant 0 : index
    %get3A_14 = arith.constant 0 : index
    %get3A_15 = vector.load %arg2[%get3A_13, %get3A_14] : memref<10240x1xf32, #tpu.memory_space<vmem>>, vector<10240x1xf32>
    %mul3A = vector.broadcast %get3A_15 : vector<10240x1xf32> to vector<10240x128xf32>
    %mul3A_16 = arith.mulf %add3A_12, %mul3A : vector<10240x128xf32>
    %get3A_17 = arith.constant 0 : index
    %get3A_18 = arith.constant 0 : index
    %get3A_19 = vector.load %arg3[%get3A_17, %get3A_18] : memref<1x128xf32, #tpu.memory_space<vmem>>, vector<1x128xf32>
    %add3A_20 = vector.broadcast %get3A_19 : vector<1x128xf32> to vector<10240x128xf32>
    %add3A_21 = arith.addf %mul3A_16, %add3A_20 : vector<10240x128xf32>
    %max3A = arith.constant 0.000000e+00 : f32
    %max3A_22 = vector.broadcast %max3A : f32 to vector<10240x128xf32>
    %max3A_23 = arith.maximumf %add3A_21, %max3A_22 : vector<10240x128xf32>
    %get3A_24 = arith.constant 0 : index
    %get3A_25 = arith.constant 0 : index
    %get3A_26 = vector.load %arg4[%get3A_24, %get3A_25] : memref<128x16xf32, #tpu.memory_space<vmem>>, vector<128x16xf32>
    %dot_general3A = arith.constant dense<0.000000e+00> : vector<10240x16xf32>
    %dot_general3A_27 = tpu.matmul %max3A_23, %get3A_26, %dot_general3A {dimension_numbers = #tpu.dot_dimension_numbers<[1], [0], [0], [1], [0, 0, 1, 1], [], []>, transpose_lhs_hint = false} : vector<10240x128xf32>, vector<128x16xf32>, vector<10240x16xf32> -> vector<10240x16xf32>
    %get3A_28 = arith.constant 0 : index
    %get3A_29 = arith.constant 0 : index
    %get3A_30 = vector.load %arg2[%get3A_28, %get3A_29] : memref<10240x1xf32, #tpu.memory_space<vmem>>, vector<10240x1xf32>
    %mul3A_31 = vector.broadcast %get3A_30 : vector<10240x1xf32> to vector<10240x16xf32>
    %mul3A_32 = arith.mulf %dot_general3A_27, %mul3A_31 : vector<10240x16xf32>
    %swap3A = arith.constant 0 : index
    %swap3A_33 = arith.constant 0 : index
    %swap3A_34 = vector.load %arg5[%swap3A, %swap3A_33] : memref<10240x16xf32, #tpu.memory_space<vmem>>, vector<10240x16xf32>
    tpu.vector_store %arg5[%swap3A, %swap3A_33], %mul3A_32 {strides = array<i32>} : memref<10240x16xf32, #tpu.memory_space<vmem>>, vector<10240x16xf32>,
    return
  }
}

module attributes {stable_mosaic.version = 14 : i64} {
  func.func @body(%arg0: memref<2x10240x16xf32, #tpu.memory_space<vmem>>, %arg1: memref<10240x16xf32, #tpu.memory_space<vmem>>, %arg2: memref<10240x1xf32, #tpu.memory_space<vmem>>, %arg3: memref<1x2xf32, #tpu.memory_space<vmem>>, %arg4: memref<10000x2xf32, #tpu.memory_space<vmem>>) attributes {dimension_semantics = [], scalar_prefetch = 0 : i64, scratch_operands = 0 : i64, tpu.core_type = #tpu.core_type<tc>} {
    %get3A = arith.constant 0 : index
    %get3A_0 = arith.constant 0 : index
    %get3A_1 = arith.constant 0 : index
    %get3A_2 = vector.load %arg0[%get3A, %get3A_0, %get3A_1] : memref<2x10240x16xf32, #tpu.memory_space<vmem>>, vector<1x10240x16xf32>
    %get3A_3 = vector.shape_cast %get3A_2 : vector<1x10240x16xf32> to vector<10240x16xf32>
    %get3A_4 = arith.constant 1 : index
    %get3A_5 = arith.constant 0 : index
    %get3A_6 = arith.constant 0 : index
    %get3A_7 = vector.load %arg0[%get3A_4, %get3A_5, %get3A_6] : memref<2x10240x16xf32, #tpu.memory_space<vmem>>, vector<1x10240x16xf32>
    %get3A_8 = vector.shape_cast %get3A_7 : vector<1x10240x16xf32> to vector<10240x16xf32>
    %add3A = arith.addf %get3A_3, %get3A_8 : vector<10240x16xf32>
    %get3A_9 = arith.constant 0 : index
    %get3A_10 = arith.constant 0 : index
    %get3A_11 = vector.load %arg1[%get3A_9, %get3A_10] : memref<10240x16xf32, #tpu.memory_space<vmem>>, vector<10240x16xf32>
    %add3A_12 = arith.addf %add3A, %get3A_11 : vector<10240x16xf32>
    %get3A_13 = arith.constant 0 : index
    %get3A_14 = arith.constant 0 : index
    %get3A_15 = vector.load %arg2[%get3A_13, %get3A_14] : memref<10240x1xf32, #tpu.memory_space<vmem>>, vector<10240x1xf32>
    %mul3A = vector.broadcast %get3A_15 : vector<10240x1xf32> to vector<10240x16xf32>
    %mul3A_16 = arith.mulf %add3A_12, %mul3A : vector<10240x16xf32>
    %slice3A = vector.extract_strided_slice %mul3A_16 {offsets = [0, 0], sizes = [10000, 2], strides = [1, 1]} : vector<10240x16xf32> to vector<10000x2xf32>
    %get3A_17 = arith.constant 0 : index
    %get3A_18 = arith.constant 0 : index
    %get3A_19 = vector.load %arg3[%get3A_17, %get3A_18] : memref<1x2xf32, #tpu.memory_space<vmem>>, vector<1x2xf32>
    %add3A_20 = vector.broadcast %get3A_19 : vector<1x2xf32> to vector<10000x2xf32>
    %add3A_21 = arith.addf %slice3A, %add3A_20 : vector<10000x2xf32>
    %reduce_max3A = arith.constant dense<0xFF800000> : vector<10000xf32>
    %reduce_max3A_22 = vector.multi_reduction <maximumf>, %add3A_21, %reduce_max3A [1] : vector<10000x2xf32> to vector<10000xf32>
    %broadcast_in_dim3A = vector.shape_cast %reduce_max3A_22 : vector<10000xf32> to vector<10000x1xf32>
    %sub3A = vector.broadcast %broadcast_in_dim3A : vector<10000x1xf32> to vector<10000x2xf32>
    %sub3A_23 = arith.subf %add3A_21, %sub3A : vector<10000x2xf32>
    %exp3A = math.exp %sub3A_23 : vector<10000x2xf32>
    %slice3A_24 = vector.extract_strided_slice %exp3A {offsets = [0, 0], sizes = [10000, 1], strides = [1, 1]} : vector<10000x2xf32> to vector<10000x1xf32>
    %slice3A_25 = vector.extract_strided_slice %exp3A {offsets = [0, 1], sizes = [10000, 1], strides = [1, 1]} : vector<10000x2xf32> to vector<10000x1xf32>
    %add3A_26 = arith.addf %slice3A_24, %slice3A_25 : vector<10000x1xf32>
    %log3A = math.log %add3A_26 : vector<10000x1xf32>
    %add3A_27 = arith.addf %broadcast_in_dim3A, %log3A : vector<10000x1xf32>
    %sub3A_28 = vector.broadcast %add3A_27 : vector<10000x1xf32> to vector<10000x2xf32>
    %sub3A_29 = arith.subf %add3A_21, %sub3A_28 : vector<10000x2xf32>
    %swap3A = arith.constant 0 : index
    %swap3A_30 = arith.constant 0 : index
    %swap3A_31 = vector.load %arg4[%swap3A, %swap3A_30] : memref<10000x2xf32, #tpu.memory_space<vmem>>, vector<10000x2xf32>
    tpu.vector_store %arg4[%swap3A, %swap3A_30], %sub3A_29 {strides = array<i32>} : memref<10000x2xf32, #tpu.memory_space<vmem>>, vector<10000x2xf32>,
    return
  }
}

</mosaic_0001>

<sc_bundles>
// kernel: kernel.12.cloned.1.call-start
scs
__scs_entry_jumppad:
0x0: {  	(pc) =	sbr.rel $0x88, $3  }
0x1: {  	(tag) =	ssettag $0x0;
	lr =	simm.s32 $0x1  }
0x2: {  	[smem:$0x3F9B] =	sst lr;
	_ =	strace $0xD0000000  }
0x3: {  	_ = 	snop  }
0x4: {  	_ = 	snop  }
0x5: {  	_ = 	snop  }
0x6: {  	_ = 	snop  }
0x7: {  	_ = 	snop  }
__scs_overlays_trampoline_lowered:
0x8: {  	[smem:$0x3FAA] =	sst s0  }
0x9: {  	[smem:$0x3FAB] =	sst s1  }
0xa: {  	[smem:$0x3FAC] =	sst s2  }
0xb: {  	[smem:$0x3FAD] =	sst s3  }
0xc: {  	[smem:$0x3FAE] =	sst s4  }
0xd: {  	[smem:$0x3FAF] =	sst s5  }
0xe: {  	[smem:$0x3FB0] =	sst s6  }
0xf: {  	[smem:$0x3FB1] =	sst s7  }
0x10: {  	[smem:$0x3FB2] =	sst s8  }
0x11: {  	[smem:$0x3FB3] =	sst s9;
	s0 =	simm.s32 @!p0 $0x0  }
0x12: {  	s1 =	sld [smem:$0x3F99];
	s0 =	simm.s32 @p0 $0x1  }
0x13: {  	[smem:$0x3FB4] =	sst s0;
	s0 =	simm.s32 @!p1 $0x0  }
0x14: {  	s2 =	sld [smem:$0x3F98];
	s0 =	simm.s32 @p1 $0x1  }
0x15: {  	[smem:$0x3FB5] =	sst s0;
	s0 =	simm.s32 @!p2 $0x0  }
0x16: {  	s3 =	sld [smem:$0x3FDB];
	s0 =	simm.s32 @p2 $0x1  }
0x17: {  	s4 =	simm.s32 $0x1BF5;
	[smem:$0x3FB7] =	sst s0  }
0x18: {  	s0 =	sld [smem:$0x3F9A];
	_ =	swait.ge [sflag:s4], $0x0  }
0x19: {  	s7 =	sld [smem:$0x3F9B]  }
0x1a: {  	s8 =	sadd.s32 $0xFFFFE003, lr  }
0x1b: {  	s9 =	sadd.s32 $0xFFFFFEF7, lr;
	s5 =	simm.s32 $0xFFFFFFFF;
	p2 =	slt.u32 s8, $0xFFFFF086  }
0x1c: {  	p1 =	slt.u32 s9, $0xF7A;
	s5 =	simm.s32 @!p2 $0x0  }
0x1d: {  	s5 =	simm.s32 @p1 $0x1;
	p0 =	seq.s32 s7, s2  }
0x1e: {  	s7 =	smul.u32 @!p0 $0xF7A, s2;
	p2 =	seq.s32 @!p0 s5, $0x0  }
0x1f: {  	s9 =	smul.u32 $0xF7A, s1;
	s8 =	simm.s32 @!p0 $0x1BF5;
	p2 =	por !p2, p0  }
0x20: {  	[sflag:s8] =	ssyncset.s32 @!p0 $0xFFFFF086;
	s6 =	sadd.s32 @!p0 s3, s7;
	s7 =	simm.s32 @!p0 $0x108  }
0x21: {  	s3 =	sadd.s32 s3, s9;
	s6 =	sadd.s32 @!p0 $0x88, s6;
	s7 =	simm.s32 @p2 $0x1082  }
0x22: {  	[simem:s7], [sflag:s8] =	dma.local @!p0 [hbm:s6], $0xF7A  }
0x23: {  	s9 =	sor.u32 $0xD0000000, s2;
	s6 =	simm.s32 $0x108;
	_ =	swait.ge @!p0 [sflag:s8], $0x0  }
0x24: {  	s3 =	sadd.s32 $0x88, s3;
	s6 =	simm.s32 @!p1 $0x1082;
	[sflag:s4] =	ssyncset.s32 $0xFFFFF086  }
0x25: {  	[simem:s6], [sflag:s4] =	dma.local [hbm:s3], $0xF7A  }
0x26: {  	[smem:$0x3F9B] =	sst s1;
	(tag) =	ssettag s2;
	_ =	strace s9  }
0x27: {  	s1 =	sld [smem:$0x3FAB]  }
0x28: {  	s2 =	sld [smem:$0x3FAC]  }
0x29: {  	s4 =	sld [smem:$0x3FAE]  }
0x2a: {  	p0 =	seq.s32 s5, $0x0;
	s5 =	sld [smem:$0x3FAF]  }
0x2b: {  	s6 =	sld [smem:$0x3FB0]  }
0x2c: {  	s7 =	sld [smem:$0x3FB1]  }
0x2d: {  	s3 =	simm.s32 $0x108;
	s8 =	sld [smem:$0x3FB2]  }
0x2e: {  	s3 =	simm.s32 @!p0 $0x1082;
	s9 =	sld [smem:$0x3FB3]  }
0x2f: {  	lr =	sadd.s32 s0, s3;
	s0 =	sld [smem:$0x3FAA]  }
0x30: {  	s3 =	sld [smem:$0x3FAD]  }
0x31: {  	[smem:$0x3FB6] =	sst s10  }
0x32: {  	s10 =	sld [smem:$0x3FB4];
	_ =	sdelay $0x3  }
0x33: {  	p0 =	seq.s32 s10, $0x1;
	s10 =	sld [smem:$0x3FB6];
	_ =	sdelay $0x3  }
0x34: {  	[smem:$0x3FB6] =	sst s10  }
0x35: {  	s10 =	sld [smem:$0x3FB5];
	_ =	sdelay $0x3  }
0x36: {  	p1 =	seq.s32 s10, $0x1;
	s10 =	sld [smem:$0x3FB6];
	_ =	sdelay $0x3  }
0x37: {  	[smem:$0x3FB6] =	sst s10  }
0x38: {  	s10 =	sld [smem:$0x3FB7]  }
0x39: {  	_ = 	snop;
	(pc) =	sbr.ind lr, $3  }
0x3a: {  	_ = 	snop  }
0x3b: {  	_ = 	snop  }
0x3c: {  	p2 =	seq.s32 s10, $0x1;
	s10 =	sld [smem:$0x3FB6]  }
0x3d: {  	_ =	shalt  }
0x3e: {  	_ =	shalt  }
0x3f: {  	_ =	shalt  }
0x40: {  	_ =	shalt  }
0x41: {  	_ =	shalt  }
0x42: {  	_ =	shalt  }
0x43: {  	_ =	shalt  }
0x44: {  	_ =	shalt  }
0x45: {  	_ =	shalt  }
0x46: {  	_ =	shalt  }
0x47: {  	_ =	shalt  }
0x48: {  	_ =	shalt  }
0x49: {  	_ =	shalt  }
0x4a: {  	_ =	shalt  }
0x4b: {  	_ =	shalt  }
0x4c: {  	_ =	shalt  }
0x4d: {  	_ =	shalt  }
0x4e: {  	_ =	shalt  }
0x4f: {  	_ =	shalt  }
0x50: {  	_ =	shalt  }
0x51: {  	_ =	shalt  }
0x52: {  	_ =	shalt  }
0x53: {  	_ =	shalt  }
0x54: {  	_ =	shalt  }
0x55: {  	_ =	shalt  }
0x56: {  	_ =	shalt  }
0x57: {  	_ =	shalt  }
0x58: {  	_ =	shalt  }
0x59: {  	_ =	shalt  }
0x5a: {  	_ =	shalt  }
0x5b: {  	_ =	shalt  }
0x5c: {  	_ =	shalt  }
0x5d: {  	_ =	shalt  }
0x5e: {  	_ =	shalt  }
0x5f: {  	_ =	shalt  }
0x60: {  	_ =	shalt  }
0x61: {  	_ =	shalt  }
0x62: {  	_ =	shalt  }
0x63: {  	_ =	shalt  }
0x64: {  	_ =	shalt  }
0x65: {  	_ =	shalt  }
0x66: {  	_ =	shalt  }
0x67: {  	_ =	shalt  }
0x68: {  	_ =	shalt  }
0x69: {  	_ =	shalt  }
0x6a: {  	_ =	shalt  }
0x6b: {  	_ =	shalt  }
0x6c: {  	_ =	shalt  }
0x6d: {  	_ =	shalt  }
0x6e: {  	_ =	shalt  }
0x6f: {  	_ =	shalt  }
0x70: {  	_ =	shalt  }
0x71: {  	_ =	shalt  }
0x72: {  	_ =	shalt  }
0x73: {  	_ =	shalt  }
0x74: {  	_ =	shalt  }
0x75: {  	_ =	shalt  }
0x76: {  	_ =	shalt  }
0x77: {  	_ =	shalt  }
0x78: {  	_ =	shalt  }
0x79: {  	_ =	shalt  }
0x7a: {  	_ =	shalt  }
0x7b: {  	_ =	shalt  }
0x7c: {  	_ =	shalt  }
0x7d: {  	_ =	shalt  }
0x7e: {  	_ =	shalt  }
0x7f: {  	_ =	shalt  }
0x80: {  	_ =	shalt  }
0x81: {  	_ =	shalt  }
0x82: {  	_ =	shalt  }
0x83: {  	_ =	shalt  }
0x84: {  	_ =	shalt  }
0x85: {  	_ =	shalt  }
0x86: {  	_ =	shalt  }
0x87: {  	_ =	shalt  }
.Lfunc_end0:
.L_simem_size_0:
called_computation.1_lowered:
.L_overlay_start_0:
0x88: {  	s2 =	sld [smem:$0x3FD9]  }
0x89: {  	s3 =	sld [smem:$0x3FFE];
	_ =	sdelay $0x1  }
0x8a: {  	s1 =	srdreg.scid  }
0x8b: {  	s0 =	sand.u32 $0x1, s1  }
0x8c: {  	s16 =	sshll.u32 s0, $0xA;
	s2 =	sadd.s32 s3, s2  }
0x8d: {  	s2 =	sadd.s32 s2, s16  }
0x8e: {  	[smem:$0x3FC2] =	sst s2  }
0x8f: {  	_ = 	snop  }
0x90: {  	(tm) =	ssettm $0x1  }
0x91: {  	s17 =	sld [smem:$0x3FFB];
	_ =	sdelay $0x3  }
0x92: {  	_ =	strace s17  }
0x93: {  	s2 =	sld [smem:$0x3FFC];
	_ =	sdelay $0x3  }
0x94: {  	_ =	strace s2  }
0x95: {  	s2 =	sld [smem:$0x3FFD];
	_ =	sdelay $0x3  }
0x96: {  	_ =	strace s2  }
0x97: {  	_ =	strace $0x8FFFFFFF  }
0x98: {  	s18 =	sld [smem:$0x3FDB];
	_ =	sdelay $0x1  }
0x99: {  	s19 =	simm.s32 $_scs_section_size  }
0x9a: {  	s4 =	simm.s32 $_size__tile_overlayer_lowered;
	s5 =	simm.s32 $_tile_overlayer_lowered  }
0x9b: {  	s22 =	simm.s32 $0x1BFF;
	s21 =	sshll.u32 s5, $0x1;
	s2 =	sadd.s32 s19, s18  }
0x9c: {  	s6 =	simm.s32 $0x0;
	s20 =	sshll.u32 s4, $0x1;
	s4 =	sadd.s32 s21, s2  }
0x9d: {  	[timem:s6], [sflag:s22] =	dma.local [hbm:s4], s20  }
0x9e: {  	_ =	swait.ge [sflag:s22], s20  }
0x9f: {  	s3 =	ssub.s32 $0x0, s20;
	[sflag:s22] =	ssyncset.done $0x0  }
0xa0: {  	[sflag:s22] =	ssyncadd.s32 s3;
	_ =	sdelay $0x1  }
0xa1: {  	s23 =	simm.s32 $0x1B8B  }
0xa2: {  	_ =	swait.ge [sflag:s23], $0x1  }
0xa3: {  	[sflag:s23] =	ssyncset.done $0x0  }
0xa4: {  	s25 =	simm.s32 $0x1B8E;
	s24 =	sld [smem:$0x3FFE];
	[sflag:s23] =	ssyncadd.s32 $0xFFFFFFFF  }
0xa5: {  	s26 =	simm.s32 $execute0_lowered;
	[smem:$0x3FD2] =	sst s25  }
0xa6: {  	s4 =	sshll.u32 s26, $0x1;
	_ =	strace $0x80000049;
	[dreg:$0x1] =	wrdreg $0xFFFFFFFF  }
0xa7: {  	s28 =	simm.s32 $_size_execute0_lowered;
	s2 =	sadd.s32 s2, s4;
	[dreg:$0x0] =	wrdreg $0x0  }
0xa8: {  	s4 =	sshll.u32 s28, $0x1;
	[dreg:$0x2] =	wrdreg s2  }
0xa9: {  	[dreg:$0x3] =	wrdreg s4  }
0xaa: {  	[dreg:$0x4] =	wrdreg $0xC0  }
0xab: {  	_ =	task [dreg:s6], $0x5FFFF  }
0xac: {  	[dreg:$0x1] =	wrdreg $0xFFFFFFFF  }
0xad: {  	[dreg:$0x0] =	wrdreg $0x60  }
0xae: {  	[dreg:$0x2] =	wrdreg s24  }
0xaf: {  	[dreg:$0x3] =	wrdreg $0xBC000  }
0xb0: {  	[dreg:$0x4] =	wrdreg $0x9  }
0xb1: {  	_ =	task.clear_ibuf [dreg:s6], $0x5FFFF;
	_ =	strace $0x90000049  }
0xb2: {  	s29 =	simm.s32 $0x9;
	_ =	strace $0x8000004B  }
0xb3: {  	_ =	swait.ge [sflag:s29], $0x1  }
0xb4: {  	[sflag:s29] =	ssyncadd.s32 $0xFFFFFFFF  }
0xb5: {  	_ =	strace $0x9000004B  }
0xb6: {  	_ =	sfence  }
0xb7: {  	s30 =	sld [smem:$0x0];
	_ =	sdelay $0x2  }
0xb8: {  	s31 =	sshll.u32 s1, $0xD;
	s1 =	sshrl.u32 s1, $0x2  }
0xb9: {  	s3 =	sand.u32 $0x4000, s31;
	s1 =	sadd.s32 s1, s30  }
0xba: {  	s0 =	sor.u32 s3, s0;
	s1 =	sshll.u32 s1, $0x11  }
0xbb: {  	s0 =	sor.u32 s1, s0  }
0xbc: {  	s0 =	sadd.s32 $0x8F2B, s0  }
0xbd: {  	[sflag:s0] =	ssyncadd.remote.s32 $0x1  }
0xbe: {  	_ =	sfence.sel $0xFFFF  }
0xbf: {  	[dreg:$0x0] =	wrdreg $0xFFFFFFFF;
	(pc) =	sbr.abs _section_cstart, $3  }
0xc0: {  	[dreg:$0x1] =	wrdreg $0xFFFFFFFF  }
0xc1: {  	_ =	task.clear_ibuf [dreg:s6], $0x2FFFF;
	_ =	strace $0x9FFFFFFF  }
0xc2: {  	(tm) =	ssettm $0x7FFFFFFF  }
0xc3: {  	_ =	shalt  }
tec
execute0_lowered:
.L_overlay_start_1:
0x0: {  	(tag) =	ssettag $0x1  }
0x1: {  	s0 =	srdreg.scid;
	s1 =	rddreg [dreg:$0x0]  }
0x2: {  	s12 =	stileid.u32;
	s2 =	rddreg [dreg:$0x1]  }
0x3: {  	s28 =	simm.s32 $0x80;
	s29 =	simm.s32 $0x7C00;
	s30 =	simm.s32 $0x1  }
0x4: {  	s31 =	simm.s32 $0x2;
	s0 =	sand.u32 $0x1, s0;
	s4 =	sadd.s32 $0x15C00, s1  }
0x5: {  	s8 =	sadd.s32 $0xBC00, s1;
	s16 =	smul.u32 $0x14000, s12;
	s13 =	sadd.s32 $0x3DC00, s1  }
0x6: {  	s11 =	smul.u32 $0x50000, s12;
	s3 =	sshll.u32 s0, $0x4;
	s9 =	ssub.s32 $0x2, s0  }
0x7: {  	s0 =	smul.u32 $0x140000, s0;
	s5 =	sor.u32 s12, s3;
	s3 =	simm.s32 $0x0  }
0x8: {  	s10 =	sshrl.u32 s9, $0x1;
	s12 =	smul.u32 $0x280, s12;
	s18 =	sshrl.u32 s16, $0x3  }
0x9: {  	s19 =	sshrl.u32 s11, $0x2;
	s6 =	smul.u32 $0x500, s5;
	[smem:$0x7FF] =	sst s3  }
0xa: {  	s23 =	ssub.s32 s9, s10;
	s5 =	smul.u32 $0x2800, s5;
	_ =	strace $0x8000004A  }
0xb: {  	s20 =	sadd.s32 $0x80, s12;
	s21 =	sadd.s32 $0x100, s12;
	s14 =	sadd.s32 $0x180, s12  }
0xc: {  	s15 =	sadd.s32 $0x200, s12;
	s23 =	smax.u32 s23, $0x1;
	s7 =	sadd.s32 s6, s1  }
0xd: {  	s1 =	sadd.s32 $0x65C00, s1;
	s17 =	sshll.u32 s20, $0x7;
	s9 =	sshll.u32 s20, $0x4  }
0xe: {  	s22 =	sshll.u32 s21, $0x4;
	s20 =	sshll.u32 s21, $0x7;
	s21 =	sshll.u32 s14, $0x7  }
0xf: {  	s25 =	sshll.u32 s14, $0x4;
	s26 =	sshll.u32 s15, $0x4;
	s5 =	sshrl.u32 s5, $0x3  }
0x10: {  	s7 =	sadd.s32 $0x1C00, s7;
	s9 =	sadd.s32 s13, s9;
	s24 =	sadd.s32 s13, s22  }
0x11: {  	s11 =	sadd.s32 s20, s2;
	s12 =	sadd.s32 s13, s25;
	[dreg:$0x3] =	wrdreg s7  }
0x12: {  	s14 =	sadd.s32 s13, s26;
	s22 =	sshll.u32 s15, $0x7;
	[dreg:$0x5] =	wrdreg s9  }
0x13: {  	s15 =	sadd.s32 s8, s6;
	s5 =	sadd.s32 s8, s5;
	[dreg:$0x6] =	wrdreg s24  }
0x14: {  	s25 =	sadd.s32 s0, s20;
	s26 =	sadd.s32 s0, s21;
	[dreg:$0x7] =	wrdreg s12  }
0x15: {  	s7 =	sadd.s32 s13, s18;
	s9 =	sadd.s32 s17, s2;
	[dreg:$0x8] =	wrdreg s14  }
0x16: {  	s14 =	sadd.s32 s21, s2;
	s18 =	sadd.s32 s16, s0;
	s16 =	sadd.s32 s22, s2  }
0x17: {  	[dreg:$0x4] =	wrdreg s7;
	s7 =	sadd.s32 s19, s2;
	s6 =	sshrl.u32 s18, $0x3  }
0x18: {  	s19 =	sadd.s32 s0, s17;
	s17 =	sadd.s32 $0x280, s5;
	s5 =	sshrl.u32 s25, $0x3  }
0x19: {  	s0 =	sadd.s32 s0, s22;
	s25 =	simm.s32 $0x3C00;
	s18 =	sadd.s32 s1, s6  }
0x1a: {  	s24 =	sshrl.u32 s19, $0x3;
	s6 =	sshrl.u32 s26, $0x3;
	s20 =	sadd.s32 s1, s5  }
0x1b: {  	s0 =	sshrl.u32 s0, $0x3;
	s26 =	simm.s32 $0x2800;
	s5 =	simm.s32 $0x0  }
0x1c: {  	s19 =	sadd.s32 s1, s24;
	s21 =	sadd.s32 s1, s6;
	s22 =	sadd.s32 s1, s0  }
0x1d: {  	s24 =	simm.s32 $0x5;
	s1 =	simm.s32 $0x3;
	s0 =	simm.s32 $0x4  }
.LBB2_1:
0x1e: {  	s6 =	rddreg [dreg:$0x3]  }
0x1f: {  	[tilespmem:s3], [sflag:$0x5] =	stream.linear.gather [hbm4b:s6+s3], $0x2800, $0x38;
	[tilespmem:$0x1FC00] =	vst v63  }
0x20: {  	_ =	swait.ge [sflag:s24], $0x2800  }
0x21: {  	[sflag:s24] =	ssyncset.done $0x0  }
0x22: {  	s13 =	rddreg [dreg:$0x4];
	[sflag:s24] =	ssyncadd.s32 $0xFFFFD800  }
0x23: {  	[tilespmem:s25], [sflag:$0x5] =	stream.linear.gather [hbm4b:s13+s3], $0x4000, $0x38;
	[tilespmem:$0x1FC00] =	vst v63  }
0x24: {  	_ =	swait.ge [sflag:s24], $0x4000  }
0x25: {  	[sflag:s24] =	ssyncset.done $0x0  }
0x26: {  	[sflag:s24] =	ssyncadd.s32 $0xFFFFC000  }
0x27: {  	[spmem:s7] =	stream.linear.scatter [tilespmem:s25], [sflag:$0x5], $0x4000, $0x38;
	[tilespmem:$0x1FC00] =	vst v63  }
0x28: {  	_ =	swait.ge [sflag:s24], $0x4000  }
0x29: {  	[sflag:s24] =	ssyncset.done $0x0  }
0x2a: {  	s8 =	rddreg [dreg:$0x5];
	[sflag:s24] =	ssyncadd.s32 $0xFFFFC000  }
0x2b: {  	[tilespmem:s25], [sflag:$0x5] =	stream.linear.gather [hbm4b:s8+s3], $0x4000, $0x38;
	[tilespmem:$0x1FC00] =	vst v63  }
0x2c: {  	_ =	swait.ge [sflag:s24], $0x4000  }
0x2d: {  	[sflag:s24] =	ssyncset.done $0x0  }
0x2e: {  	[sflag:s24] =	ssyncadd.s32 $0xFFFFC000  }
0x2f: {  	[spmem:s9] =	stream.linear.scatter [tilespmem:s25], [sflag:$0x5], $0x4000, $0x38;
	[tilespmem:$0x1FC00] =	vst v63  }
0x30: {  	_ =	swait.ge [sflag:s24], $0x4000  }
0x31: {  	[sflag:s24] =	ssyncset.done $0x0  }
0x32: {  	s10 =	rddreg [dreg:$0x6];
	[sflag:s24] =	ssyncadd.s32 $0xFFFFC000  }
0x33: {  	[tilespmem:s25], [sflag:$0x5] =	stream.linear.gather [hbm4b:s10+s3], $0x4000, $0x38;
	[tilespmem:$0x1FC00] =	vst v63  }
0x34: {  	_ =	swait.ge [sflag:s24], $0x4000  }
0x35: {  	[sflag:s24] =	ssyncset.done $0x0  }
0x36: {  	[sflag:s24] =	ssyncadd.s32 $0xFFFFC000  }
0x37: {  	[spmem:s11] =	stream.linear.scatter [tilespmem:s25], [sflag:$0x5], $0x4000, $0x38;
	[tilespmem:$0x1FC00] =	vst v63  }
0x38: {  	_ =	swait.ge [sflag:s24], $0x4000  }
0x39: {  	[sflag:s24] =	ssyncset.done $0x0  }
0x3a: {  	s12 =	rddreg [dreg:$0x7];
	[sflag:s24] =	ssyncadd.s32 $0xFFFFC000  }
0x3b: {  	[tilespmem:s25], [sflag:$0x5] =	stream.linear.gather [hbm4b:s12+s3], $0x4000, $0x38;
	[tilespmem:$0x1FC00] =	vst v63  }
0x3c: {  	_ =	swait.ge [sflag:s24], $0x4000  }
0x3d: {  	[sflag:s24] =	ssyncset.done $0x0  }
0x3e: {  	[sflag:s24] =	ssyncadd.s32 $0xFFFFC000  }
0x3f: {  	[spmem:s14] =	stream.linear.scatter [tilespmem:s25], [sflag:$0x5], $0x4000, $0x38;
	[tilespmem:$0x1FC00] =	vst v63  }
0x40: {  	_ =	swait.ge [sflag:s24], $0x4000  }
0x41: {  	[sflag:s24] =	ssyncset.done $0x0  }
0x42: {  	s13 =	rddreg [dreg:$0x8];
	[sflag:s24] =	ssyncadd.s32 $0xFFFFC000  }
0x43: {  	[tilespmem:s25], [sflag:$0x5] =	stream.linear.gather [hbm4b:s13+s3], $0x4000, $0x38;
	[tilespmem:$0x1FC00] =	vst v63  }
0x44: {  	_ =	swait.ge [sflag:s24], $0x4000  }
0x45: {  	[sflag:s24] =	ssyncset.done $0x0  }
0x46: {  	[sflag:s24] =	ssyncadd.s32 $0xFFFFC000  }
0x47: {  	[spmem:s16] =	stream.linear.scatter [tilespmem:s25], [sflag:$0x5], $0x4000, $0x38;
	[tilespmem:$0x1FC00] =	vst v63  }
0x48: {  	_ =	swait.ge [sflag:s24], $0x4000  }
0x49: {  	[sflag:s24] =	ssyncset.done $0x0  }
0x4a: {  	[sflag:s24] =	ssyncadd.s32 $0xFFFFC000  }
0x4b: {  	[bflag:$0x0] =	sbarrier.arrive $0xFFFF  }
0x4c: {  	[tilespmem:s26], [sflag:$0x5] =	stream.linear.gather [hbm4b:s15+s3], $0x1400, $0x38;
	[tilespmem:$0x1FC00] =	vst v63  }
0x4d: {  	_ =	swait.ge [sflag:s24], $0x1400  }
0x4e: {  	[sflag:s24] =	ssyncset.done $0x0  }
0x4f: {  	s8 =	simm.s32 $0x0;
	[sflag:s24] =	ssyncadd.s32 $0xFFFFEC00  }
0x50: {  	[tilespmem:s25], [sflag:$0x1] =	stream.indirect.gather [hbm4b:s4+s28], $0x80, s8, s28, $0xb8;
	[tilespmem:$0x1FC00] =	vst v63  }
0x51: {  	s10 =	simm.s32 $0x80  }
0x52: {  	[tilespmem:s29], [sflag:$0x2] =	stream.indirect.gather [hbm4b:s4+s28], $0x80, s10, s28, $0xb8;
	[tilespmem:$0x1FC00] =	vst v63  }
0x53: {  	_ =	swait.ge [sflag:s30], $0x4000  }
0x54: {  	[sflag:s30] =	ssyncset.done $0x0  }
0x55: {  	s12 =	simm.s32 $0x2800;
	[sflag:s30] =	ssyncadd.s32 $0xFFFFC000  }
0x56: {  	[spmem:s2] =	stream.indirect.scatter.add.f32 [tilespmem:s25], [sflag:$0x3], $0x80, s12, s28, $0xb8;
	[tilespmem:$0x1FC00] =	vst v63  }
0x57: {  	_ =	swait.ge [sflag:s31], $0x4000  }
0x58: {  	[sflag:s31] =	ssyncset.done $0x0  }
0x59: {  	s13 =	simm.s32 $0x2880;
	[sflag:s31] =	ssyncadd.s32 $0xFFFFC000  }
0x5a: {  	[spmem:s2] =	stream.indirect.scatter.add.f32 [tilespmem:s29], [sflag:$0x4], $0x80, s13, s28, $0xb8;
	[tilespmem:$0x1FC00] =	vst v63  }
0x5b: {  	_ =	swait.ge [sflag:s1], $0x4000  }
0x5c: {  	[sflag:s1] =	ssyncset.done $0x0  }
0x5d: {  	[sflag:s1] =	ssyncadd.s32 $0xFFFFC000  }
0x5e: {  	_ =	swait.ge [sflag:s0], $0x4000  }
0x5f: {  	s6 =	simm.s32 $0x400;
	s8 =	simm.s32 $0x800;
	[sflag:s0] =	ssyncset.done $0x0  }
.LBB2_2:
0x60: {  	s10 =	sshra.s32 s6, $0x2  }
0x61: {  	[sflag:s0] =	ssyncadd.s32 $0xFFFFC000;
	s6 =	smov.u32 s8;
	s12 =	sadd.s32 $0x400, s8  }
0x62: {  	[tilespmem:s25], [sflag:$0x1] =	stream.indirect.gather [hbm4b:s4+s28], $0x80, s10, s28, $0xb8;
	[tilespmem:$0x1FC00] =	vst v63  }
0x63: {  	p0 =	sne.s32 s8, $0x4C00;
	s8 =	sadd.s32 $0x80, s10  }
0x64: {  	[tilespmem:s29], [sflag:$0x2] =	stream.indirect.gather [hbm4b:s4+s28], $0x80, s8, s28, $0xb8;
	[tilespmem:$0x1FC00] =	vst v63  }
0x65: {  	_ =	swait.ge [sflag:s30], $0x4000  }
0x66: {  	[sflag:s30] =	ssyncset.done $0x0  }
0x67: {  	s8 =	sadd.s32 $0x2800, s10;
	[sflag:s30] =	ssyncadd.s32 $0xFFFFC000  }
0x68: {  	[spmem:s2] =	stream.indirect.scatter.add.f32 [tilespmem:s25], [sflag:$0x3], $0x80, s8, s28, $0xb8;
	[tilespmem:$0x1FC00] =	vst v63  }
0x69: {  	_ =	swait.ge [sflag:s31], $0x4000  }
0x6a: {  	[sflag:s31] =	ssyncset.done $0x0  }
0x6b: {  	s8 =	sadd.s32 $0x2880, s10;
	[sflag:s31] =	ssyncadd.s32 $0xFFFFC000  }
0x6c: {  	[spmem:s2] =	stream.indirect.scatter.add.f32 [tilespmem:s29], [sflag:$0x4], $0x80, s8, s28, $0xb8;
	[tilespmem:$0x1FC00] =	vst v63  }
.Ltmp0:
0x6d: {  	_ =	swait.ge [sflag:s1], $0x4000;
	(pc) =	sbr.rel @p0 .LBB2_2-.Ltmp0, $4  }
0x6e: {  	[sflag:s1] =	ssyncset.done $0x0  }
0x6f: {  	[sflag:s1] =	ssyncadd.s32 $0xFFFFC000  }
0x70: {  	_ =	swait.ge [sflag:s0], $0x4000  }
0x71: {  	s8 =	smov.u32 s12;
	[sflag:s0] =	ssyncset.done $0x0  }
0x72: {  	s6 =	sshra.s32 s6, $0x2;
	[sflag:s0] =	ssyncadd.s32 $0xFFFFC000  }
0x73: {  	[tilespmem:s25], [sflag:$0x1] =	stream.indirect.gather [hbm4b:s4+s28], $0x80, s6, s28, $0xb8;
	[tilespmem:$0x1FC00] =	vst v63  }
0x74: {  	s8 =	sadd.s32 $0x80, s6  }
0x75: {  	[tilespmem:s29], [sflag:$0x2] =	stream.indirect.gather [hbm4b:s4+s28], $0x80, s8, s28, $0xb8;
	[tilespmem:$0x1FC00] =	vst v63  }
0x76: {  	_ =	swait.ge [sflag:s30], $0x4000  }
0x77: {  	[sflag:s30] =	ssyncset.done $0x0  }
0x78: {  	s12 =	sadd.s32 $0x2800, s6;
	[sflag:s30] =	ssyncadd.s32 $0xFFFFC000  }
0x79: {  	[spmem:s2] =	stream.indirect.scatter.add.f32 [tilespmem:s25], [sflag:$0x3], $0x80, s12, s28, $0xb8;
	[tilespmem:$0x1FC00] =	vst v63  }
0x7a: {  	_ =	swait.ge [sflag:s31], $0x4000  }
0x7b: {  	[sflag:s31] =	ssyncset.done $0x0  }
0x7c: {  	s6 =	sadd.s32 $0x2880, s6;
	[sflag:s31] =	ssyncadd.s32 $0xFFFFC000  }
0x7d: {  	[spmem:s2] =	stream.indirect.scatter.add.f32 [tilespmem:s29], [sflag:$0x4], $0x80, s6, s28, $0xb8;
	[tilespmem:$0x1FC00] =	vst v63  }
0x7e: {  	_ =	swait.ge [sflag:s1], $0x4000  }
0x7f: {  	[sflag:s1] =	ssyncset.done $0x0  }
0x80: {  	[sflag:s1] =	ssyncadd.s32 $0xFFFFC000  }
0x81: {  	_ =	swait.ge [sflag:s0], $0x4000  }
0x82: {  	[sflag:s0] =	ssyncset.done $0x0  }
0x83: {  	s13 =	simm.s32 $0x0;
	[sflag:s0] =	ssyncadd.s32 $0xFFFFC000  }
0x84: {  	[tilespmem:s26], [sflag:$0x5] =	stream.linear.gather [hbm4b:s17+s13], $0x1400, $0x38;
	[tilespmem:$0x1FC00] =	vst v63  }
0x85: {  	_ =	swait.ge [sflag:s24], $0x1400  }
0x86: {  	[sflag:s24] =	ssyncset.done $0x0  }
0x87: {  	s8 =	simm.s32 $0x1400;
	[sflag:s24] =	ssyncadd.s32 $0xFFFFEC00  }
0x88: {  	[tilespmem:s25], [sflag:$0x1] =	stream.indirect.gather [hbm4b:s4+s28], $0x80, s8, s28, $0xb8;
	[tilespmem:$0x1FC00] =	vst v63  }
0x89: {  	s10 =	simm.s32 $0x1480  }
0x8a: {  	[tilespmem:s29], [sflag:$0x2] =	stream.indirect.gather [hbm4b:s4+s28], $0x80, s10, s28, $0xb8;
	[tilespmem:$0x1FC00] =	vst v63  }
0x8b: {  	_ =	swait.ge [sflag:s30], $0x4000  }
0x8c: {  	[sflag:s30] =	ssyncset.done $0x0  }
0x8d: {  	s12 =	simm.s32 $0x2800;
	[sflag:s30] =	ssyncadd.s32 $0xFFFFC000  }
0x8e: {  	[spmem:s2] =	stream.indirect.scatter.add.f32 [tilespmem:s25], [sflag:$0x3], $0x80, s12, s28, $0xb8;
	[tilespmem:$0x1FC00] =	vst v63  }
0x8f: {  	_ =	swait.ge [sflag:s31], $0x4000  }
0x90: {  	[sflag:s31] =	ssyncset.done $0x0  }
0x91: {  	s13 =	simm.s32 $0x2880;
	[sflag:s31] =	ssyncadd.s32 $0xFFFFC000  }
0x92: {  	[spmem:s2] =	stream.indirect.scatter.add.f32 [tilespmem:s29], [sflag:$0x4], $0x80, s13, s28, $0xb8;
	[tilespmem:$0x1FC00] =	vst v63  }
0x93: {  	_ =	swait.ge [sflag:s1], $0x4000  }
0x94: {  	[sflag:s1] =	ssyncset.done $0x0  }
0x95: {  	[sflag:s1] =	ssyncadd.s32 $0xFFFFC000  }
0x96: {  	_ =	swait.ge [sflag:s0], $0x4000  }
0x97: {  	s6 =	simm.s32 $0x100;
	s8 =	simm.s32 $0x800;
	[sflag:s0] =	ssyncset.done $0x0  }
.LBB2_4:
0x98: {  	s10 =	sadd.s32 $0x1400, s6  }
0x99: {  	[sflag:s0] =	ssyncadd.s32 $0xFFFFC000;
	s12 =	smov.u32 s8;
	s13 =	sadd.s32 $0x400, s8  }
0x9a: {  	[tilespmem:s25], [sflag:$0x1] =	stream.indirect.gather [hbm4b:s4+s28], $0x80, s10, s28, $0xb8;
	[tilespmem:$0x1FC00] =	vst v63  }
0x9b: {  	p0 =	sne.s32 s8, $0x4C00;
	s8 =	sadd.s32 $0x1480, s6  }
0x9c: {  	[tilespmem:s29], [sflag:$0x2] =	stream.indirect.gather [hbm4b:s4+s28], $0x80, s8, s28, $0xb8;
	[tilespmem:$0x1FC00] =	vst v63  }
0x9d: {  	_ =	swait.ge [sflag:s30], $0x4000  }
0x9e: {  	[sflag:s30] =	ssyncset.done $0x0  }
0x9f: {  	s8 =	sadd.s32 $0x2800, s6;
	[sflag:s30] =	ssyncadd.s32 $0xFFFFC000  }
0xa0: {  	[spmem:s2] =	stream.indirect.scatter.add.f32 [tilespmem:s25], [sflag:$0x3], $0x80, s8, s28, $0xb8;
	[tilespmem:$0x1FC00] =	vst v63  }
0xa1: {  	_ =	swait.ge [sflag:s31], $0x4000  }
0xa2: {  	[sflag:s31] =	ssyncset.done $0x0  }
0xa3: {  	s6 =	sadd.s32 $0x2880, s6;
	[sflag:s31] =	ssyncadd.s32 $0xFFFFC000  }
0xa4: {  	[spmem:s2] =	stream.indirect.scatter.add.f32 [tilespmem:s29], [sflag:$0x4], $0x80, s6, s28, $0xb8;
	[tilespmem:$0x1FC00] =	vst v63  }
.Ltmp1:
0xa5: {  	_ =	swait.ge [sflag:s1], $0x4000;
	(pc) =	sbr.rel @p0 .LBB2_4-.Ltmp1, $4  }
0xa6: {  	[sflag:s1] =	ssyncset.done $0x0  }
0xa7: {  	[sflag:s1] =	ssyncadd.s32 $0xFFFFC000  }
0xa8: {  	_ =	swait.ge [sflag:s0], $0x4000  }
0xa9: {  	s8 =	smov.u32 s13;
	s6 =	sshra.s32 s12, $0x2;
	[sflag:s0] =	ssyncset.done $0x0  }
0xaa: {  	s8 =	sadd.s32 $0x1400, s6;
	[sflag:s0] =	ssyncadd.s32 $0xFFFFC000  }
0xab: {  	[tilespmem:s25], [sflag:$0x1] =	stream.indirect.gather [hbm4b:s4+s28], $0x80, s8, s28, $0xb8;
	[tilespmem:$0x1FC00] =	vst v63  }
0xac: {  	s10 =	sadd.s32 $0x1480, s6  }
0xad: {  	[tilespmem:s29], [sflag:$0x2] =	stream.indirect.gather [hbm4b:s4+s28], $0x80, s10, s28, $0xb8;
	[tilespmem:$0x1FC00] =	vst v63  }
0xae: {  	_ =	swait.ge [sflag:s30], $0x4000  }
0xaf: {  	[sflag:s30] =	ssyncset.done $0x0  }
0xb0: {  	s12 =	sadd.s32 $0x2800, s6;
	[sflag:s30] =	ssyncadd.s32 $0xFFFFC000  }
0xb1: {  	[spmem:s2] =	stream.indirect.scatter.add.f32 [tilespmem:s25], [sflag:$0x3], $0x80, s12, s28, $0xb8;
	[tilespmem:$0x1FC00] =	vst v63  }
0xb2: {  	_ =	swait.ge [sflag:s31], $0x4000  }
0xb3: {  	[sflag:s31] =	ssyncset.done $0x0  }
0xb4: {  	s13 =	sadd.s32 $0x2880, s6;
	[sflag:s31] =	ssyncadd.s32 $0xFFFFC000  }
0xb5: {  	[spmem:s2] =	stream.indirect.scatter.add.f32 [tilespmem:s29], [sflag:$0x4], $0x80, s13, s28, $0xb8;
	[tilespmem:$0x1FC00] =	vst v63  }
0xb6: {  	_ =	swait.ge [sflag:s1], $0x4000  }
0xb7: {  	[sflag:s1] =	ssyncset.done $0x0  }
0xb8: {  	[sflag:s1] =	ssyncadd.s32 $0xFFFFC000  }
0xb9: {  	_ =	swait.ge [sflag:s0], $0x4000  }
0xba: {  	[sflag:s0] =	ssyncset.done $0x0  }
0xbb: {  	[sflag:s0] =	ssyncadd.s32 $0xFFFFC000  }
0xbc: {  	[bflag:$0x0] =	sbarrier.arrive $0xFFFF  }
0xbd: {  	[tilespmem:s25], [sflag:$0x5] =	stream.linear.gather [spmem:s7], $0x4000, $0x38;
	[tilespmem:$0x1FC00] =	vst v63  }
0xbe: {  	_ =	swait.ge [sflag:s24], $0x4000  }
0xbf: {  	[sflag:s24] =	ssyncset.done $0x0  }
0xc0: {  	[sflag:s24] =	ssyncadd.s32 $0xFFFFC000  }
0xc1: {  	[hbm4b:s18+s3] =	stream.linear.scatter [tilespmem:s25], [sflag:$0x5], $0x4000, $0x38;
	[tilespmem:$0x1FC00] =	vst v63  }
0xc2: {  	_ =	swait.ge [sflag:s24], $0x4000  }
0xc3: {  	[sflag:s24] =	ssyncset.done $0x0  }
0xc4: {  	[sflag:s24] =	ssyncadd.s32 $0xFFFFC000  }
0xc5: {  	[tilespmem:s25], [sflag:$0x5] =	stream.linear.gather [spmem:s9], $0x4000, $0x38;
	[tilespmem:$0x1FC00] =	vst v63  }
0xc6: {  	_ =	swait.ge [sflag:s24], $0x4000  }
0xc7: {  	[sflag:s24] =	ssyncset.done $0x0  }
0xc8: {  	[sflag:s24] =	ssyncadd.s32 $0xFFFFC000  }
0xc9: {  	[hbm4b:s19+s3] =	stream.linear.scatter [tilespmem:s25], [sflag:$0x5], $0x4000, $0x38;
	[tilespmem:$0x1FC00] =	vst v63  }
0xca: {  	_ =	swait.ge [sflag:s24], $0x4000  }
0xcb: {  	[sflag:s24] =	ssyncset.done $0x0  }
0xcc: {  	[sflag:s24] =	ssyncadd.s32 $0xFFFFC000  }
0xcd: {  	[tilespmem:s25], [sflag:$0x5] =	stream.linear.gather [spmem:s11], $0x4000, $0x38;
	[tilespmem:$0x1FC00] =	vst v63  }
0xce: {  	_ =	swait.ge [sflag:s24], $0x4000  }
0xcf: {  	[sflag:s24] =	ssyncset.done $0x0  }
0xd0: {  	[sflag:s24] =	ssyncadd.s32 $0xFFFFC000  }
0xd1: {  	[hbm4b:s20+s3] =	stream.linear.scatter [tilespmem:s25], [sflag:$0x5], $0x4000, $0x38;
	[tilespmem:$0x1FC00] =	vst v63  }
0xd2: {  	_ =	swait.ge [sflag:s24], $0x4000  }
0xd3: {  	[sflag:s24] =	ssyncset.done $0x0  }
0xd4: {  	[sflag:s24] =	ssyncadd.s32 $0xFFFFC000  }
0xd5: {  	[tilespmem:s25], [sflag:$0x5] =	stream.linear.gather [spmem:s14], $0x4000, $0x38;
	[tilespmem:$0x1FC00] =	vst v63  }
0xd6: {  	_ =	swait.ge [sflag:s24], $0x4000  }
0xd7: {  	[sflag:s24] =	ssyncset.done $0x0  }
0xd8: {  	[sflag:s24] =	ssyncadd.s32 $0xFFFFC000  }
0xd9: {  	[hbm4b:s21+s3] =	stream.linear.scatter [tilespmem:s25], [sflag:$0x5], $0x4000, $0x38;
	[tilespmem:$0x1FC00] =	vst v63  }
0xda: {  	_ =	swait.ge [sflag:s24], $0x4000  }
0xdb: {  	[sflag:s24] =	ssyncset.done $0x0  }
0xdc: {  	[sflag:s24] =	ssyncadd.s32 $0xFFFFC000  }
0xdd: {  	[tilespmem:s25], [sflag:$0x5] =	stream.linear.gather [spmem:s16], $0x4000, $0x38;
	[tilespmem:$0x1FC00] =	vst v63  }
0xde: {  	s5 =	sadd.s32 $0x1, s5;
	_ =	swait.ge [sflag:s24], $0x4000  }
0xdf: {  	p0 =	sne.s32 s5, s23;
	[sflag:s24] =	ssyncset.done $0x0  }
.Ltmp2:
0xe0: {  	[sflag:s24] =	ssyncadd.s32 $0xFFFFC000;
	(pc) =	sbr.rel @p0 .LBB2_1-.Ltmp2, $4  }
0xe1: {  	[hbm4b:s22+s3] =	stream.linear.scatter [tilespmem:s25], [sflag:$0x5], $0x4000, $0x38;
	[tilespmem:$0x1FC00] =	vst v63  }
0xe2: {  	_ =	swait.ge [sflag:s24], $0x4000  }
0xe3: {  	[sflag:s24] =	ssyncset.done $0x0  }
0xe4: {  	[sflag:s24] =	ssyncadd.s32 $0xFFFFC000  }
0xe5: {  	_ =	sfence.sel $0x180000  }
0xe6: {  	[bflag:$0x0] =	sbarrier.arrive $0xFFFF  }
0xe7: {  	_ =	strace $0x9000004A  }
0xe8: {  	s0 =	stileid.u32;
	[bflag:$0x2] =	sbarrier.arrive $0xFFFF  }
0xe9: {  	p0 =	sne.s32 s0, $0x0;
	s0 =	rddreg [dreg:$0x2]  }
0xea: {  	s0 =	sadd.s32 @!p0 $0x100000, s0  }
0xeb: {  	[sflag:s0] =	ssyncadd.tile.s32 @!p0 $0x1;
	_ =	shalt  }
.Lfunc_end2:
_tile_overlayer_lowered:
.L_overlay_start_2:
0xec: {  	(tag) =	ssettag $0x2  }
0xed: {  	s0 =	rddreg [dreg:$0x0];
	s2 =	stileid.u32  }
0xee: {  	s1 =	rddreg [dreg:$0x1];
	p0 =	sne.s32 s2, $0x0  }
0xef: {  	s3 =	rddreg [dreg:$0x2];
	[bflag:$0x3] =	sbarrier.arrive $0xFFFF;
	s2 =	simm.s32 @!p0 $0x1C05  }
0xf0: {  	[timem:s3], [sflag:s2] =	dma.local @!p0 [hbm:s0], s1  }
0xf1: {  	s0 =	simm.s32 @!p0 $0x5  }
0xf2: {  	_ =	swait.ge @!p0 [sflag:s0], s1  }
0xf3: {  	s1 =	ssub.s32 @!p0 $0x0, s1;
	[sflag:s0] =	ssyncset.done @!p0 $0x0  }
0xf4: {  	[sflag:s0] =	ssyncadd.s32 @!p0 s1  }
0xf5: {  	[bflag:$0x3] =	sbarrier.arrive $0xFFFF  }
0xf6: {  	_ =	shalt  }

// kernel: kernel.15.cloned.1.call-start
scs
__scs_entry_jumppad:
0x0: {  	(pc) =	sbr.rel $0x88, $3  }
0x1: {  	(tag) =	ssettag $0x0;
	lr =	simm.s32 $0x1  }
0x2: {  	[smem:$0x3F9B] =	sst lr;
	_ =	strace $0xD0000000  }
0x3: {  	_ = 	snop  }
0x4: {  	_ = 	snop  }
0x5: {  	_ = 	snop  }
0x6: {  	_ = 	snop  }
0x7: {  	_ = 	snop  }
__scs_overlays_trampoline_lowered:
0x8: {  	[smem:$0x3FAA] =	sst s0  }
0x9: {  	[smem:$0x3FAB] =	sst s1  }
0xa: {  	[smem:$0x3FAC] =	sst s2  }
0xb: {  	[smem:$0x3FAD] =	sst s3  }
0xc: {  	[smem:$0x3FAE] =	sst s4  }
0xd: {  	[smem:$0x3FAF] =	sst s5  }
0xe: {  	[smem:$0x3FB0] =	sst s6  }
0xf: {  	[smem:$0x3FB1] =	sst s7  }
0x10: {  	[smem:$0x3FB2] =	sst s8  }
0x11: {  	[smem:$0x3FB3] =	sst s9;
	s0 =	simm.s32 @!p0 $0x0  }
0x12: {  	s1 =	sld [smem:$0x3F99];
	s0 =	simm.s32 @p0 $0x1  }
0x13: {  	[smem:$0x3FB4] =	sst s0;
	s0 =	simm.s32 @!p1 $0x0  }
0x14: {  	s2 =	sld [smem:$0x3F98];
	s0 =	simm.s32 @p1 $0x1  }
0x15: {  	[smem:$0x3FB5] =	sst s0;
	s0 =	simm.s32 @!p2 $0x0  }
0x16: {  	s3 =	sld [smem:$0x3FDB];
	s0 =	simm.s32 @p2 $0x1  }
0x17: {  	s4 =	simm.s32 $0x1BF5;
	[smem:$0x3FB7] =	sst s0  }
0x18: {  	s0 =	sld [smem:$0x3F9A];
	_ =	swait.ge [sflag:s4], $0x0  }
0x19: {  	s7 =	sld [smem:$0x3F9B]  }
0x1a: {  	s8 =	sadd.s32 $0xFFFFE003, lr  }
0x1b: {  	s9 =	sadd.s32 $0xFFFFFEF7, lr;
	s5 =	simm.s32 $0xFFFFFFFF;
	p2 =	slt.u32 s8, $0xFFFFF086  }
0x1c: {  	p1 =	slt.u32 s9, $0xF7A;
	s5 =	simm.s32 @!p2 $0x0  }
0x1d: {  	s5 =	simm.s32 @p1 $0x1;
	p0 =	seq.s32 s7, s2  }
0x1e: {  	s7 =	smul.u32 @!p0 $0xF7A, s2;
	p2 =	seq.s32 @!p0 s5, $0x0  }
0x1f: {  	s9 =	smul.u32 $0xF7A, s1;
	s8 =	simm.s32 @!p0 $0x1BF5;
	p2 =	por !p2, p0  }
0x20: {  	[sflag:s8] =	ssyncset.s32 @!p0 $0xFFFFF086;
	s6 =	sadd.s32 @!p0 s3, s7;
	s7 =	simm.s32 @!p0 $0x108  }
0x21: {  	s3 =	sadd.s32 s3, s9;
	s6 =	sadd.s32 @!p0 $0x88, s6;
	s7 =	simm.s32 @p2 $0x1082  }
0x22: {  	[simem:s7], [sflag:s8] =	dma.local @!p0 [hbm:s6], $0xF7A  }
0x23: {  	s9 =	sor.u32 $0xD0000000, s2;
	s6 =	simm.s32 $0x108;
	_ =	swait.ge @!p0 [sflag:s8], $0x0  }
0x24: {  	s3 =	sadd.s32 $0x88, s3;
	s6 =	simm.s32 @!p1 $0x1082;
	[sflag:s4] =	ssyncset.s32 $0xFFFFF086  }
0x25: {  	[simem:s6], [sflag:s4] =	dma.local [hbm:s3], $0xF7A  }
0x26: {  	[smem:$0x3F9B] =	sst s1;
	(tag) =	ssettag s2;
	_ =	strace s9  }
0x27: {  	s1 =	sld [smem:$0x3FAB]  }
0x28: {  	s2 =	sld [smem:$0x3FAC]  }
0x29: {  	s4 =	sld [smem:$0x3FAE]  }
0x2a: {  	p0 =	seq.s32 s5, $0x0;
	s5 =	sld [smem:$0x3FAF]  }
0x2b: {  	s6 =	sld [smem:$0x3FB0]  }
0x2c: {  	s7 =	sld [smem:$0x3FB1]  }
0x2d: {  	s3 =	simm.s32 $0x108;
	s8 =	sld [smem:$0x3FB2]  }
0x2e: {  	s3 =	simm.s32 @!p0 $0x1082;
	s9 =	sld [smem:$0x3FB3]  }
0x2f: {  	lr =	sadd.s32 s0, s3;
	s0 =	sld [smem:$0x3FAA]  }
0x30: {  	s3 =	sld [smem:$0x3FAD]  }
0x31: {  	[smem:$0x3FB6] =	sst s10  }
0x32: {  	s10 =	sld [smem:$0x3FB4];
	_ =	sdelay $0x3  }
0x33: {  	p0 =	seq.s32 s10, $0x1;
	s10 =	sld [smem:$0x3FB6];
	_ =	sdelay $0x3  }
0x34: {  	[smem:$0x3FB6] =	sst s10  }
0x35: {  	s10 =	sld [smem:$0x3FB5];
	_ =	sdelay $0x3  }
0x36: {  	p1 =	seq.s32 s10, $0x1;
	s10 =	sld [smem:$0x3FB6];
	_ =	sdelay $0x3  }
0x37: {  	[smem:$0x3FB6] =	sst s10  }
0x38: {  	s10 =	sld [smem:$0x3FB7]  }
0x39: {  	_ = 	snop;
	(pc) =	sbr.ind lr, $3  }
0x3a: {  	_ = 	snop  }
0x3b: {  	_ = 	snop  }
0x3c: {  	p2 =	seq.s32 s10, $0x1;
	s10 =	sld [smem:$0x3FB6]  }
0x3d: {  	_ =	shalt  }
0x3e: {  	_ =	shalt  }
0x3f: {  	_ =	shalt  }
0x40: {  	_ =	shalt  }
0x41: {  	_ =	shalt  }
0x42: {  	_ =	shalt  }
0x43: {  	_ =	shalt  }
0x44: {  	_ =	shalt  }
0x45: {  	_ =	shalt  }
0x46: {  	_ =	shalt  }
0x47: {  	_ =	shalt  }
0x48: {  	_ =	shalt  }
0x49: {  	_ =	shalt  }
0x4a: {  	_ =	shalt  }
0x4b: {  	_ =	shalt  }
0x4c: {  	_ =	shalt  }
0x4d: {  	_ =	shalt  }
0x4e: {  	_ =	shalt  }
0x4f: {  	_ =	shalt  }
0x50: {  	_ =	shalt  }
0x51: {  	_ =	shalt  }
0x52: {  	_ =	shalt  }
0x53: {  	_ =	shalt  }
0x54: {  	_ =	shalt  }
0x55: {  	_ =	shalt  }
0x56: {  	_ =	shalt  }
0x57: {  	_ =	shalt  }
0x58: {  	_ =	shalt  }
0x59: {  	_ =	shalt  }
0x5a: {  	_ =	shalt  }
0x5b: {  	_ =	shalt  }
0x5c: {  	_ =	shalt  }
0x5d: {  	_ =	shalt  }
0x5e: {  	_ =	shalt  }
0x5f: {  	_ =	shalt  }
0x60: {  	_ =	shalt  }
0x61: {  	_ =	shalt  }
0x62: {  	_ =	shalt  }
0x63: {  	_ =	shalt  }
0x64: {  	_ =	shalt  }
0x65: {  	_ =	shalt  }
0x66: {  	_ =	shalt  }
0x67: {  	_ =	shalt  }
0x68: {  	_ =	shalt  }
0x69: {  	_ =	shalt  }
0x6a: {  	_ =	shalt  }
0x6b: {  	_ =	shalt  }
0x6c: {  	_ =	shalt  }
0x6d: {  	_ =	shalt  }
0x6e: {  	_ =	shalt  }
0x6f: {  	_ =	shalt  }
0x70: {  	_ =	shalt  }
0x71: {  	_ =	shalt  }
0x72: {  	_ =	shalt  }
0x73: {  	_ =	shalt  }
0x74: {  	_ =	shalt  }
0x75: {  	_ =	shalt  }
0x76: {  	_ =	shalt  }
0x77: {  	_ =	shalt  }
0x78: {  	_ =	shalt  }
0x79: {  	_ =	shalt  }
0x7a: {  	_ =	shalt  }
0x7b: {  	_ =	shalt  }
0x7c: {  	_ =	shalt  }
0x7d: {  	_ =	shalt  }
0x7e: {  	_ =	shalt  }
0x7f: {  	_ =	shalt  }
0x80: {  	_ =	shalt  }
0x81: {  	_ =	shalt  }
0x82: {  	_ =	shalt  }
0x83: {  	_ =	shalt  }
0x84: {  	_ =	shalt  }
0x85: {  	_ =	shalt  }
0x86: {  	_ =	shalt  }
0x87: {  	_ =	shalt  }
.Lfunc_end0:
.L_simem_size_0:
called_computation.2_lowered:
.L_overlay_start_0:
0x88: {  	s2 =	sld [smem:$0x3FD9]  }
0x89: {  	s3 =	sld [smem:$0x3FFE];
	_ =	sdelay $0x1  }
0x8a: {  	s1 =	srdreg.scid  }
0x8b: {  	s0 =	sand.u32 $0x1, s1  }
0x8c: {  	s16 =	sshll.u32 s0, $0xA;
	s2 =	sadd.s32 s3, s2  }
0x8d: {  	s2 =	sadd.s32 s2, s16  }
0x8e: {  	[smem:$0x3FC2] =	sst s2  }
0x8f: {  	_ = 	snop  }
0x90: {  	(tm) =	ssettm $0x1  }
0x91: {  	s17 =	sld [smem:$0x3FFB];
	_ =	sdelay $0x3  }
0x92: {  	_ =	strace s17  }
0x93: {  	s2 =	sld [smem:$0x3FFC];
	_ =	sdelay $0x3  }
0x94: {  	_ =	strace s2  }
0x95: {  	s2 =	sld [smem:$0x3FFD];
	_ =	sdelay $0x3  }
0x96: {  	_ =	strace s2  }
0x97: {  	_ =	strace $0x8FFFFFFF  }
0x98: {  	s18 =	sld [smem:$0x3FDB];
	_ =	sdelay $0x1  }
0x99: {  	s19 =	simm.s32 $_scs_section_size  }
0x9a: {  	s4 =	simm.s32 $_size__tile_overlayer_lowered;
	s5 =	simm.s32 $_tile_overlayer_lowered  }
0x9b: {  	s22 =	simm.s32 $0x1BFF;
	s21 =	sshll.u32 s5, $0x1;
	s2 =	sadd.s32 s19, s18  }
0x9c: {  	s6 =	simm.s32 $0x0;
	s20 =	sshll.u32 s4, $0x1;
	s4 =	sadd.s32 s21, s2  }
0x9d: {  	[timem:s6], [sflag:s22] =	dma.local [hbm:s4], s20  }
0x9e: {  	_ =	swait.ge [sflag:s22], s20  }
0x9f: {  	s3 =	ssub.s32 $0x0, s20;
	[sflag:s22] =	ssyncset.done $0x0  }
0xa0: {  	[sflag:s22] =	ssyncadd.s32 s3;
	_ =	sdelay $0x1  }
0xa1: {  	s23 =	simm.s32 $0x1B8B  }
0xa2: {  	_ =	swait.ge [sflag:s23], $0x1  }
0xa3: {  	[sflag:s23] =	ssyncset.done $0x0  }
0xa4: {  	s25 =	simm.s32 $0x1B8E;
	s24 =	sld [smem:$0x3FFE];
	[sflag:s23] =	ssyncadd.s32 $0xFFFFFFFF  }
0xa5: {  	s26 =	simm.s32 $execute0_lowered;
	[smem:$0x3FD2] =	sst s25  }
0xa6: {  	s4 =	sshll.u32 s26, $0x1;
	_ =	strace $0x8000004C;
	[dreg:$0x1] =	wrdreg $0xFFFFFFFF  }
0xa7: {  	s28 =	simm.s32 $_size_execute0_lowered;
	s2 =	sadd.s32 s2, s4;
	[dreg:$0x0] =	wrdreg $0x0  }
0xa8: {  	s4 =	sshll.u32 s28, $0x1;
	[dreg:$0x2] =	wrdreg s2  }
0xa9: {  	[dreg:$0x3] =	wrdreg s4  }
0xaa: {  	[dreg:$0x4] =	wrdreg $0xC0  }
0xab: {  	_ =	task [dreg:s6], $0x5FFFF  }
0xac: {  	[dreg:$0x1] =	wrdreg $0xFFFFFFFF  }
0xad: {  	[dreg:$0x0] =	wrdreg $0x60  }
0xae: {  	[dreg:$0x2] =	wrdreg s24  }
0xaf: {  	[dreg:$0x3] =	wrdreg $0x4C000  }
0xb0: {  	[dreg:$0x4] =	wrdreg $0x9  }
0xb1: {  	_ =	task.clear_ibuf [dreg:s6], $0x5FFFF;
	_ =	strace $0x9000004C  }
0xb2: {  	s29 =	simm.s32 $0x9;
	_ =	strace $0x8000004E  }
0xb3: {  	_ =	swait.ge [sflag:s29], $0x1  }
0xb4: {  	[sflag:s29] =	ssyncadd.s32 $0xFFFFFFFF  }
0xb5: {  	_ =	strace $0x9000004E  }
0xb6: {  	_ =	sfence  }
0xb7: {  	s30 =	sld [smem:$0x0];
	_ =	sdelay $0x2  }
0xb8: {  	s31 =	sshll.u32 s1, $0xD;
	s1 =	sshrl.u32 s1, $0x2  }
0xb9: {  	s3 =	sand.u32 $0x4000, s31;
	s1 =	sadd.s32 s1, s30  }
0xba: {  	s0 =	sor.u32 s3, s0;
	s1 =	sshll.u32 s1, $0x11  }
0xbb: {  	s0 =	sor.u32 s1, s0  }
0xbc: {  	s0 =	sadd.s32 $0x8F2B, s0  }
0xbd: {  	[sflag:s0] =	ssyncadd.remote.s32 $0x1  }
0xbe: {  	_ =	sfence.sel $0xFFFF  }
0xbf: {  	[dreg:$0x0] =	wrdreg $0xFFFFFFFF;
	(pc) =	sbr.abs _section_cstart, $3  }
0xc0: {  	[dreg:$0x1] =	wrdreg $0xFFFFFFFF  }
0xc1: {  	_ =	task.clear_ibuf [dreg:s6], $0x2FFFF;
	_ =	strace $0x9FFFFFFF  }
0xc2: {  	(tm) =	ssettm $0x7FFFFFFF  }
0xc3: {  	_ =	shalt  }
tec
execute0_lowered:
.L_overlay_start_1:
0x0: {  	(tag) =	ssettag $0x1  }
0x1: {  	s1 =	rddreg [dreg:$0x0]  }
0x2: {  	s0 =	srdreg.scid;
	s2 =	rddreg [dreg:$0x1]  }
0x3: {  	s9 =	stileid.u32;
	s3 =	simm.s32 $0x0;
	s28 =	simm.s32 $0x80  }
0x4: {  	s29 =	simm.s32 $0x4400;
	s30 =	simm.s32 $0x1;
	s31 =	simm.s32 $0x2  }
0x5: {  	s0 =	sand.u32 $0x1, s0;
	[smem:$0x7FF] =	sst s3;
	s16 =	smul.u32 $0x2800, s9  }
0x6: {  	s17 =	sadd.s32 $0xBC00, s1;
	s13 =	sadd.s32 $0x1AC00, s1;
	s4 =	sshll.u32 s0, $0x4  }
0x7: {  	_ =	strace $0x8000004D;
	s8 =	ssub.s32 $0x2, s0;
	s0 =	smul.u32 $0x28000, s0  }
0x8: {  	s5 =	sor.u32 s9, s4;
	s4 =	sadd.s32 $0x15C00, s1;
	s10 =	sshrl.u32 s8, $0x1  }
0x9: {  	s11 =	sshrl.u32 s16, $0x3;
	s18 =	sadd.s32 $0x800, s16;
	s20 =	sadd.s32 $0x1000, s16  }
0xa: {  	s21 =	sadd.s32 $0x1800, s16;
	s22 =	sadd.s32 $0x2000, s16;
	s6 =	smul.u32 $0x500, s5  }
0xb: {  	s8 =	ssub.s32 s8, s10;
	s12 =	sadd.s32 s13, s11;
	s14 =	sshrl.u32 s18, $0x3  }
0xc: {  	s10 =	sshrl.u32 s20, $0x3;
	s11 =	sadd.s32 s20, s2;
	s5 =	smul.u32 $0x2800, s5  }
0xd: {  	s23 =	sadd.s32 s16, s0;
	s25 =	sadd.s32 s0, s20;
	s26 =	sadd.s32 s0, s21  }
0xe: {  	[dreg:$0x4] =	wrdreg s12;
	s9 =	sadd.s32 s13, s14;
	s10 =	sadd.s32 s13, s10  }
0xf: {  	s12 =	sshrl.u32 s21, $0x3;
	s14 =	sshrl.u32 s22, $0x3;
	s7 =	sadd.s32 s6, s1  }
0x10: {  	s1 =	sadd.s32 $0x1FC00, s1;
	[dreg:$0x5] =	wrdreg s9;
	s9 =	sadd.s32 s18, s2  }
0x11: {  	[dreg:$0x6] =	wrdreg s10;
	s15 =	sadd.s32 s13, s12;
	s19 =	sadd.s32 s13, s14  }
0x12: {  	s14 =	sadd.s32 s21, s2;
	s5 =	sshrl.u32 s5, $0x3;
	[dreg:$0x7] =	wrdreg s15  }
0x13: {  	s7 =	sadd.s32 $0x1C00, s7;
	[dreg:$0x8] =	wrdreg s19;
	s15 =	sadd.s32 s17, s6  }
0x14: {  	s5 =	sadd.s32 s17, s5;
	s6 =	sshrl.u32 s23, $0x3;
	s19 =	sadd.s32 s0, s18  }
0x15: {  	s0 =	sadd.s32 s0, s22;
	s23 =	smax.u32 s8, $0x1;
	[dreg:$0x3] =	wrdreg s7  }
0x16: {  	s7 =	sadd.s32 s16, s2;
	s16 =	sadd.s32 s22, s2;
	s17 =	sadd.s32 $0x280, s5  }
0x17: {  	s18 =	sadd.s32 s1, s6;
	s24 =	sshrl.u32 s19, $0x3;
	s5 =	sshrl.u32 s25, $0x3  }
0x18: {  	s6 =	sshrl.u32 s26, $0x3;
	s0 =	sshrl.u32 s0, $0x3;
	s25 =	simm.s32 $0x3C00  }
0x19: {  	s26 =	simm.s32 $0x2800;
	s19 =	sadd.s32 s1, s24;
	s20 =	sadd.s32 s1, s5  }
0x1a: {  	s21 =	sadd.s32 s1, s6;
	s22 =	sadd.s32 s1, s0;
	s24 =	simm.s32 $0x5  }
0x1b: {  	s0 =	simm.s32 $0x3;
	s1 =	simm.s32 $0x4;
	s5 =	simm.s32 $0x0  }
.LBB2_1:
0x1c: {  	s6 =	rddreg [dreg:$0x3]  }
0x1d: {  	[tilespmem:s3], [sflag:$0x5] =	stream.linear.gather [hbm4b:s6+s3], $0x2800, $0x38;
	[tilespmem:$0x7400] =	vst v63  }
0x1e: {  	_ =	swait.ge [sflag:s24], $0x2800  }
0x1f: {  	[sflag:s24] =	ssyncset.done $0x0  }
0x20: {  	s13 =	rddreg [dreg:$0x4];
	[sflag:s24] =	ssyncadd.s32 $0xFFFFD800  }
0x21: {  	[tilespmem:s25], [sflag:$0x5] =	stream.linear.gather [hbm4b:s13+s3], $0x800, $0x38;
	[tilespmem:$0x7400] =	vst v63  }
0x22: {  	_ =	swait.ge [sflag:s24], $0x800  }
0x23: {  	[sflag:s24] =	ssyncset.done $0x0  }
0x24: {  	[sflag:s24] =	ssyncadd.s32 $0xFFFFF800  }
0x25: {  	[spmem:s7] =	stream.linear.scatter [tilespmem:s25], [sflag:$0x5], $0x800, $0x38;
	[tilespmem:$0x7400] =	vst v63  }
0x26: {  	_ =	swait.ge [sflag:s24], $0x800  }
0x27: {  	[sflag:s24] =	ssyncset.done $0x0  }
0x28: {  	s8 =	rddreg [dreg:$0x5];
	[sflag:s24] =	ssyncadd.s32 $0xFFFFF800  }
0x29: {  	[tilespmem:s25], [sflag:$0x5] =	stream.linear.gather [hbm4b:s8+s3], $0x800, $0x38;
	[tilespmem:$0x7400] =	vst v63  }
0x2a: {  	_ =	swait.ge [sflag:s24], $0x800  }
0x2b: {  	[sflag:s24] =	ssyncset.done $0x0  }
0x2c: {  	[sflag:s24] =	ssyncadd.s32 $0xFFFFF800  }
0x2d: {  	[spmem:s9] =	stream.linear.scatter [tilespmem:s25], [sflag:$0x5], $0x800, $0x38;
	[tilespmem:$0x7400] =	vst v63  }
0x2e: {  	_ =	swait.ge [sflag:s24], $0x800  }
0x2f: {  	[sflag:s24] =	ssyncset.done $0x0  }
0x30: {  	s10 =	rddreg [dreg:$0x6];
	[sflag:s24] =	ssyncadd.s32 $0xFFFFF800  }
0x31: {  	[tilespmem:s25], [sflag:$0x5] =	stream.linear.gather [hbm4b:s10+s3], $0x800, $0x38;
	[tilespmem:$0x7400] =	vst v63  }
0x32: {  	_ =	swait.ge [sflag:s24], $0x800  }
0x33: {  	[sflag:s24] =	ssyncset.done $0x0  }
0x34: {  	[sflag:s24] =	ssyncadd.s32 $0xFFFFF800  }
0x35: {  	[spmem:s11] =	stream.linear.scatter [tilespmem:s25], [sflag:$0x5], $0x800, $0x38;
	[tilespmem:$0x7400] =	vst v63  }
0x36: {  	_ =	swait.ge [sflag:s24], $0x800  }
0x37: {  	[sflag:s24] =	ssyncset.done $0x0  }
0x38: {  	s12 =	rddreg [dreg:$0x7];
	[sflag:s24] =	ssyncadd.s32 $0xFFFFF800  }
0x39: {  	[tilespmem:s25], [sflag:$0x5] =	stream.linear.gather [hbm4b:s12+s3], $0x800, $0x38;
	[tilespmem:$0x7400] =	vst v63  }
0x3a: {  	_ =	swait.ge [sflag:s24], $0x800  }
0x3b: {  	[sflag:s24] =	ssyncset.done $0x0  }
0x3c: {  	[sflag:s24] =	ssyncadd.s32 $0xFFFFF800  }
0x3d: {  	[spmem:s14] =	stream.linear.scatter [tilespmem:s25], [sflag:$0x5], $0x800, $0x38;
	[tilespmem:$0x7400] =	vst v63  }
0x3e: {  	_ =	swait.ge [sflag:s24], $0x800  }
0x3f: {  	[sflag:s24] =	ssyncset.done $0x0  }
0x40: {  	s13 =	rddreg [dreg:$0x8];
	[sflag:s24] =	ssyncadd.s32 $0xFFFFF800  }
0x41: {  	[tilespmem:s25], [sflag:$0x5] =	stream.linear.gather [hbm4b:s13+s3], $0x800, $0x38;
	[tilespmem:$0x7400] =	vst v63  }
0x42: {  	_ =	swait.ge [sflag:s24], $0x800  }
0x43: {  	[sflag:s24] =	ssyncset.done $0x0  }
0x44: {  	[sflag:s24] =	ssyncadd.s32 $0xFFFFF800  }
0x45: {  	[spmem:s16] =	stream.linear.scatter [tilespmem:s25], [sflag:$0x5], $0x800, $0x38;
	[tilespmem:$0x7400] =	vst v63  }
0x46: {  	_ =	swait.ge [sflag:s24], $0x800  }
0x47: {  	[sflag:s24] =	ssyncset.done $0x0  }
0x48: {  	[sflag:s24] =	ssyncadd.s32 $0xFFFFF800  }
0x49: {  	[bflag:$0x0] =	sbarrier.arrive $0xFFFF  }
0x4a: {  	[tilespmem:s26], [sflag:$0x5] =	stream.linear.gather [hbm4b:s15+s3], $0x1400, $0x38;
	[tilespmem:$0x7400] =	vst v63  }
0x4b: {  	_ =	swait.ge [sflag:s24], $0x1400  }
0x4c: {  	[sflag:s24] =	ssyncset.done $0x0  }
0x4d: {  	s8 =	simm.s32 $0x0;
	[sflag:s24] =	ssyncadd.s32 $0xFFFFEC00  }
0x4e: {  	[tilespmem:s25], [sflag:$0x1] =	stream.indirect.gather [hbm4b:s4+s28], $0x10, s8, s28, $0xb8;
	[tilespmem:$0x7400] =	vst v63  }
0x4f: {  	s10 =	simm.s32 $0x80  }
0x50: {  	[tilespmem:s29], [sflag:$0x2] =	stream.indirect.gather [hbm4b:s4+s28], $0x10, s10, s28, $0xb8;
	[tilespmem:$0x7400] =	vst v63  }
0x51: {  	_ =	swait.ge [sflag:s30], $0x800  }
0x52: {  	[sflag:s30] =	ssyncset.done $0x0  }
0x53: {  	s12 =	simm.s32 $0x2800;
	[sflag:s30] =	ssyncadd.s32 $0xFFFFF800  }
0x54: {  	[spmem:s2] =	stream.indirect.scatter.add.f32 [tilespmem:s25], [sflag:$0x3], $0x10, s12, s28, $0xb8;
	[tilespmem:$0x7400] =	vst v63  }
0x55: {  	_ =	swait.ge [sflag:s31], $0x800  }
0x56: {  	[sflag:s31] =	ssyncset.done $0x0  }
0x57: {  	s13 =	simm.s32 $0x2880;
	[sflag:s31] =	ssyncadd.s32 $0xFFFFF800  }
0x58: {  	[spmem:s2] =	stream.indirect.scatter.add.f32 [tilespmem:s29], [sflag:$0x4], $0x10, s13, s28, $0xb8;
	[tilespmem:$0x7400] =	vst v63  }
0x59: {  	_ =	swait.ge [sflag:s0], $0x800  }
0x5a: {  	[sflag:s0] =	ssyncset.done $0x0  }
0x5b: {  	[sflag:s0] =	ssyncadd.s32 $0xFFFFF800  }
0x5c: {  	_ =	swait.ge [sflag:s1], $0x800  }
0x5d: {  	s6 =	simm.s32 $0x400;
	s8 =	simm.s32 $0x800;
	[sflag:s1] =	ssyncset.done $0x0  }
.LBB2_2:
0x5e: {  	s10 =	sshra.s32 s6, $0x2  }
0x5f: {  	[sflag:s1] =	ssyncadd.s32 $0xFFFFF800;
	s6 =	smov.u32 s8;
	s12 =	sadd.s32 $0x400, s8  }
0x60: {  	[tilespmem:s25], [sflag:$0x1] =	stream.indirect.gather [hbm4b:s4+s28], $0x10, s10, s28, $0xb8;
	[tilespmem:$0x7400] =	vst v63  }
0x61: {  	p0 =	sne.s32 s8, $0x4C00;
	s8 =	sadd.s32 $0x80, s10  }
0x62: {  	[tilespmem:s29], [sflag:$0x2] =	stream.indirect.gather [hbm4b:s4+s28], $0x10, s8, s28, $0xb8;
	[tilespmem:$0x7400] =	vst v63  }
0x63: {  	_ =	swait.ge [sflag:s30], $0x800  }
0x64: {  	[sflag:s30] =	ssyncset.done $0x0  }
0x65: {  	s8 =	sadd.s32 $0x2800, s10;
	[sflag:s30] =	ssyncadd.s32 $0xFFFFF800  }
0x66: {  	[spmem:s2] =	stream.indirect.scatter.add.f32 [tilespmem:s25], [sflag:$0x3], $0x10, s8, s28, $0xb8;
	[tilespmem:$0x7400] =	vst v63  }
0x67: {  	_ =	swait.ge [sflag:s31], $0x800  }
0x68: {  	[sflag:s31] =	ssyncset.done $0x0  }
0x69: {  	s8 =	sadd.s32 $0x2880, s10;
	[sflag:s31] =	ssyncadd.s32 $0xFFFFF800  }
0x6a: {  	[spmem:s2] =	stream.indirect.scatter.add.f32 [tilespmem:s29], [sflag:$0x4], $0x10, s8, s28, $0xb8;
	[tilespmem:$0x7400] =	vst v63  }
.Ltmp0:
0x6b: {  	_ =	swait.ge [sflag:s0], $0x800;
	(pc) =	sbr.rel @p0 .LBB2_2-.Ltmp0, $4  }
0x6c: {  	[sflag:s0] =	ssyncset.done $0x0  }
0x6d: {  	[sflag:s0] =	ssyncadd.s32 $0xFFFFF800  }
0x6e: {  	_ =	swait.ge [sflag:s1], $0x800  }
0x6f: {  	s8 =	smov.u32 s12;
	[sflag:s1] =	ssyncset.done $0x0  }
0x70: {  	s6 =	sshra.s32 s6, $0x2;
	[sflag:s1] =	ssyncadd.s32 $0xFFFFF800  }
0x71: {  	[tilespmem:s25], [sflag:$0x1] =	stream.indirect.gather [hbm4b:s4+s28], $0x10, s6, s28, $0xb8;
	[tilespmem:$0x7400] =	vst v63  }
0x72: {  	s8 =	sadd.s32 $0x80, s6  }
0x73: {  	[tilespmem:s29], [sflag:$0x2] =	stream.indirect.gather [hbm4b:s4+s28], $0x10, s8, s28, $0xb8;
	[tilespmem:$0x7400] =	vst v63  }
0x74: {  	_ =	swait.ge [sflag:s30], $0x800  }
0x75: {  	[sflag:s30] =	ssyncset.done $0x0  }
0x76: {  	s12 =	sadd.s32 $0x2800, s6;
	[sflag:s30] =	ssyncadd.s32 $0xFFFFF800  }
0x77: {  	[spmem:s2] =	stream.indirect.scatter.add.f32 [tilespmem:s25], [sflag:$0x3], $0x10, s12, s28, $0xb8;
	[tilespmem:$0x7400] =	vst v63  }
0x78: {  	_ =	swait.ge [sflag:s31], $0x800  }
0x79: {  	[sflag:s31] =	ssyncset.done $0x0  }
0x7a: {  	s6 =	sadd.s32 $0x2880, s6;
	[sflag:s31] =	ssyncadd.s32 $0xFFFFF800  }
0x7b: {  	[spmem:s2] =	stream.indirect.scatter.add.f32 [tilespmem:s29], [sflag:$0x4], $0x10, s6, s28, $0xb8;
	[tilespmem:$0x7400] =	vst v63  }
0x7c: {  	_ =	swait.ge [sflag:s0], $0x800  }
0x7d: {  	[sflag:s0] =	ssyncset.done $0x0  }
0x7e: {  	[sflag:s0] =	ssyncadd.s32 $0xFFFFF800  }
0x7f: {  	_ =	swait.ge [sflag:s1], $0x800  }
0x80: {  	[sflag:s1] =	ssyncset.done $0x0  }
0x81: {  	s13 =	simm.s32 $0x0;
	[sflag:s1] =	ssyncadd.s32 $0xFFFFF800  }
0x82: {  	[tilespmem:s26], [sflag:$0x5] =	stream.linear.gather [hbm4b:s17+s13], $0x1400, $0x38;
	[tilespmem:$0x7400] =	vst v63  }
0x83: {  	_ =	swait.ge [sflag:s24], $0x1400  }
0x84: {  	[sflag:s24] =	ssyncset.done $0x0  }
0x85: {  	s8 =	simm.s32 $0x1400;
	[sflag:s24] =	ssyncadd.s32 $0xFFFFEC00  }
0x86: {  	[tilespmem:s25], [sflag:$0x1] =	stream.indirect.gather [hbm4b:s4+s28], $0x10, s8, s28, $0xb8;
	[tilespmem:$0x7400] =	vst v63  }
0x87: {  	s10 =	simm.s32 $0x1480  }
0x88: {  	[tilespmem:s29], [sflag:$0x2] =	stream.indirect.gather [hbm4b:s4+s28], $0x10, s10, s28, $0xb8;
	[tilespmem:$0x7400] =	vst v63  }
0x89: {  	_ =	swait.ge [sflag:s30], $0x800  }
0x8a: {  	[sflag:s30] =	ssyncset.done $0x0  }
0x8b: {  	s12 =	simm.s32 $0x2800;
	[sflag:s30] =	ssyncadd.s32 $0xFFFFF800  }
0x8c: {  	[spmem:s2] =	stream.indirect.scatter.add.f32 [tilespmem:s25], [sflag:$0x3], $0x10, s12, s28, $0xb8;
	[tilespmem:$0x7400] =	vst v63  }
0x8d: {  	_ =	swait.ge [sflag:s31], $0x800  }
0x8e: {  	[sflag:s31] =	ssyncset.done $0x0  }
0x8f: {  	s13 =	simm.s32 $0x2880;
	[sflag:s31] =	ssyncadd.s32 $0xFFFFF800  }
0x90: {  	[spmem:s2] =	stream.indirect.scatter.add.f32 [tilespmem:s29], [sflag:$0x4], $0x10, s13, s28, $0xb8;
	[tilespmem:$0x7400] =	vst v63  }
0x91: {  	_ =	swait.ge [sflag:s0], $0x800  }
0x92: {  	[sflag:s0] =	ssyncset.done $0x0  }
0x93: {  	[sflag:s0] =	ssyncadd.s32 $0xFFFFF800  }
0x94: {  	_ =	swait.ge [sflag:s1], $0x800  }
0x95: {  	s6 =	simm.s32 $0x100;
	s8 =	simm.s32 $0x800;
	[sflag:s1] =	ssyncset.done $0x0  }
.LBB2_4:
0x96: {  	s10 =	sadd.s32 $0x1400, s6  }
0x97: {  	[sflag:s1] =	ssyncadd.s32 $0xFFFFF800;
	s12 =	smov.u32 s8;
	s13 =	sadd.s32 $0x400, s8  }
0x98: {  	[tilespmem:s25], [sflag:$0x1] =	stream.indirect.gather [hbm4b:s4+s28], $0x10, s10, s28, $0xb8;
	[tilespmem:$0x7400] =	vst v63  }
0x99: {  	p0 =	sne.s32 s8, $0x4C00;
	s8 =	sadd.s32 $0x1480, s6  }
0x9a: {  	[tilespmem:s29], [sflag:$0x2] =	stream.indirect.gather [hbm4b:s4+s28], $0x10, s8, s28, $0xb8;
	[tilespmem:$0x7400] =	vst v63  }
0x9b: {  	_ =	swait.ge [sflag:s30], $0x800  }
0x9c: {  	[sflag:s30] =	ssyncset.done $0x0  }
0x9d: {  	s8 =	sadd.s32 $0x2800, s6;
	[sflag:s30] =	ssyncadd.s32 $0xFFFFF800  }
0x9e: {  	[spmem:s2] =	stream.indirect.scatter.add.f32 [tilespmem:s25], [sflag:$0x3], $0x10, s8, s28, $0xb8;
	[tilespmem:$0x7400] =	vst v63  }
0x9f: {  	_ =	swait.ge [sflag:s31], $0x800  }
0xa0: {  	[sflag:s31] =	ssyncset.done $0x0  }
0xa1: {  	s6 =	sadd.s32 $0x2880, s6;
	[sflag:s31] =	ssyncadd.s32 $0xFFFFF800  }
0xa2: {  	[spmem:s2] =	stream.indirect.scatter.add.f32 [tilespmem:s29], [sflag:$0x4], $0x10, s6, s28, $0xb8;
	[tilespmem:$0x7400] =	vst v63  }
.Ltmp1:
0xa3: {  	_ =	swait.ge [sflag:s0], $0x800;
	(pc) =	sbr.rel @p0 .LBB2_4-.Ltmp1, $4  }
0xa4: {  	[sflag:s0] =	ssyncset.done $0x0  }
0xa5: {  	[sflag:s0] =	ssyncadd.s32 $0xFFFFF800  }
0xa6: {  	_ =	swait.ge [sflag:s1], $0x800  }
0xa7: {  	s8 =	smov.u32 s13;
	s6 =	sshra.s32 s12, $0x2;
	[sflag:s1] =	ssyncset.done $0x0  }
0xa8: {  	s8 =	sadd.s32 $0x1400, s6;
	[sflag:s1] =	ssyncadd.s32 $0xFFFFF800  }
0xa9: {  	[tilespmem:s25], [sflag:$0x1] =	stream.indirect.gather [hbm4b:s4+s28], $0x10, s8, s28, $0xb8;
	[tilespmem:$0x7400] =	vst v63  }
0xaa: {  	s10 =	sadd.s32 $0x1480, s6  }
0xab: {  	[tilespmem:s29], [sflag:$0x2] =	stream.indirect.gather [hbm4b:s4+s28], $0x10, s10, s28, $0xb8;
	[tilespmem:$0x7400] =	vst v63  }
0xac: {  	_ =	swait.ge [sflag:s30], $0x800  }
0xad: {  	[sflag:s30] =	ssyncset.done $0x0  }
0xae: {  	s12 =	sadd.s32 $0x2800, s6;
	[sflag:s30] =	ssyncadd.s32 $0xFFFFF800  }
0xaf: {  	[spmem:s2] =	stream.indirect.scatter.add.f32 [tilespmem:s25], [sflag:$0x3], $0x10, s12, s28, $0xb8;
	[tilespmem:$0x7400] =	vst v63  }
0xb0: {  	_ =	swait.ge [sflag:s31], $0x800  }
0xb1: {  	[sflag:s31] =	ssyncset.done $0x0  }
0xb2: {  	s13 =	sadd.s32 $0x2880, s6;
	[sflag:s31] =	ssyncadd.s32 $0xFFFFF800  }
0xb3: {  	[spmem:s2] =	stream.indirect.scatter.add.f32 [tilespmem:s29], [sflag:$0x4], $0x10, s13, s28, $0xb8;
	[tilespmem:$0x7400] =	vst v63  }
0xb4: {  	_ =	swait.ge [sflag:s0], $0x800  }
0xb5: {  	[sflag:s0] =	ssyncset.done $0x0  }
0xb6: {  	[sflag:s0] =	ssyncadd.s32 $0xFFFFF800  }
0xb7: {  	_ =	swait.ge [sflag:s1], $0x800  }
0xb8: {  	[sflag:s1] =	ssyncset.done $0x0  }
0xb9: {  	[sflag:s1] =	ssyncadd.s32 $0xFFFFF800  }
0xba: {  	[bflag:$0x0] =	sbarrier.arrive $0xFFFF  }
0xbb: {  	[tilespmem:s25], [sflag:$0x5] =	stream.linear.gather [spmem:s7], $0x800, $0x38;
	[tilespmem:$0x7400] =	vst v63  }
0xbc: {  	_ =	swait.ge [sflag:s24], $0x800  }
0xbd: {  	[sflag:s24] =	ssyncset.done $0x0  }
0xbe: {  	[sflag:s24] =	ssyncadd.s32 $0xFFFFF800  }
0xbf: {  	[hbm4b:s18+s3] =	stream.linear.scatter [tilespmem:s25], [sflag:$0x5], $0x800, $0x38;
	[tilespmem:$0x7400] =	vst v63  }
0xc0: {  	_ =	swait.ge [sflag:s24], $0x800  }
0xc1: {  	[sflag:s24] =	ssyncset.done $0x0  }
0xc2: {  	[sflag:s24] =	ssyncadd.s32 $0xFFFFF800  }
0xc3: {  	[tilespmem:s25], [sflag:$0x5] =	stream.linear.gather [spmem:s9], $0x800, $0x38;
	[tilespmem:$0x7400] =	vst v63  }
0xc4: {  	_ =	swait.ge [sflag:s24], $0x800  }
0xc5: {  	[sflag:s24] =	ssyncset.done $0x0  }
0xc6: {  	[sflag:s24] =	ssyncadd.s32 $0xFFFFF800  }
0xc7: {  	[hbm4b:s19+s3] =	stream.linear.scatter [tilespmem:s25], [sflag:$0x5], $0x800, $0x38;
	[tilespmem:$0x7400] =	vst v63  }
0xc8: {  	_ =	swait.ge [sflag:s24], $0x800  }
0xc9: {  	[sflag:s24] =	ssyncset.done $0x0  }
0xca: {  	[sflag:s24] =	ssyncadd.s32 $0xFFFFF800  }
0xcb: {  	[tilespmem:s25], [sflag:$0x5] =	stream.linear.gather [spmem:s11], $0x800, $0x38;
	[tilespmem:$0x7400] =	vst v63  }
0xcc: {  	_ =	swait.ge [sflag:s24], $0x800  }
0xcd: {  	[sflag:s24] =	ssyncset.done $0x0  }
0xce: {  	[sflag:s24] =	ssyncadd.s32 $0xFFFFF800  }
0xcf: {  	[hbm4b:s20+s3] =	stream.linear.scatter [tilespmem:s25], [sflag:$0x5], $0x800, $0x38;
	[tilespmem:$0x7400] =	vst v63  }
0xd0: {  	_ =	swait.ge [sflag:s24], $0x800  }
0xd1: {  	[sflag:s24] =	ssyncset.done $0x0  }
0xd2: {  	[sflag:s24] =	ssyncadd.s32 $0xFFFFF800  }
0xd3: {  	[tilespmem:s25], [sflag:$0x5] =	stream.linear.gather [spmem:s14], $0x800, $0x38;
	[tilespmem:$0x7400] =	vst v63  }
0xd4: {  	_ =	swait.ge [sflag:s24], $0x800  }
0xd5: {  	[sflag:s24] =	ssyncset.done $0x0  }
0xd6: {  	[sflag:s24] =	ssyncadd.s32 $0xFFFFF800  }
0xd7: {  	[hbm4b:s21+s3] =	stream.linear.scatter [tilespmem:s25], [sflag:$0x5], $0x800, $0x38;
	[tilespmem:$0x7400] =	vst v63  }
0xd8: {  	_ =	swait.ge [sflag:s24], $0x800  }
0xd9: {  	[sflag:s24] =	ssyncset.done $0x0  }
0xda: {  	[sflag:s24] =	ssyncadd.s32 $0xFFFFF800  }
0xdb: {  	[tilespmem:s25], [sflag:$0x5] =	stream.linear.gather [spmem:s16], $0x800, $0x38;
	[tilespmem:$0x7400] =	vst v63  }
0xdc: {  	s5 =	sadd.s32 $0x1, s5;
	_ =	swait.ge [sflag:s24], $0x800  }
0xdd: {  	p0 =	sne.s32 s5, s23;
	[sflag:s24] =	ssyncset.done $0x0  }
.Ltmp2:
0xde: {  	[sflag:s24] =	ssyncadd.s32 $0xFFFFF800;
	(pc) =	sbr.rel @p0 .LBB2_1-.Ltmp2, $4  }
0xdf: {  	[hbm4b:s22+s3] =	stream.linear.scatter [tilespmem:s25], [sflag:$0x5], $0x800, $0x38;
	[tilespmem:$0x7400] =	vst v63  }
0xe0: {  	_ =	swait.ge [sflag:s24], $0x800  }
0xe1: {  	[sflag:s24] =	ssyncset.done $0x0  }
0xe2: {  	[sflag:s24] =	ssyncadd.s32 $0xFFFFF800  }
0xe3: {  	_ =	sfence.sel $0x180000  }
0xe4: {  	[bflag:$0x0] =	sbarrier.arrive $0xFFFF  }
0xe5: {  	_ =	strace $0x9000004D  }
0xe6: {  	s0 =	stileid.u32;
	[bflag:$0x2] =	sbarrier.arrive $0xFFFF  }
0xe7: {  	p0 =	sne.s32 s0, $0x0;
	s0 =	rddreg [dreg:$0x2]  }
0xe8: {  	s0 =	sadd.s32 @!p0 $0x100000, s0  }
0xe9: {  	[sflag:s0] =	ssyncadd.tile.s32 @!p0 $0x1;
	_ =	shalt  }
.Lfunc_end2:
_tile_overlayer_lowered:
.L_overlay_start_2:
0xea: {  	(tag) =	ssettag $0x2  }
0xeb: {  	s0 =	rddreg [dreg:$0x0];
	s2 =	stileid.u32  }
0xec: {  	s1 =	rddreg [dreg:$0x1];
	p0 =	sne.s32 s2, $0x0  }
0xed: {  	s3 =	rddreg [dreg:$0x2];
	[bflag:$0x3] =	sbarrier.arrive $0xFFFF;
	s2 =	simm.s32 @!p0 $0x1C05  }
0xee: {  	[timem:s3], [sflag:s2] =	dma.local @!p0 [hbm:s0], s1  }
0xef: {  	s0 =	simm.s32 @!p0 $0x5  }
0xf0: {  	_ =	swait.ge @!p0 [sflag:s0], s1  }
0xf1: {  	s1 =	ssub.s32 @!p0 $0x0, s1;
	[sflag:s0] =	ssyncset.done @!p0 $0x0  }
0xf2: {  	[sflag:s0] =	ssyncadd.s32 @!p0 s1  }
0xf3: {  	[bflag:$0x3] =	sbarrier.arrive $0xFFFF  }
0xf4: {  	_ =	shalt  }

// kernel: kernel.9.cloned.1.call-start
scs
__scs_entry_jumppad:
0x0: {  	(pc) =	sbr.rel $0x88, $3  }
0x1: {  	(tag) =	ssettag $0x0;
	lr =	simm.s32 $0x1  }
0x2: {  	[smem:$0x3F9B] =	sst lr;
	_ =	strace $0xD0000000  }
0x3: {  	_ = 	snop  }
0x4: {  	_ = 	snop  }
0x5: {  	_ = 	snop  }
0x6: {  	_ = 	snop  }
0x7: {  	_ = 	snop  }
__scs_overlays_trampoline_lowered:
0x8: {  	[smem:$0x3FAA] =	sst s0  }
0x9: {  	[smem:$0x3FAB] =	sst s1  }
0xa: {  	[smem:$0x3FAC] =	sst s2  }
0xb: {  	[smem:$0x3FAD] =	sst s3  }
0xc: {  	[smem:$0x3FAE] =	sst s4  }
0xd: {  	[smem:$0x3FAF] =	sst s5  }
0xe: {  	[smem:$0x3FB0] =	sst s6  }
0xf: {  	[smem:$0x3FB1] =	sst s7  }
0x10: {  	[smem:$0x3FB2] =	sst s8  }
0x11: {  	[smem:$0x3FB3] =	sst s9;
	s0 =	simm.s32 @!p0 $0x0  }
0x12: {  	s1 =	sld [smem:$0x3F99];
	s0 =	simm.s32 @p0 $0x1  }
0x13: {  	[smem:$0x3FB4] =	sst s0;
	s0 =	simm.s32 @!p1 $0x0  }
0x14: {  	s2 =	sld [smem:$0x3F98];
	s0 =	simm.s32 @p1 $0x1  }
0x15: {  	[smem:$0x3FB5] =	sst s0;
	s0 =	simm.s32 @!p2 $0x0  }
0x16: {  	s3 =	sld [smem:$0x3FDB];
	s0 =	simm.s32 @p2 $0x1  }
0x17: {  	s4 =	simm.s32 $0x1BF5;
	[smem:$0x3FB7] =	sst s0  }
0x18: {  	s0 =	sld [smem:$0x3F9A];
	_ =	swait.ge [sflag:s4], $0x0  }
0x19: {  	s7 =	sld [smem:$0x3F9B]  }
0x1a: {  	s8 =	sadd.s32 $0xFFFFE003, lr  }
0x1b: {  	s9 =	sadd.s32 $0xFFFFFEF7, lr;
	s5 =	simm.s32 $0xFFFFFFFF;
	p2 =	slt.u32 s8, $0xFFFFF086  }
0x1c: {  	p1 =	slt.u32 s9, $0xF7A;
	s5 =	simm.s32 @!p2 $0x0  }
0x1d: {  	s5 =	simm.s32 @p1 $0x1;
	p0 =	seq.s32 s7, s2  }
0x1e: {  	s7 =	smul.u32 @!p0 $0xF7A, s2;
	p2 =	seq.s32 @!p0 s5, $0x0  }
0x1f: {  	s9 =	smul.u32 $0xF7A, s1;
	s8 =	simm.s32 @!p0 $0x1BF5;
	p2 =	por !p2, p0  }
0x20: {  	[sflag:s8] =	ssyncset.s32 @!p0 $0xFFFFF086;
	s6 =	sadd.s32 @!p0 s3, s7;
	s7 =	simm.s32 @!p0 $0x108  }
0x21: {  	s3 =	sadd.s32 s3, s9;
	s6 =	sadd.s32 @!p0 $0x88, s6;
	s7 =	simm.s32 @p2 $0x1082  }
0x22: {  	[simem:s7], [sflag:s8] =	dma.local @!p0 [hbm:s6], $0xF7A  }
0x23: {  	s9 =	sor.u32 $0xD0000000, s2;
	s6 =	simm.s32 $0x108;
	_ =	swait.ge @!p0 [sflag:s8], $0x0  }
0x24: {  	s3 =	sadd.s32 $0x88, s3;
	s6 =	simm.s32 @!p1 $0x1082;
	[sflag:s4] =	ssyncset.s32 $0xFFFFF086  }
0x25: {  	[simem:s6], [sflag:s4] =	dma.local [hbm:s3], $0xF7A  }
0x26: {  	[smem:$0x3F9B] =	sst s1;
	(tag) =	ssettag s2;
	_ =	strace s9  }
0x27: {  	s1 =	sld [smem:$0x3FAB]  }
0x28: {  	s2 =	sld [smem:$0x3FAC]  }
0x29: {  	s4 =	sld [smem:$0x3FAE]  }
0x2a: {  	p0 =	seq.s32 s5, $0x0;
	s5 =	sld [smem:$0x3FAF]  }
0x2b: {  	s6 =	sld [smem:$0x3FB0]  }
0x2c: {  	s7 =	sld [smem:$0x3FB1]  }
0x2d: {  	s3 =	simm.s32 $0x108;
	s8 =	sld [smem:$0x3FB2]  }
0x2e: {  	s3 =	simm.s32 @!p0 $0x1082;
	s9 =	sld [smem:$0x3FB3]  }
0x2f: {  	lr =	sadd.s32 s0, s3;
	s0 =	sld [smem:$0x3FAA]  }
0x30: {  	s3 =	sld [smem:$0x3FAD]  }
0x31: {  	[smem:$0x3FB6] =	sst s10  }
0x32: {  	s10 =	sld [smem:$0x3FB4];
	_ =	sdelay $0x3  }
0x33: {  	p0 =	seq.s32 s10, $0x1;
	s10 =	sld [smem:$0x3FB6];
	_ =	sdelay $0x3  }
0x34: {  	[smem:$0x3FB6] =	sst s10  }
0x35: {  	s10 =	sld [smem:$0x3FB5];
	_ =	sdelay $0x3  }
0x36: {  	p1 =	seq.s32 s10, $0x1;
	s10 =	sld [smem:$0x3FB6];
	_ =	sdelay $0x3  }
0x37: {  	[smem:$0x3FB6] =	sst s10  }
0x38: {  	s10 =	sld [smem:$0x3FB7]  }
0x39: {  	_ = 	snop;
	(pc) =	sbr.ind lr, $3  }
0x3a: {  	_ = 	snop  }
0x3b: {  	_ = 	snop  }
0x3c: {  	p2 =	seq.s32 s10, $0x1;
	s10 =	sld [smem:$0x3FB6]  }
0x3d: {  	_ =	shalt  }
0x3e: {  	_ =	shalt  }
0x3f: {  	_ =	shalt  }
0x40: {  	_ =	shalt  }
0x41: {  	_ =	shalt  }
0x42: {  	_ =	shalt  }
0x43: {  	_ =	shalt  }
0x44: {  	_ =	shalt  }
0x45: {  	_ =	shalt  }
0x46: {  	_ =	shalt  }
0x47: {  	_ =	shalt  }
0x48: {  	_ =	shalt  }
0x49: {  	_ =	shalt  }
0x4a: {  	_ =	shalt  }
0x4b: {  	_ =	shalt  }
0x4c: {  	_ =	shalt  }
0x4d: {  	_ =	shalt  }
0x4e: {  	_ =	shalt  }
0x4f: {  	_ =	shalt  }
0x50: {  	_ =	shalt  }
0x51: {  	_ =	shalt  }
0x52: {  	_ =	shalt  }
0x53: {  	_ =	shalt  }
0x54: {  	_ =	shalt  }
0x55: {  	_ =	shalt  }
0x56: {  	_ =	shalt  }
0x57: {  	_ =	shalt  }
0x58: {  	_ =	shalt  }
0x59: {  	_ =	shalt  }
0x5a: {  	_ =	shalt  }
0x5b: {  	_ =	shalt  }
0x5c: {  	_ =	shalt  }
0x5d: {  	_ =	shalt  }
0x5e: {  	_ =	shalt  }
0x5f: {  	_ =	shalt  }
0x60: {  	_ =	shalt  }
0x61: {  	_ =	shalt  }
0x62: {  	_ =	shalt  }
0x63: {  	_ =	shalt  }
0x64: {  	_ =	shalt  }
0x65: {  	_ =	shalt  }
0x66: {  	_ =	shalt  }
0x67: {  	_ =	shalt  }
0x68: {  	_ =	shalt  }
0x69: {  	_ =	shalt  }
0x6a: {  	_ =	shalt  }
0x6b: {  	_ =	shalt  }
0x6c: {  	_ =	shalt  }
0x6d: {  	_ =	shalt  }
0x6e: {  	_ =	shalt  }
0x6f: {  	_ =	shalt  }
0x70: {  	_ =	shalt  }
0x71: {  	_ =	shalt  }
0x72: {  	_ =	shalt  }
0x73: {  	_ =	shalt  }
0x74: {  	_ =	shalt  }
0x75: {  	_ =	shalt  }
0x76: {  	_ =	shalt  }
0x77: {  	_ =	shalt  }
0x78: {  	_ =	shalt  }
0x79: {  	_ =	shalt  }
0x7a: {  	_ =	shalt  }
0x7b: {  	_ =	shalt  }
0x7c: {  	_ =	shalt  }
0x7d: {  	_ =	shalt  }
0x7e: {  	_ =	shalt  }
0x7f: {  	_ =	shalt  }
0x80: {  	_ =	shalt  }
0x81: {  	_ =	shalt  }
0x82: {  	_ =	shalt  }
0x83: {  	_ =	shalt  }
0x84: {  	_ =	shalt  }
0x85: {  	_ =	shalt  }
0x86: {  	_ =	shalt  }
0x87: {  	_ =	shalt  }
.Lfunc_end0:
.L_simem_size_0:
called_computation_lowered:
.L_overlay_start_0:
0x88: {  	s2 =	sld [smem:$0x3FD9]  }
0x89: {  	s3 =	sld [smem:$0x3FFE];
	_ =	sdelay $0x1  }
0x8a: {  	s1 =	srdreg.scid  }
0x8b: {  	s0 =	sand.u32 $0x1, s1  }
0x8c: {  	s17 =	sshll.u32 s0, $0xA;
	s2 =	sadd.s32 s3, s2  }
0x8d: {  	s2 =	sadd.s32 s2, s17  }
0x8e: {  	[smem:$0x3FC2] =	sst s2  }
0x8f: {  	_ = 	snop  }
0x90: {  	s2 =	sld [smem:$0x3FD0];
	(tm) =	ssettm $0x1  }
0x91: {  	s18 =	sld [smem:$0x3FFB];
	_ =	sdelay $0x3  }
0x92: {  	_ =	strace s18  }
0x93: {  	s3 =	sld [smem:$0x3FFC];
	_ =	sdelay $0x3  }
0x94: {  	_ =	strace s3  }
0x95: {  	s3 =	sld [smem:$0x3FFD];
	_ =	sdelay $0x3  }
0x96: {  	_ =	strace s3  }
0x97: {  	_ =	strace $0x8FFFFFFF  }
0x98: {  	s19 =	sld [smem:$0x3FDB];
	_ =	sdelay $0x1  }
0x99: {  	s4 =	simm.s32 $_scs_section_size  }
0x9a: {  	s5 =	simm.s32 $_size__tile_overlayer_lowered;
	s6 =	simm.s32 $_tile_overlayer_lowered  }
0x9b: {  	s22 =	simm.s32 $0x1BFF;
	s21 =	sshll.u32 s6, $0x1;
	s3 =	sadd.s32 s4, s19  }
0x9c: {  	s7 =	simm.s32 $0x0;
	s20 =	sshll.u32 s5, $0x1;
	s5 =	sadd.s32 s21, s3  }
0x9d: {  	[timem:s7], [sflag:s22] =	dma.local [hbm:s5], s20  }
0x9e: {  	_ =	swait.ge [sflag:s22], s20  }
0x9f: {  	s4 =	ssub.s32 $0x0, s20;
	[sflag:s22] =	ssyncset.done $0x0  }
0xa0: {  	[sflag:s22] =	ssyncadd.s32 s4;
	_ =	sdelay $0x1  }
0xa1: {  	s23 =	simm.s32 $0x1B8B  }
0xa2: {  	_ =	swait.ge [sflag:s23], $0x1  }
0xa3: {  	[sflag:s23] =	ssyncset.done $0x0  }
0xa4: {  	s25 =	simm.s32 $0x1B8E;
	s24 =	sld [smem:$0x3FFE];
	[sflag:s23] =	ssyncadd.s32 $0xFFFFFFFF  }
0xa5: {  	s26 =	simm.s32 $execute0_lowered;
	[smem:$0x3FD2] =	sst s25  }
0xa6: {  	s5 =	sshll.u32 s26, $0x1;
	_ =	strace $0x80000046;
	[dreg:$0x1] =	wrdreg $0xFFFFFFFF  }
0xa7: {  	s28 =	simm.s32 $_size_execute0_lowered;
	s3 =	sadd.s32 s3, s5;
	[dreg:$0x0] =	wrdreg $0x0  }
0xa8: {  	s5 =	sshll.u32 s28, $0x1;
	[dreg:$0x2] =	wrdreg s3  }
0xa9: {  	[dreg:$0x3] =	wrdreg s5  }
0xaa: {  	[dreg:$0x4] =	wrdreg $0xC0  }
0xab: {  	_ =	task [dreg:s7], $0x5FFFF  }
0xac: {  	[dreg:$0x1] =	wrdreg $0xFFFFFFFF  }
0xad: {  	[dreg:$0x0] =	wrdreg $0x60  }
0xae: {  	[dreg:$0x2] =	wrdreg s24  }
0xaf: {  	[dreg:$0x3] =	wrdreg s2  }
0xb0: {  	[dreg:$0x4] =	wrdreg $0x2B000  }
0xb1: {  	[dreg:$0x5] =	wrdreg $0x9  }
0xb2: {  	_ =	task.clear_ibuf [dreg:s7], $0x6FFFF;
	_ =	strace $0x90000046  }
0xb3: {  	s29 =	simm.s32 $0x9;
	_ =	strace $0x80000048  }
0xb4: {  	_ =	swait.ge [sflag:s29], $0x1  }
0xb5: {  	[sflag:s29] =	ssyncadd.s32 $0xFFFFFFFF  }
0xb6: {  	_ =	strace $0x90000048  }
0xb7: {  	_ =	sfence  }
0xb8: {  	s30 =	sld [smem:$0x0];
	_ =	sdelay $0x2  }
0xb9: {  	s31 =	sshll.u32 s1, $0xD;
	s1 =	sshrl.u32 s1, $0x2  }
0xba: {  	s3 =	sand.u32 $0x4000, s31;
	s1 =	sadd.s32 s1, s30  }
0xbb: {  	s0 =	sor.u32 s3, s0;
	s1 =	sshll.u32 s1, $0x11  }
0xbc: {  	s0 =	sor.u32 s1, s0  }
0xbd: {  	s0 =	sadd.s32 $0x8F2B, s0  }
0xbe: {  	[sflag:s0] =	ssyncadd.remote.s32 $0x1  }
0xbf: {  	_ =	sfence.sel $0xFFFF  }
0xc0: {  	[dreg:$0x0] =	wrdreg $0xFFFFFFFF;
	(pc) =	sbr.abs _section_cstart, $3  }
0xc1: {  	[dreg:$0x1] =	wrdreg $0xFFFFFFFF  }
0xc2: {  	_ =	task.clear_ibuf [dreg:s7], $0x2FFFF;
	_ =	strace $0x9FFFFFFF  }
0xc3: {  	(tm) =	ssettm $0x7FFFFFFF  }
tec
execute0_lowered:
.L_overlay_start_1:
0x0: {  	(tag) =	ssettag $0x1  }
0x1: {  	s4 =	rddreg [dreg:$0x0]  }
0x2: {  	s5 =	rddreg [dreg:$0x1]  }
0x3: {  	s2 =	rddreg [dreg:$0x2];
	s3 =	srdreg.scid  }
0x4: {  	s0 =	rddreg [dreg:$0x3];
	s1 =	stileid.u32;
	s11 =	simm.s32 $0x80  }
0x5: {  	s12 =	simm.s32 $0x2800;
	s13 =	simm.s32 $0x1;
	s14 =	simm.s32 $0x2  }
0x6: {  	s15 =	simm.s32 $0x100;
	s16 =	simm.s32 $0x0;
	s8 =	smul.u32 $0x500, s1  }
0x7: {  	s6 =	sand.u32 $0x1, s3;
	s3 =	simm.s32 $0x0;
	s29 =	smul.u32 $0x280, s1  }
0x8: {  	s7 =	sshll.u32 s6, $0x4;
	[smem:$0x7FF] =	sst s3;
	s9 =	sshll.u32 s6, $0x7  }
0x9: {  	s6 =	ssub.s32 $0x2, s6;
	s7 =	sor.u32 s1, s7;
	_ =	strace $0x80000047  }
0xa: {  	s8 =	sor.u32 s9, s8;
	s30 =	sshrl.u32 s6, $0x1;
	s7 =	smul.u32 $0x500, s7  }
0xb: {  	s31 =	sshrl.u32 s29, $0x3;
	s9 =	simm.s32 $0x3;
	s8 =	sshrl.u32 s8, $0x3  }
0xc: {  	s10 =	ssub.s32 s6, s30;
	s5 =	sadd.s32 s5, s31;
	s7 =	sadd.s32 s7, s4  }
0xd: {  	s6 =	sadd.s32 s29, s2;
	s8 =	sadd.s32 s8, s4;
	s4 =	sadd.s32 $0xBC00, s7  }
0xe: {  	v0 =	vimm.f32 $1.000000000e+00;
	s7 =	sadd.s32 $0x15C00, s8;
	s8 =	smax.u32 s10, $0x1;
	s10 =	simm.s32 $0x2880  }
.LBB2_1:
0xf: {  	[tilespmem:s3], [sflag:$0x3] =	stream.linear.gather [hbm4b:s4+s3], $0x2800, $0x38;
	[tilespmem:$0x2D80] =	vst v63  }
0x10: {  	_ =	swait.ge [sflag:s9], $0x2800  }
0x11: {  	[sflag:s9] =	ssyncset.done $0x0  }
0x12: {  	[sflag:s9] =	ssyncadd.s32 $0xFFFFD800  }
0x13: {  	[tilespmem:$0x2800] =	vst v0  }
0x14: {  	[tilespmem:$0x2810] =	vst v0  }
0x15: {  	[tilespmem:$0x2820] =	vst v0  }
0x16: {  	[tilespmem:$0x2830] =	vst v0  }
0x17: {  	[tilespmem:$0x2840] =	vst v0  }
0x18: {  	[tilespmem:$0x2850] =	vst v0  }
0x19: {  	[tilespmem:$0x2860] =	vst v0  }
0x1a: {  	[tilespmem:$0x2870] =	vst v0  }
0x1b: {  	[tilespmem:s10], [sflag:$0x3] =	stream.linear.gather [hbm4b:s5+s3], $0x280, $0x38;
	[tilespmem:$0x2D80] =	vst v63  }
0x1c: {  	_ =	swait.ge [sflag:s9], $0x280  }
0x1d: {  	[sflag:s9] =	ssyncset.done $0x0  }
0x1e: {  	[sflag:s9] =	ssyncadd.s32 $0xFFFFFD80  }
0x1f: {  	[spmem:s6] =	stream.linear.scatter [tilespmem:s10], [sflag:$0x3], $0x280, $0x38;
	[tilespmem:$0x2D80] =	vst v63  }
0x20: {  	_ =	swait.ge [sflag:s9], $0x280  }
0x21: {  	[sflag:s9] =	ssyncset.done $0x0  }
0x22: {  	[sflag:s9] =	ssyncadd.s32 $0xFFFFFD80  }
0x23: {  	s17 =	simm.s32 $0x0;
	[bflag:$0x0] =	sbarrier.arrive $0xFFFF  }
0x24: {  	[spmem:s2] =	stream.indirect.scatter.add.f32 [tilespmem:s12], [sflag:$0x1], $0x1, s17, s11, $0xb8;
	[tilespmem:$0x2D80] =	vst v63  }
0x25: {  	s31 =	simm.s32 $0x80  }
0x26: {  	[spmem:s2] =	stream.indirect.scatter.add.f32 [tilespmem:s12], [sflag:$0x2], $0x1, s31, s11, $0xb8;
	[tilespmem:$0x2D80] =	vst v63  }
0x27: {  	_ =	swait.ge [sflag:s13], $0x80  }
0x28: {  	[sflag:s13] =	ssyncset.done $0x0  }
0x29: {  	[sflag:s13] =	ssyncadd.s32 $0xFFFFFF80  }
0x2a: {  	_ =	swait.ge [sflag:s14], $0x80  }
0x2b: {  	s18 =	simm.s32 $0x800;
	s17 =	simm.s32 $0x400;
	[sflag:s14] =	ssyncset.done $0x0  }
.LBB2_2:
0x2c: {  	s19 =	sshra.s32 s17, $0x2  }
0x2d: {  	[sflag:s14] =	ssyncadd.s32 $0xFFFFFF80;
	s17 =	smov.u32 s18;
	s20 =	sadd.s32 $0x400, s18  }
0x2e: {  	[spmem:s2] =	stream.indirect.scatter.add.f32 [tilespmem:s12], [sflag:$0x1], $0x1, s19, s11, $0xb8;
	[tilespmem:$0x2D80] =	vst v63  }
0x2f: {  	p0 =	sne.s32 s18, $0x9C00;
	s18 =	sadd.s32 $0x80, s19  }
0x30: {  	[spmem:s2] =	stream.indirect.scatter.add.f32 [tilespmem:s12], [sflag:$0x2], $0x1, s18, s11, $0xb8;
	[tilespmem:$0x2D80] =	vst v63  }
.Ltmp0:
0x31: {  	_ =	swait.ge [sflag:s13], $0x80;
	(pc) =	sbr.rel @p0 .LBB2_2-.Ltmp0, $4  }
0x32: {  	[sflag:s13] =	ssyncset.done $0x0  }
0x33: {  	[sflag:s13] =	ssyncadd.s32 $0xFFFFFF80  }
0x34: {  	_ =	swait.ge [sflag:s14], $0x80  }
0x35: {  	s18 =	smov.u32 s20;
	[sflag:s14] =	ssyncset.done $0x0  }
0x36: {  	s17 =	sshra.s32 s17, $0x2;
	[sflag:s14] =	ssyncadd.s32 $0xFFFFFF80  }
0x37: {  	[spmem:s2] =	stream.indirect.scatter.add.f32 [tilespmem:s12], [sflag:$0x1], $0x1, s17, s11, $0xb8;
	[tilespmem:$0x2D80] =	vst v63  }
0x38: {  	s17 =	sadd.s32 $0x80, s17  }
0x39: {  	[spmem:s2] =	stream.indirect.scatter.add.f32 [tilespmem:s12], [sflag:$0x2], $0x1, s17, s11, $0xb8;
	[tilespmem:$0x2D80] =	vst v63  }
0x3a: {  	_ =	swait.ge [sflag:s13], $0x80  }
0x3b: {  	[sflag:s13] =	ssyncset.done $0x0  }
0x3c: {  	[sflag:s13] =	ssyncadd.s32 $0xFFFFFF80  }
0x3d: {  	_ =	swait.ge [sflag:s14], $0x80  }
0x3e: {  	[sflag:s14] =	ssyncset.done $0x0  }
0x3f: {  	[sflag:s14] =	ssyncadd.s32 $0xFFFFFF80  }
0x40: {  	[bflag:$0x0] =	sbarrier.arrive $0xFFFF  }
0x41: {  	[tilespmem:s10], [sflag:$0x3] =	stream.linear.gather [spmem:s6], $0x280, $0x38;
	[tilespmem:$0x2D80] =	vst v63  }
0x42: {  	s16 =	sadd.s32 $0x1, s16;
	_ =	swait.ge [sflag:s9], $0x280  }
0x43: {  	p0 =	sne.s32 s16, s8;
	[sflag:s9] =	ssyncset.done $0x0  }
.Ltmp1:
0x44: {  	[sflag:s9] =	ssyncadd.s32 $0xFFFFFD80;
	(pc) =	sbr.rel @p0 .LBB2_1-.Ltmp1, $4  }
0x45: {  	[hbm4b:s7+s11] =	stream.strided.scatter [tilespmem:s10], [sflag:$0x3], $0x280, s15, s11, $0x38;
	[tilespmem:$0x2D80] =	vst v63  }
0x46: {  	_ =	swait.ge [sflag:s9], $0x280  }
0x47: {  	[sflag:s9] =	ssyncset.done $0x0  }
0x48: {  	[sflag:s9] =	ssyncadd.s32 $0xFFFFFD80  }
0x49: {  	_ =	sfence.sel $0x180000  }
0x4a: {  	[bflag:$0x0] =	sbarrier.arrive $0xFFFF  }
0x4b: {  	p0 =	sne.s32 s1, $0x0;
	_ =	strace $0x90000047  }
0x4c: {  	s0 =	sadd.s32 @!p0 $0x100000, s0;
	[bflag:$0x2] =	sbarrier.arrive $0xFFFF  }
0x4d: {  	[sflag:s0] =	ssyncadd.tile.s32 @!p0 $0x1;
	_ =	shalt  }
.Lfunc_end2:
_tile_overlayer_lowered:
.L_overlay_start_2:
0x4e: {  	(tag) =	ssettag $0x2  }
0x4f: {  	s0 =	rddreg [dreg:$0x0];
	s2 =	stileid.u32  }
0x50: {  	s1 =	rddreg [dreg:$0x1];
	p0 =	sne.s32 s2, $0x0  }
0x51: {  	s3 =	rddreg [dreg:$0x2];
	[bflag:$0x3] =	sbarrier.arrive $0xFFFF;
	s2 =	simm.s32 @!p0 $0x1C03  }
0x52: {  	[timem:s3], [sflag:s2] =	dma.local @!p0 [hbm:s0], s1  }
0x53: {  	s0 =	simm.s32 @!p0 $0x3  }
0x54: {  	_ =	swait.ge @!p0 [sflag:s0], s1  }
0x55: {  	s1 =	ssub.s32 @!p0 $0x0, s1;
	[sflag:s0] =	ssyncset.done @!p0 $0x0  }
0x56: {  	[sflag:s0] =	ssyncadd.s32 @!p0 s1  }
0x57: {  	[bflag:$0x3] =	sbarrier.arrive $0xFFFF  }
0x58: {  	_ =	shalt  }

</sc_bundles>
